<compile_context>
chip_gen: v7x
topology: tpu7x:2x2x1
jax: 0.10.2.dev20260603
libtpu: 0.0.44.dev20260713+nightly
codegen_flags: <defaults>
</compile_context>

<pallas_src>
import functools

import jax
import jax.numpy as jnp
from jax import lax
from jax.experimental import pallas as pl
from jax.experimental.pallas import tpu as pltpu
from jax.experimental.pallas import tpu_sc as plsc

N_NODES = 10000
F_IN = 128
D = 32
NC = 2
NS = 16
NW = NC * NS
CHUNK = 128
KG = 4
ROWS_PER_TILE = 632
SROWS = N_NODES // NS
N_PAD = NS * ROWS_PER_TILE
BLK = 2000


def _make_sc_segsum(cw: int, extra: int, do_deg: bool):
    mesh = plsc.VectorSubcoreMesh(
        core_axis_name="c", subcore_axis_name="s",
        num_cores=NC, num_subcores=NS)

    kg = max(k for k in (4, 3, 2, 1) if cw % k == 0)
    ngroups = cw // kg
    out_type = [jax.ShapeDtypeStruct((NC, N_PAD, D), jnp.float32)]
    scratch = [
        pltpu.VMEM((cw + 1, CHUNK), jnp.int32),
        pltpu.VMEM((cw + 1, CHUNK), jnp.int32),
        pltpu.VMEM((2, kg, CHUNK, D), jnp.float32),
        pltpu.VMEM((ROWS_PER_TILE, D), jnp.float32),
        pltpu.VMEM_SHARED((N_PAD, D), jnp.float32),
        pltpu.VMEM_SHARED((N_NODES, D), jnp.float32),
        pltpu.SemaphoreType.DMA,
        pltpu.SemaphoreType.DMA,
    ]
    if do_deg:
        out_type.append(jax.ShapeDtypeStruct((NC, N_PAD), jnp.float32))
        scratch += [
            pltpu.VMEM((CHUNK,), jnp.float32),
            pltpu.VMEM((640,), jnp.float32),
            pltpu.VMEM_SHARED((N_PAD,), jnp.float32),
            pltpu.SemaphoreType.DMA,
        ]

    def body(y_hbm, edges3, *rest):
        if do_deg:
            (acc_out, deg_out, idx_s, idx_d, gbufs, vbuf, acc_sh, y_sh,
             gsem, ssem, ones_v, dbuf, deg_sh, dsem) = rest
        else:
            (acc_out, idx_s, idx_d, gbufs, vbuf, acc_sh, y_sh,
             gsem, ssem) = rest
        c = lax.axis_index("c")
        s = lax.axis_index("s")
        wid = s * NC + c
        row0 = s * ROWS_PER_TILE
        zrow = jnp.zeros((16,), jnp.float32)

        base = wid * cw + jnp.minimum(wid, extra)
        pltpu.sync_copy(edges3.at[0, pl.ds(base, cw)],
                        idx_s.at[pl.ds(0, cw)])
        pltpu.sync_copy(edges3.at[1, pl.ds(base, cw)],
                        idx_d.at[pl.ds(0, cw)])
        if extra:
            @pl.when(wid < extra)
            def _stage_extra():
                pltpu.sync_copy(edges3.at[0, pl.ds(base + cw, 1)],
                                idx_s.at[pl.ds(cw, 1)])
                pltpu.sync_copy(edges3.at[1, pl.ds(base + cw, 1)],
                                idx_d.at[pl.ds(cw, 1)])

        def fire_gathers(g, p):
            for b in range(kg):
                pltpu.async_copy(y_sh.at[idx_s.at[g * kg + b]],
                                 gbufs.at[p, b], gsem)

        srow = s * SROWS
        pltpu.sync_copy(y_hbm.at[pl.ds(srow, SROWS)],
                        vbuf.at[pl.ds(0, SROWS)])
        pltpu.sync_copy(vbuf.at[pl.ds(0, SROWS)],
                        y_sh.at[pl.ds(srow, SROWS)])
        def _zrow(r, carry):
            vbuf[r, pl.ds(0, 16)] = zrow
            vbuf[r, pl.ds(16, 16)] = zrow
            return carry
        lax.fori_loop(0, ROWS_PER_TILE, _zrow, 0)
        pltpu.sync_copy(vbuf, acc_sh.at[pl.ds(row0, ROWS_PER_TILE)])
        if do_deg:
            def _zdeg(r, carry):
                dbuf[pl.ds(r * 16, 16)] = zrow
                return carry
            lax.fori_loop(0, 40, _zdeg, 0)
            pltpu.sync_copy(dbuf.at[pl.ds(0, ROWS_PER_TILE)],
                            deg_sh.at[pl.ds(row0, ROWS_PER_TILE)])
            for i in range(CHUNK // 16):
                ones_v[pl.ds(i * 16, 16)] = jnp.ones((16,), jnp.float32)
        plsc.subcore_barrier()

        def wait_gathers(g, p):
            for b in range(kg):
                pltpu.make_async_copy(y_sh.at[idx_s.at[g * kg + b]],
                                      gbufs.at[p, b], gsem).wait()

        def fire_scats(g, p):
            for b in range(kg):
                pltpu.async_copy(gbufs.at[p, b],
                                 acc_sh.at[idx_d.at[g * kg + b]],
                                 ssem, add=True)
                if do_deg:
                    pltpu.async_copy(ones_v,
                                     deg_sh.at[idx_d.at[g * kg + b]],
                                     dsem, add=True)

        def wait_scats(g, p):
            for b in range(kg):
                pltpu.make_async_copy(gbufs.at[p, b],
                                      acc_sh.at[idx_d.at[g * kg + b]],
                                      ssem).wait()
                if do_deg:
                    pltpu.make_async_copy(ones_v,
                                          deg_sh.at[idx_d.at[g * kg + b]],
                                          dsem).wait()

        fire_gathers(0, 0)

        def step(g, carry):
            fire_gathers(g + 1, lax.rem(g + 1, 2))
            wait_gathers(g, lax.rem(g, 2))
            fire_scats(g, lax.rem(g, 2))
            wait_scats(g, lax.rem(g, 2))
            return carry

        lax.fori_loop(0, ngroups - 1, step, 0)
        gl = ngroups - 1
        wait_gathers(gl, gl % 2)
        fire_scats(gl, gl % 2)
        wait_scats(gl, gl % 2)
        if extra:
            @pl.when(wid < extra)
            def _extra_chunk():
                pltpu.async_copy(y_sh.at[idx_s.at[cw]],
                                 gbufs.at[0, 0], gsem).wait()
                pltpu.sync_copy(gbufs.at[0, 0], acc_sh.at[idx_d.at[cw]],
                                add=True)
                if do_deg:
                    pltpu.sync_copy(ones_v, deg_sh.at[idx_d.at[cw]],
                                    add=True)
        plsc.subcore_barrier()

        pltpu.sync_copy(acc_sh.at[pl.ds(row0, ROWS_PER_TILE)], vbuf)
        pltpu.sync_copy(vbuf, acc_out.at[c, pl.ds(row0, ROWS_PER_TILE)])
        if do_deg:
            pltpu.sync_copy(deg_sh.at[pl.ds(row0, ROWS_PER_TILE)],
                            dbuf.at[pl.ds(0, ROWS_PER_TILE)])
            pltpu.sync_copy(dbuf.at[pl.ds(0, ROWS_PER_TILE)],
                            deg_out.at[c, pl.ds(row0, ROWS_PER_TILE)])

    return pl.kernel(body, out_type=tuple(out_type), mesh=mesh,
                     scratch_types=scratch,
                     compiler_params=pltpu.CompilerParams(
                         use_tc_tiling_on_sc=False))


def _proj_body(x_ref, w_ref, o_ref):
    o_ref[...] = jnp.dot(x_ref[...], w_ref[...],
                         preferred_element_type=jnp.float32)


def _mid_body(acc, d0, d1, b1, w2, o_ref):
    a = acc[...]
    deg = jnp.clip(d0[...] + d1[...], 1.0, None)
    h = jnp.maximum((a[0] + a[1]) / deg + b1[...], 0.0)
    o_ref[...] = jnp.dot(h, w2[...], preferred_element_type=jnp.float32)


def _tail_body(acc, d0, d1, b2, ws1, bs1, a2, ws3, bs3, a4,
               wf1, bf1, wf2, bf2, wout, bout, o_ref):
    a = acc[...]
    deg = jnp.clip(d0[...] + d1[...], 1.0, None)
    s = jnp.maximum((a[0] + a[1]) / deg + b2[...], 0.0)
    s = a2[0, 0] * jnp.maximum(
        jnp.dot(s, ws1[...], preferred_element_type=jnp.float32) + bs1[...], 0.0)
    s = a4[0, 0] * jnp.maximum(
        jnp.dot(s, ws3[...], preferred_element_type=jnp.float32) + bs3[...], 0.0)
    s = jnp.maximum(
        jnp.dot(s, wf1[...], preferred_element_type=jnp.float32) + bf1[...], 0.0)
    s = jnp.maximum(
        jnp.dot(s, wf2[...], preferred_element_type=jnp.float32) + bf2[...], 0.0)
    o_ref[...] = jnp.dot(s, wout[...],
                         preferred_element_type=jnp.float32) + bout[...]


def kernel(x, edge_index, W1, b1, W2, b2, Ws1, bs1, alpha2, Ws3, bs3,
           alpha4, Wf1, bf1, Wf2, bf2, Wout, bout):
    n = x.shape[0]
    e = edge_index.shape[1]
    grid = n // BLK

    if e % CHUNK:
        pad = CHUNK - e % CHUNK
        edge_index = jnp.concatenate(
            [edge_index,
             jnp.stack([jnp.zeros((pad,), jnp.int32),
                        jnp.full((pad,), n, jnp.int32)])], axis=1)
    tchunks = edge_index.shape[1] // CHUNK
    cw = tchunks // NW
    extra = tchunks - cw * NW
    edges3 = edge_index.reshape(2, tchunks, CHUNK)

    y1 = pl.pallas_call(
        _proj_body,
        grid=(grid,),
        in_specs=[pl.BlockSpec((BLK, F_IN), lambda i: (i, 0)),
                  pl.BlockSpec((F_IN, D), lambda i: (0, 0))],
        out_specs=pl.BlockSpec((BLK, D), lambda i: (i, 0)),
        out_shape=jax.ShapeDtypeStruct((n, D), jnp.float32))(x, W1)

    seg1 = _make_sc_segsum(cw, extra, True)
    acc1, degp = seg1(y1, edges3)
    d0, d1 = degp[0, :n, None], degp[1, :n, None]

    acc_spec = pl.BlockSpec((NC, BLK, D), lambda i: (0, i, 0))
    row_spec = pl.BlockSpec((BLK, D), lambda i: (i, 0))
    deg_spec = pl.BlockSpec((BLK, 1), lambda i: (i, 0))
    w_spec = pl.BlockSpec((D, D), lambda i: (0, 0))
    b_spec = pl.BlockSpec((1, D), lambda i: (0, 0))
    a_spec = pl.BlockSpec((1, 1), lambda i: (0, 0))

    y2 = pl.pallas_call(
        _mid_body,
        grid=(grid,),
        in_specs=[acc_spec, deg_spec, deg_spec, b_spec, w_spec],
        out_specs=row_spec,
        out_shape=jax.ShapeDtypeStruct((n, D), jnp.float32))(
            acc1, d0, d1, b1[None, :], W2)

    seg2 = _make_sc_segsum(cw, extra, False)
    (acc2,) = seg2(y2, edges3)

    c = Wout.shape[1]
    out = pl.pallas_call(
        _tail_body,
        grid=(grid,),
        in_specs=[acc_spec, deg_spec, deg_spec, b_spec,
                  w_spec, b_spec, a_spec, w_spec, b_spec, a_spec,
                  w_spec, b_spec, w_spec, b_spec,
                  pl.BlockSpec((D, c), lambda i: (0, 0)),
                  pl.BlockSpec((1, c), lambda i: (0, 0))],
        out_specs=pl.BlockSpec((BLK, c), lambda i: (i, 0)),
        out_shape=jax.ShapeDtypeStruct((n, c), jnp.float32))(
            acc2, d0, d1, b2[None, :], Ws1, bs1[None, :],
            alpha2[:, None], Ws3, bs3[None, :], alpha4[:, None],
            Wf1, bf1[None, :], Wf2, bf2[None, :], Wout, bout[None, :])
    return out

# --- scband reference (transcript-rebuilt; emitter-appended) ---
"""Pipeline reference for scband-unimlp-e2-e-72198400246097 (READ-ONLY COPY).

The authoritative reference and input builder live on the scoring server;
editing this copy changes nothing except your own understanding.
"""

import jax, jax.numpy as jnp
import numpy as np

N = 10000
E = 320000
F_IN = 128
D = 32
C = 2


def setup_inputs(seed: int = 0):
    key = jax.random.key(seed)
    ks = jax.random.split(key, 12)
    x = jax.random.normal(ks[0], (N, F_IN), dtype=jnp.float32)
    edge_index = jax.random.randint(ks[1], (2, E), 0, N, dtype=jnp.int32)

    def lin(k, fi, fo):
        return jax.random.normal(k, (fi, fo), dtype=jnp.float32) * (1.0 / np.sqrt(fi))

    return {
        "x": x,
        "edge_index": edge_index,
        "W1": lin(ks[2], F_IN, D), "b1": jnp.zeros((D,), jnp.float32),
        "W2": lin(ks[3], D, D), "b2": jnp.zeros((D,), jnp.float32),
        "Ws1": lin(ks[4], D, D), "bs1": jnp.zeros((D,), jnp.float32),
        "alpha2": jnp.ones((1,), jnp.float32),
        "Ws3": lin(ks[5], D, D), "bs3": jnp.zeros((D,), jnp.float32),
        "alpha4": jnp.ones((1,), jnp.float32),
        "Wf1": lin(ks[6], D, D), "bf1": jnp.zeros((D,), jnp.float32),
        "Wf2": lin(ks[7], D, D), "bf2": jnp.zeros((D,), jnp.float32),
        "Wout": lin(ks[8], D, C), "bout": jnp.zeros((C,), jnp.float32),
    }


def _gcn_layer(h, src, dst, W, b):
    # mean-aggregation GCN layer: gather messages from src, scatter-add to dst,
    # normalize by in-degree, then linear + ReLU
    msg = jnp.take(h, src, axis=0)
    agg = jnp.zeros((N, h.shape[1]), h.dtype).at[dst].add(msg)
    deg = jnp.zeros((N,), h.dtype).at[dst].add(1.0)
    agg = agg / jnp.clip(deg, 1.0, None)[:, None]
    return jax.nn.relu(agg @ W + b)


def _forward(x, edge_index, W1, b1, W2, b2, Ws1, bs1, alpha2, Ws3, bs3, alpha4, Wf1, bf1, Wf2, bf2, Wout, bout):
    src = edge_index[0]
    dst = edge_index[1]
    # GCNTemporalFusion backbone (n_layers_gcn=2); single timestep so temporal
    # attention fusion is the identity over T=1
    h = _gcn_layer(x, src, dst, W1, b1)
    h = _gcn_layer(h, src, dst, W2, b2)
    # stitch block 1: state = alpha_nn * layer1['n'](state)
    s = alpha2 * jax.nn.relu(h @ Ws1 + bs1)
    # stitch block 2: state = alpha_nn * layer3['n'](state)
    s = alpha4 * jax.nn.relu(s @ Ws3 + bs3)
    # layer56: dropout(identity at p=0) + 2x (Linear+ReLU) + final Linear to classes
    s = jax.nn.relu(s @ Wf1 + bf1)
    s = jax.nn.relu(s @ Wf2 + bf2)
    return s @ Wout + bout


def reference(x, edge_index, W1, b1, W2, b2, Ws1, bs1, alpha2, Ws3, bs3, alpha4, Wf1, bf1, Wf2, bf2, Wout, bout):
    return _forward(x, edge_index, W1, b1, W2, b2, Ws1, bs1, alpha2, Ws3, bs3, alpha4, Wf1, bf1, Wf2, bf2, Wout, bout)

if __name__ == "__main__":
    import jax
    _d = setup_inputs()
    print(jax.jit(kernel)(*tuple(_d.values())))

</pallas_src>

<mosaic_0001>
#map = affine_map<(d0, d1) -> (0, 0)>
#map1 = affine_map<(d0, d1) -> (0, 0, 0)>
module attributes {stable_mosaic.version = 14 : i64} {
  func.func @body(%arg0: i32, %arg1: i32, %arg2: memref<10000x32xf32, #tpu.memory_space<hbm>>, %arg3: memref<2x2500x128xi32, #tpu.memory_space<hbm>>, %arg4: memref<2x10112x32xf32, #tpu.memory_space<hbm>>, %arg5: memref<79x128xi32, #tpu.memory_space<vmem>>, %arg6: memref<79x128xi32, #tpu.memory_space<vmem>>, %arg7: memref<2x3x128x32xf32, #tpu.memory_space<vmem>>, %arg8: memref<632x32xf32, #tpu.memory_space<vmem>>, %arg9: memref<10112x32xf32, #tpu.memory_space<vmem_shared>>, %arg10: memref<10000x32xf32, #tpu.memory_space<vmem_shared>>, %arg11: memref<!tpu.dma_semaphore, #tpu.memory_space<semaphore_mem>>, %arg12: memref<!tpu.dma_semaphore, #tpu.memory_space<semaphore_mem>>) attributes {dimension_semantics = [#tpu.dimension_semantics<core_parallel>, #tpu.dimension_semantics<subcore_parallel>], iteration_bounds = array<i64: 2, 16>, scalar_prefetch = 0 : i64, scratch_operands = 8 : i64, tpu.core_type = #tpu.core_type<sc_vector_subcore>, window_params = [{transform_indices = #map}, {transform_indices = #map1}, {transform_indices = #map1}]} {
    %mul3A = arith.constant 2 : i32
    %mul3A_0 = arith.muli %arg1, %mul3A : i32
    %add3A = arith.addi %mul3A_0, %arg0 : i32
    %mul3A_1 = arith.constant 632 : i32
    %mul3A_2 = arith.muli %arg1, %mul3A_1 : i32
    %broadcast_in_dim3A = arith.constant 0.000000e+00 : f32
    %broadcast_in_dim3A_3 = vector.broadcast %broadcast_in_dim3A : f32 to vector<16xf32>
    %mul3A_4 = arith.constant 78 : i32
    %mul3A_5 = arith.muli %add3A, %mul3A_4 : i32
    %min3A = arith.constant 4 : i32
    %min3A_6 = arith.minsi %add3A, %min3A : i32
    %add3A_7 = arith.addi %mul3A_5, %min3A_6 : i32
    %run_scoped3A = arith.constant 0 : i32
    "tpu.region"() ({
      %run_scoped3A_184 = tpu.sem_alloc : memref<!tpu.dma_semaphore, #tpu.memory_space<semaphore_mem>>
      %dma_start3A_185 = arith.constant 0 : i32
      %dma_start3A_186 = arith.constant 0 : i32
      %dma_start3A_187 = tpu.memref_slice %arg5[%dma_start3A_185, %dma_start3A_186] : memref<79x128xi32, #tpu.memory_space<vmem>> -> memref<78x128xi32, #tpu.memory_space<vmem>>
      %dma_start3A_188 = arith.constant 0 : i32
      %dma_start3A_189 = tpu.memref_slice %arg3[%run_scoped3A, %add3A_7, %dma_start3A_188] : memref<2x2500x128xi32, #tpu.memory_space<hbm>> -> memref<1x78x128xi32, #tpu.memory_space<hbm>>
      %dma_start3A_190 = tpu.memref_squeeze %dma_start3A_189 : memref<1x78x128xi32, #tpu.memory_space<hbm>> -> memref<78x128xi32, #tpu.memory_space<hbm>>
      %dma_start3A_191 = arith.constant 0 : i32
      %dma_start3A_192 = arith.constant 0 : i32
      %dma_start3A_193 = tpu.memref_slice %arg5[%dma_start3A_191, %dma_start3A_192] : memref<79x128xi32, #tpu.memory_space<vmem>> -> memref<78x128xi32, #tpu.memory_space<vmem>>
      %dma_start3A_194 = arith.constant 0 : i32
      %dma_start3A_195 = tpu.memref_slice %arg3[%run_scoped3A, %add3A_7, %dma_start3A_194] : memref<2x2500x128xi32, #tpu.memory_space<hbm>> -> memref<1x78x128xi32, #tpu.memory_space<hbm>>
      %dma_start3A_196 = tpu.memref_squeeze %dma_start3A_195 : memref<1x78x128xi32, #tpu.memory_space<hbm>> -> memref<78x128xi32, #tpu.memory_space<hbm>>
      tpu.enqueue_dma source(%dma_start3A_196 : memref<78x128xi32, #tpu.memory_space<hbm>>) target(%dma_start3A_193 : memref<78x128xi32, #tpu.memory_space<vmem>>) target_semaphore(%run_scoped3A_184 : memref<!tpu.dma_semaphore, #tpu.memory_space<semaphore_mem>>)
      %dma_wait3A_197 = arith.constant 0 : i32
      %dma_wait3A_198 = arith.constant 0 : i32
      %dma_wait3A_199 = tpu.memref_slice %arg5[%dma_wait3A_197, %dma_wait3A_198] : memref<79x128xi32, #tpu.memory_space<vmem>> -> memref<78x128xi32, #tpu.memory_space<vmem>>
      %dma_wait3A_200 = arith.constant 0 : i32
      %dma_wait3A_201 = tpu.memref_slice %arg3[%run_scoped3A, %add3A_7, %dma_wait3A_200] : memref<2x2500x128xi32, #tpu.memory_space<hbm>> -> memref<1x78x128xi32, #tpu.memory_space<hbm>>
      %dma_wait3A_202 = tpu.memref_squeeze %dma_wait3A_201 : memref<1x78x128xi32, #tpu.memory_space<hbm>> -> memref<78x128xi32, #tpu.memory_space<hbm>>
      %dma_wait3A_203 = arith.constant 0 : i32
      %dma_wait3A_204 = arith.constant 0 : i32
      %dma_wait3A_205 = tpu.memref_slice %arg5[%dma_wait3A_203, %dma_wait3A_204] : memref<79x128xi32, #tpu.memory_space<vmem>> -> memref<78x128xi32, #tpu.memory_space<vmem>>
      %dma_wait3A_206 = arith.constant 0 : i32
      %dma_wait3A_207 = tpu.memref_slice %arg3[%run_scoped3A, %add3A_7, %dma_wait3A_206] : memref<2x2500x128xi32, #tpu.memory_space<hbm>> -> memref<1x78x128xi32, #tpu.memory_space<hbm>>
      %dma_wait3A_208 = tpu.memref_squeeze %dma_wait3A_207 : memref<1x78x128xi32, #tpu.memory_space<hbm>> -> memref<78x128xi32, #tpu.memory_space<hbm>>
      tpu.wait_dma2 semaphore(%run_scoped3A_184 : memref<!tpu.dma_semaphore, #tpu.memory_space<semaphore_mem>>) src(%dma_wait3A_208 : memref<78x128xi32, #tpu.memory_space<hbm>>) dst(%dma_wait3A_205 : memref<78x128xi32, #tpu.memory_space<vmem>>)
      tpu.yield
    }) : () -> ()
    %run_scoped3A_8 = arith.constant 1 : i32
    "tpu.region"() ({
      %run_scoped3A_184 = tpu.sem_alloc : memref<!tpu.dma_semaphore, #tpu.memory_space<semaphore_mem>>
      %dma_start3A_185 = arith.constant 0 : i32
      %dma_start3A_186 = arith.constant 0 : i32
      %dma_start3A_187 = tpu.memref_slice %arg6[%dma_start3A_185, %dma_start3A_186] : memref<79x128xi32, #tpu.memory_space<vmem>> -> memref<78x128xi32, #tpu.memory_space<vmem>>
      %dma_start3A_188 = arith.constant 0 : i32
      %dma_start3A_189 = tpu.memref_slice %arg3[%run_scoped3A_8, %add3A_7, %dma_start3A_188] : memref<2x2500x128xi32, #tpu.memory_space<hbm>> -> memref<1x78x128xi32, #tpu.memory_space<hbm>>
      %dma_start3A_190 = tpu.memref_squeeze %dma_start3A_189 : memref<1x78x128xi32, #tpu.memory_space<hbm>> -> memref<78x128xi32, #tpu.memory_space<hbm>>
      %dma_start3A_191 = arith.constant 0 : i32
      %dma_start3A_192 = arith.constant 0 : i32
      %dma_start3A_193 = tpu.memref_slice %arg6[%dma_start3A_191, %dma_start3A_192] : memref<79x128xi32, #tpu.memory_space<vmem>> -> memref<78x128xi32, #tpu.memory_space<vmem>>
      %dma_start3A_194 = arith.constant 0 : i32
      %dma_start3A_195 = tpu.memref_slice %arg3[%run_scoped3A_8, %add3A_7, %dma_start3A_194] : memref<2x2500x128xi32, #tpu.memory_space<hbm>> -> memref<1x78x128xi32, #tpu.memory_space<hbm>>
      %dma_start3A_196 = tpu.memref_squeeze %dma_start3A_195 : memref<1x78x128xi32, #tpu.memory_space<hbm>> -> memref<78x128xi32, #tpu.memory_space<hbm>>
      tpu.enqueue_dma source(%dma_start3A_196 : memref<78x128xi32, #tpu.memory_space<hbm>>) target(%dma_start3A_193 : memref<78x128xi32, #tpu.memory_space<vmem>>) target_semaphore(%run_scoped3A_184 : memref<!tpu.dma_semaphore, #tpu.memory_space<semaphore_mem>>)
      %dma_wait3A_197 = arith.constant 0 : i32
      %dma_wait3A_198 = arith.constant 0 : i32
      %dma_wait3A_199 = tpu.memref_slice %arg6[%dma_wait3A_197, %dma_wait3A_198] : memref<79x128xi32, #tpu.memory_space<vmem>> -> memref<78x128xi32, #tpu.memory_space<vmem>>
      %dma_wait3A_200 = arith.constant 0 : i32
      %dma_wait3A_201 = tpu.memref_slice %arg3[%run_scoped3A_8, %add3A_7, %dma_wait3A_200] : memref<2x2500x128xi32, #tpu.memory_space<hbm>> -> memref<1x78x128xi32, #tpu.memory_space<hbm>>
      %dma_wait3A_202 = tpu.memref_squeeze %dma_wait3A_201 : memref<1x78x128xi32, #tpu.memory_space<hbm>> -> memref<78x128xi32, #tpu.memory_space<hbm>>
      %dma_wait3A_203 = arith.constant 0 : i32
      %dma_wait3A_204 = arith.constant 0 : i32
      %dma_wait3A_205 = tpu.memref_slice %arg6[%dma_wait3A_203, %dma_wait3A_204] : memref<79x128xi32, #tpu.memory_space<vmem>> -> memref<78x128xi32, #tpu.memory_space<vmem>>
      %dma_wait3A_206 = arith.constant 0 : i32
      %dma_wait3A_207 = tpu.memref_slice %arg3[%run_scoped3A_8, %add3A_7, %dma_wait3A_206] : memref<2x2500x128xi32, #tpu.memory_space<hbm>> -> memref<1x78x128xi32, #tpu.memory_space<hbm>>
      %dma_wait3A_208 = tpu.memref_squeeze %dma_wait3A_207 : memref<1x78x128xi32, #tpu.memory_space<hbm>> -> memref<78x128xi32, #tpu.memory_space<hbm>>
      tpu.wait_dma2 semaphore(%run_scoped3A_184 : memref<!tpu.dma_semaphore, #tpu.memory_space<semaphore_mem>>) src(%dma_wait3A_208 : memref<78x128xi32, #tpu.memory_space<hbm>>) dst(%dma_wait3A_205 : memref<78x128xi32, #tpu.memory_space<vmem>>)
      tpu.yield
    }) : () -> ()
    %lt3A = arith.constant 4 : i32
    %lt3A_9 = arith.cmpi slt, %add3A, %lt3A : i32
    %convert_element_type3A = arith.extui %lt3A_9 : i1 to i32
    %cond3A = arith.constant 0 : i32
    %cond3A_10 = arith.cmpi ne, %convert_element_type3A, %cond3A : i32
    scf.if %cond3A_10 {
      %add3A_184 = arith.constant 78 : i32
      %add3A_185 = arith.addi %add3A_7, %add3A_184 : i32
      %run_scoped3A_186 = arith.constant 0 : i32
      "tpu.region"() ({
        %run_scoped3A_190 = tpu.sem_alloc : memref<!tpu.dma_semaphore, #tpu.memory_space<semaphore_mem>>
        %dma_start3A_191 = arith.constant 78 : i32
        %dma_start3A_192 = arith.constant 0 : i32
        %dma_start3A_193 = tpu.memref_slice %arg5[%dma_start3A_191, %dma_start3A_192] : memref<79x128xi32, #tpu.memory_space<vmem>> -> memref<1x128xi32, #tpu.memory_space<vmem>>
        %dma_start3A_194 = arith.constant 0 : i32
        %dma_start3A_195 = tpu.memref_slice %arg3[%run_scoped3A_186, %add3A_185, %dma_start3A_194] : memref<2x2500x128xi32, #tpu.memory_space<hbm>> -> memref<1x1x128xi32, #tpu.memory_space<hbm>>
        %dma_start3A_196 = tpu.memref_squeeze %dma_start3A_195 : memref<1x1x128xi32, #tpu.memory_space<hbm>> -> memref<1x128xi32, #tpu.memory_space<hbm>>
        %dma_start3A_197 = arith.constant 78 : i32
        %dma_start3A_198 = arith.constant 0 : i32
        %dma_start3A_199 = tpu.memref_slice %arg5[%dma_start3A_197, %dma_start3A_198] : memref<79x128xi32, #tpu.memory_space<vmem>> -> memref<1x128xi32, #tpu.memory_space<vmem>>
        %dma_start3A_200 = arith.constant 0 : i32
        %dma_start3A_201 = tpu.memref_slice %arg3[%run_scoped3A_186, %add3A_185, %dma_start3A_200] : memref<2x2500x128xi32, #tpu.memory_space<hbm>> -> memref<1x1x128xi32, #tpu.memory_space<hbm>>
        %dma_start3A_202 = tpu.memref_squeeze %dma_start3A_201 : memref<1x1x128xi32, #tpu.memory_space<hbm>> -> memref<1x128xi32, #tpu.memory_space<hbm>>
        tpu.enqueue_dma source(%dma_start3A_202 : memref<1x128xi32, #tpu.memory_space<hbm>>) target(%dma_start3A_199 : memref<1x128xi32, #tpu.memory_space<vmem>>) target_semaphore(%run_scoped3A_190 : memref<!tpu.dma_semaphore, #tpu.memory_space<semaphore_mem>>)
        %dma_wait3A_203 = arith.constant 78 : i32
        %dma_wait3A_204 = arith.constant 0 : i32
        %dma_wait3A_205 = tpu.memref_slice %arg5[%dma_wait3A_203, %dma_wait3A_204] : memref<79x128xi32, #tpu.memory_space<vmem>> -> memref<1x128xi32, #tpu.memory_space<vmem>>
        %dma_wait3A_206 = arith.constant 0 : i32
        %dma_wait3A_207 = tpu.memref_slice %arg3[%run_scoped3A_186, %add3A_185, %dma_wait3A_206] : memref<2x2500x128xi32, #tpu.memory_space<hbm>> -> memref<1x1x128xi32, #tpu.memory_space<hbm>>
        %dma_wait3A_208 = tpu.memref_squeeze %dma_wait3A_207 : memref<1x1x128xi32, #tpu.memory_space<hbm>> -> memref<1x128xi32, #tpu.memory_space<hbm>>
        %dma_wait3A_209 = arith.constant 78 : i32
        %dma_wait3A_210 = arith.constant 0 : i32
        %dma_wait3A_211 = tpu.memref_slice %arg5[%dma_wait3A_209, %dma_wait3A_210] : memref<79x128xi32, #tpu.memory_space<vmem>> -> memref<1x128xi32, #tpu.memory_space<vmem>>
        %dma_wait3A_212 = arith.constant 0 : i32
        %dma_wait3A_213 = tpu.memref_slice %arg3[%run_scoped3A_186, %add3A_185, %dma_wait3A_212] : memref<2x2500x128xi32, #tpu.memory_space<hbm>> -> memref<1x1x128xi32, #tpu.memory_space<hbm>>
        %dma_wait3A_214 = tpu.memref_squeeze %dma_wait3A_213 : memref<1x1x128xi32, #tpu.memory_space<hbm>> -> memref<1x128xi32, #tpu.memory_space<hbm>>
        tpu.wait_dma2 semaphore(%run_scoped3A_190 : memref<!tpu.dma_semaphore, #tpu.memory_space<semaphore_mem>>) src(%dma_wait3A_214 : memref<1x128xi32, #tpu.memory_space<hbm>>) dst(%dma_wait3A_211 : memref<1x128xi32, #tpu.memory_space<vmem>>)
        tpu.yield
      }) : () -> ()
      %add3A_187 = arith.constant 78 : i32
      %add3A_188 = arith.addi %add3A_7, %add3A_187 : i32
      %run_scoped3A_189 = arith.constant 1 : i32
      "tpu.region"() ({
        %run_scoped3A_190 = tpu.sem_alloc : memref<!tpu.dma_semaphore, #tpu.memory_space<semaphore_mem>>
        %dma_start3A_191 = arith.constant 78 : i32
        %dma_start3A_192 = arith.constant 0 : i32
        %dma_start3A_193 = tpu.memref_slice %arg6[%dma_start3A_191, %dma_start3A_192] : memref<79x128xi32, #tpu.memory_space<vmem>> -> memref<1x128xi32, #tpu.memory_space<vmem>>
        %dma_start3A_194 = arith.constant 0 : i32
        %dma_start3A_195 = tpu.memref_slice %arg3[%run_scoped3A_189, %add3A_188, %dma_start3A_194] : memref<2x2500x128xi32, #tpu.memory_space<hbm>> -> memref<1x1x128xi32, #tpu.memory_space<hbm>>
        %dma_start3A_196 = tpu.memref_squeeze %dma_start3A_195 : memref<1x1x128xi32, #tpu.memory_space<hbm>> -> memref<1x128xi32, #tpu.memory_space<hbm>>
        %dma_start3A_197 = arith.constant 78 : i32
        %dma_start3A_198 = arith.constant 0 : i32
        %dma_start3A_199 = tpu.memref_slice %arg6[%dma_start3A_197, %dma_start3A_198] : memref<79x128xi32, #tpu.memory_space<vmem>> -> memref<1x128xi32, #tpu.memory_space<vmem>>
        %dma_start3A_200 = arith.constant 0 : i32
        %dma_start3A_201 = tpu.memref_slice %arg3[%run_scoped3A_189, %add3A_188, %dma_start3A_200] : memref<2x2500x128xi32, #tpu.memory_space<hbm>> -> memref<1x1x128xi32, #tpu.memory_space<hbm>>
        %dma_start3A_202 = tpu.memref_squeeze %dma_start3A_201 : memref<1x1x128xi32, #tpu.memory_space<hbm>> -> memref<1x128xi32, #tpu.memory_space<hbm>>
        tpu.enqueue_dma source(%dma_start3A_202 : memref<1x128xi32, #tpu.memory_space<hbm>>) target(%dma_start3A_199 : memref<1x128xi32, #tpu.memory_space<vmem>>) target_semaphore(%run_scoped3A_190 : memref<!tpu.dma_semaphore, #tpu.memory_space<semaphore_mem>>)
        %dma_wait3A_203 = arith.constant 78 : i32
        %dma_wait3A_204 = arith.constant 0 : i32
        %dma_wait3A_205 = tpu.memref_slice %arg6[%dma_wait3A_203, %dma_wait3A_204] : memref<79x128xi32, #tpu.memory_space<vmem>> -> memref<1x128xi32, #tpu.memory_space<vmem>>
        %dma_wait3A_206 = arith.constant 0 : i32
        %dma_wait3A_207 = tpu.memref_slice %arg3[%run_scoped3A_189, %add3A_188, %dma_wait3A_206] : memref<2x2500x128xi32, #tpu.memory_space<hbm>> -> memref<1x1x128xi32, #tpu.memory_space<hbm>>
        %dma_wait3A_208 = tpu.memref_squeeze %dma_wait3A_207 : memref<1x1x128xi32, #tpu.memory_space<hbm>> -> memref<1x128xi32, #tpu.memory_space<hbm>>
        %dma_wait3A_209 = arith.constant 78 : i32
        %dma_wait3A_210 = arith.constant 0 : i32
        %dma_wait3A_211 = tpu.memref_slice %arg6[%dma_wait3A_209, %dma_wait3A_210] : memref<79x128xi32, #tpu.memory_space<vmem>> -> memref<1x128xi32, #tpu.memory_space<vmem>>
        %dma_wait3A_212 = arith.constant 0 : i32
        %dma_wait3A_213 = tpu.memref_slice %arg3[%run_scoped3A_189, %add3A_188, %dma_wait3A_212] : memref<2x2500x128xi32, #tpu.memory_space<hbm>> -> memref<1x1x128xi32, #tpu.memory_space<hbm>>
        %dma_wait3A_214 = tpu.memref_squeeze %dma_wait3A_213 : memref<1x1x128xi32, #tpu.memory_space<hbm>> -> memref<1x128xi32, #tpu.memory_space<hbm>>
        tpu.wait_dma2 semaphore(%run_scoped3A_190 : memref<!tpu.dma_semaphore, #tpu.memory_space<semaphore_mem>>) src(%dma_wait3A_214 : memref<1x128xi32, #tpu.memory_space<hbm>>) dst(%dma_wait3A_211 : memref<1x128xi32, #tpu.memory_space<vmem>>)
        tpu.yield
      }) : () -> ()
    } else {
    }
    %mul3A_11 = arith.constant 625 : i32
    %mul3A_12 = arith.muli %arg1, %mul3A_11 : i32
    "tpu.region"() ({
      %run_scoped3A_184 = tpu.sem_alloc : memref<!tpu.dma_semaphore, #tpu.memory_space<semaphore_mem>>
      %dma_start3A_185 = arith.constant 0 : i32
      %dma_start3A_186 = arith.constant 0 : i32
      %dma_start3A_187 = tpu.memref_slice %arg8[%dma_start3A_185, %dma_start3A_186] : memref<632x32xf32, #tpu.memory_space<vmem>> -> memref<625x32xf32, #tpu.memory_space<vmem>>
      %dma_start3A_188 = arith.constant 0 : i32
      %dma_start3A_189 = tpu.memref_slice %arg2[%mul3A_12, %dma_start3A_188] : memref<10000x32xf32, #tpu.memory_space<hbm>> -> memref<625x32xf32, #tpu.memory_space<hbm>>
      %dma_start3A_190 = arith.constant 0 : i32
      %dma_start3A_191 = arith.constant 0 : i32
      %dma_start3A_192 = tpu.memref_slice %arg8[%dma_start3A_190, %dma_start3A_191] : memref<632x32xf32, #tpu.memory_space<vmem>> -> memref<625x32xf32, #tpu.memory_space<vmem>>
      %dma_start3A_193 = arith.constant 0 : i32
      %dma_start3A_194 = tpu.memref_slice %arg2[%mul3A_12, %dma_start3A_193] : memref<10000x32xf32, #tpu.memory_space<hbm>> -> memref<625x32xf32, #tpu.memory_space<hbm>>
      tpu.enqueue_dma source(%dma_start3A_194 : memref<625x32xf32, #tpu.memory_space<hbm>>) target(%dma_start3A_192 : memref<625x32xf32, #tpu.memory_space<vmem>>) target_semaphore(%run_scoped3A_184 : memref<!tpu.dma_semaphore, #tpu.memory_space<semaphore_mem>>)
      %dma_wait3A_195 = arith.constant 0 : i32
      %dma_wait3A_196 = arith.constant 0 : i32
      %dma_wait3A_197 = tpu.memref_slice %arg8[%dma_wait3A_195, %dma_wait3A_196] : memref<632x32xf32, #tpu.memory_space<vmem>> -> memref<625x32xf32, #tpu.memory_space<vmem>>
      %dma_wait3A_198 = arith.constant 0 : i32
      %dma_wait3A_199 = tpu.memref_slice %arg2[%mul3A_12, %dma_wait3A_198] : memref<10000x32xf32, #tpu.memory_space<hbm>> -> memref<625x32xf32, #tpu.memory_space<hbm>>
      %dma_wait3A_200 = arith.constant 0 : i32
      %dma_wait3A_201 = arith.constant 0 : i32
      %dma_wait3A_202 = tpu.memref_slice %arg8[%dma_wait3A_200, %dma_wait3A_201] : memref<632x32xf32, #tpu.memory_space<vmem>> -> memref<625x32xf32, #tpu.memory_space<vmem>>
      %dma_wait3A_203 = arith.constant 0 : i32
      %dma_wait3A_204 = tpu.memref_slice %arg2[%mul3A_12, %dma_wait3A_203] : memref<10000x32xf32, #tpu.memory_space<hbm>> -> memref<625x32xf32, #tpu.memory_space<hbm>>
      tpu.wait_dma2 semaphore(%run_scoped3A_184 : memref<!tpu.dma_semaphore, #tpu.memory_space<semaphore_mem>>) src(%dma_wait3A_204 : memref<625x32xf32, #tpu.memory_space<hbm>>) dst(%dma_wait3A_202 : memref<625x32xf32, #tpu.memory_space<vmem>>)
      tpu.yield
    }) : () -> ()
    "tpu.region"() ({
      %run_scoped3A_184 = tpu.sem_alloc : memref<!tpu.dma_semaphore, #tpu.memory_space<semaphore_mem>>
      %dma_start3A_185 = arith.constant 0 : i32
      %dma_start3A_186 = arith.constant 0 : i32
      %dma_start3A_187 = tpu.memref_slice %arg8[%dma_start3A_185, %dma_start3A_186] : memref<632x32xf32, #tpu.memory_space<vmem>> -> memref<625x32xf32, #tpu.memory_space<vmem>>
      %dma_start3A_188 = arith.constant 0 : i32
      %dma_start3A_189 = tpu.memref_slice %arg10[%mul3A_12, %dma_start3A_188] : memref<10000x32xf32, #tpu.memory_space<vmem_shared>> -> memref<625x32xf32, #tpu.memory_space<vmem_shared>>
      %dma_start3A_190 = arith.constant 0 : i32
      %dma_start3A_191 = tpu.memref_slice %arg10[%mul3A_12, %dma_start3A_190] : memref<10000x32xf32, #tpu.memory_space<vmem_shared>> -> memref<625x32xf32, #tpu.memory_space<vmem_shared>>
      %dma_start3A_192 = arith.constant 0 : i32
      %dma_start3A_193 = arith.constant 0 : i32
      %dma_start3A_194 = tpu.memref_slice %arg8[%dma_start3A_192, %dma_start3A_193] : memref<632x32xf32, #tpu.memory_space<vmem>> -> memref<625x32xf32, #tpu.memory_space<vmem>>
      tpu.enqueue_dma source(%dma_start3A_194 : memref<625x32xf32, #tpu.memory_space<vmem>>) target(%dma_start3A_191 : memref<625x32xf32, #tpu.memory_space<vmem_shared>>) target_semaphore(%run_scoped3A_184 : memref<!tpu.dma_semaphore, #tpu.memory_space<semaphore_mem>>)
      %dma_wait3A_195 = arith.constant 0 : i32
      %dma_wait3A_196 = arith.constant 0 : i32
      %dma_wait3A_197 = tpu.memref_slice %arg8[%dma_wait3A_195, %dma_wait3A_196] : memref<632x32xf32, #tpu.memory_space<vmem>> -> memref<625x32xf32, #tpu.memory_space<vmem>>
      %dma_wait3A_198 = arith.constant 0 : i32
      %dma_wait3A_199 = tpu.memref_slice %arg10[%mul3A_12, %dma_wait3A_198] : memref<10000x32xf32, #tpu.memory_space<vmem_shared>> -> memref<625x32xf32, #tpu.memory_space<vmem_shared>>
      %dma_wait3A_200 = arith.constant 0 : i32
      %dma_wait3A_201 = tpu.memref_slice %arg10[%mul3A_12, %dma_wait3A_200] : memref<10000x32xf32, #tpu.memory_space<vmem_shared>> -> memref<625x32xf32, #tpu.memory_space<vmem_shared>>
      %dma_wait3A_202 = arith.constant 0 : i32
      %dma_wait3A_203 = arith.constant 0 : i32
      %dma_wait3A_204 = tpu.memref_slice %arg8[%dma_wait3A_202, %dma_wait3A_203] : memref<632x32xf32, #tpu.memory_space<vmem>> -> memref<625x32xf32, #tpu.memory_space<vmem>>
      tpu.wait_dma2 semaphore(%run_scoped3A_184 : memref<!tpu.dma_semaphore, #tpu.memory_space<semaphore_mem>>) src(%dma_wait3A_204 : memref<625x32xf32, #tpu.memory_space<vmem>>) dst(%dma_wait3A_201 : memref<625x32xf32, #tpu.memory_space<vmem_shared>>)
      tpu.yield
    }) : () -> ()
    %scan3A = arith.constant 0 : i32
    %scan3A_13 = arith.constant 0 : i32
    %scan3A_14 = arith.constant 632 : i32
    %scan3A_15 = arith.addi %scan3A_13, %scan3A_14 : i32
    %scan3A_16 = arith.constant 1 : i32
    scf.for %scan3A_184 = %scan3A_13 to %scan3A_15 step %scan3A_16  : i32 {
      %swap3A = arith.index_cast %scan3A_184 : i32 to index
      %swap3A_185 = arith.constant 0 : index
      %swap3A_186 = tpu.vector_load %arg8[%swap3A, %swap3A_185] {strides = array<i32>} : memref<632x32xf32, #tpu.memory_space<vmem>>, vector<1x16xf32>,
      %swap3A_187 = vector.shape_cast %swap3A_186 : vector<1x16xf32> to vector<16xf32>
      %swap3A_188 = vector.shape_cast %broadcast_in_dim3A_3 : vector<16xf32> to vector<1x16xf32>
      tpu.vector_store %arg8[%swap3A, %swap3A_185], %swap3A_188 {strides = array<i32>} : memref<632x32xf32, #tpu.memory_space<vmem>>, vector<1x16xf32>,
      %swap3A_189 = arith.index_cast %scan3A_184 : i32 to index
      %swap3A_190 = arith.constant 16 : index
      %swap3A_191 = tpu.vector_load %arg8[%swap3A_189, %swap3A_190] {strides = array<i32>} : memref<632x32xf32, #tpu.memory_space<vmem>>, vector<1x16xf32>,
      %swap3A_192 = vector.shape_cast %swap3A_191 : vector<1x16xf32> to vector<16xf32>
      %swap3A_193 = vector.shape_cast %broadcast_in_dim3A_3 : vector<16xf32> to vector<1x16xf32>
      tpu.vector_store %arg8[%swap3A_189, %swap3A_190], %swap3A_193 {strides = array<i32>} : memref<632x32xf32, #tpu.memory_space<vmem>>, vector<1x16xf32>,
    }
    %scan3A_17 = arith.constant 632 : i32
    "tpu.region"() ({
      %run_scoped3A_184 = tpu.sem_alloc : memref<!tpu.dma_semaphore, #tpu.memory_space<semaphore_mem>>
      %dma_start3A_185 = arith.constant 0 : i32
      %dma_start3A_186 = tpu.memref_slice %arg9[%mul3A_2, %dma_start3A_185] : memref<10112x32xf32, #tpu.memory_space<vmem_shared>> -> memref<632x32xf32, #tpu.memory_space<vmem_shared>>
      %dma_start3A_187 = arith.constant 0 : i32
      %dma_start3A_188 = tpu.memref_slice %arg9[%mul3A_2, %dma_start3A_187] : memref<10112x32xf32, #tpu.memory_space<vmem_shared>> -> memref<632x32xf32, #tpu.memory_space<vmem_shared>>
      tpu.enqueue_dma source(%arg8 : memref<632x32xf32, #tpu.memory_space<vmem>>) target(%dma_start3A_188 : memref<632x32xf32, #tpu.memory_space<vmem_shared>>) target_semaphore(%run_scoped3A_184 : memref<!tpu.dma_semaphore, #tpu.memory_space<semaphore_mem>>)
      %dma_wait3A_189 = arith.constant 0 : i32
      %dma_wait3A_190 = tpu.memref_slice %arg9[%mul3A_2, %dma_wait3A_189] : memref<10112x32xf32, #tpu.memory_space<vmem_shared>> -> memref<632x32xf32, #tpu.memory_space<vmem_shared>>
      %dma_wait3A_191 = arith.constant 0 : i32
      %dma_wait3A_192 = tpu.memref_slice %arg9[%mul3A_2, %dma_wait3A_191] : memref<10112x32xf32, #tpu.memory_space<vmem_shared>> -> memref<632x32xf32, #tpu.memory_space<vmem_shared>>
      tpu.wait_dma2 semaphore(%run_scoped3A_184 : memref<!tpu.dma_semaphore, #tpu.memory_space<semaphore_mem>>) src(%arg8 : memref<632x32xf32, #tpu.memory_space<vmem>>) dst(%dma_wait3A_192 : memref<632x32xf32, #tpu.memory_space<vmem_shared>>)
      tpu.yield
    }) : () -> ()
    %barrier3A = arith.constant 0 : index
    tpu.barrier barrier_id(%barrier3A)
    %dma_start3A = arith.constant 0 : i32
    %dma_start3A_18 = arith.constant 0 : i32
    %dma_start3A_19 = arith.constant 0 : i32
    %dma_start3A_20 = arith.constant 0 : i32
    %dma_start3A_21 = arith.constant 0 : i32
    %dma_start3A_22 = tpu.memref_slice %arg7[%dma_start3A_18, %dma_start3A_19, %dma_start3A_20, %dma_start3A_21] : memref<2x3x128x32xf32, #tpu.memory_space<vmem>> -> memref<1x1x128x32xf32, #tpu.memory_space<vmem>>
    %dma_start3A_23 = tpu.memref_squeeze %dma_start3A_22 : memref<1x1x128x32xf32, #tpu.memory_space<vmem>> -> memref<128x32xf32, #tpu.memory_space<vmem>>
    %dma_start3A_24 = arith.constant 0 : i32
    %dma_start3A_25 = tpu.memref_slice %arg5[%dma_start3A, %dma_start3A_24] : memref<79x128xi32, #tpu.memory_space<vmem>> -> memref<1x128xi32, #tpu.memory_space<vmem>>
    %dma_start3A_26 = tpu.memref_squeeze %dma_start3A_25 : memref<1x128xi32, #tpu.memory_space<vmem>> -> memref<128xi32, #tpu.memory_space<vmem>>
    %dma_start3A_27 = arith.constant 0 : i32
    %dma_start3A_28 = arith.constant 0 : i32
    %dma_start3A_29 = tpu.memref_slice %arg10[%dma_start3A_27, %dma_start3A_28] : memref<10000x32xf32, #tpu.memory_space<vmem_shared>> -> memref<10000x32xf32, #tpu.memory_space<vmem_shared>>
    tpu.enqueue_indirect_dma source(%dma_start3A_29 : memref<10000x32xf32, #tpu.memory_space<vmem_shared>>) target(%dma_start3A_23 : memref<128x32xf32, #tpu.memory_space<vmem>>) offsets(%dma_start3A_26 : memref<128xi32, #tpu.memory_space<vmem>>) semaphore(%arg11 : memref<!tpu.dma_semaphore, #tpu.memory_space<semaphore_mem>>)
    %dma_start3A_30 = arith.constant 1 : i32
    %dma_start3A_31 = arith.constant 0 : i32
    %dma_start3A_32 = arith.constant 1 : i32
    %dma_start3A_33 = arith.constant 0 : i32
    %dma_start3A_34 = arith.constant 0 : i32
    %dma_start3A_35 = tpu.memref_slice %arg7[%dma_start3A_31, %dma_start3A_32, %dma_start3A_33, %dma_start3A_34] : memref<2x3x128x32xf32, #tpu.memory_space<vmem>> -> memref<1x1x128x32xf32, #tpu.memory_space<vmem>>
    %dma_start3A_36 = tpu.memref_squeeze %dma_start3A_35 : memref<1x1x128x32xf32, #tpu.memory_space<vmem>> -> memref<128x32xf32, #tpu.memory_space<vmem>>
    %dma_start3A_37 = arith.constant 0 : i32
    %dma_start3A_38 = tpu.memref_slice %arg5[%dma_start3A_30, %dma_start3A_37] : memref<79x128xi32, #tpu.memory_space<vmem>> -> memref<1x128xi32, #tpu.memory_space<vmem>>
    %dma_start3A_39 = tpu.memref_squeeze %dma_start3A_38 : memref<1x128xi32, #tpu.memory_space<vmem>> -> memref<128xi32, #tpu.memory_space<vmem>>
    %dma_start3A_40 = arith.constant 0 : i32
    %dma_start3A_41 = arith.constant 0 : i32
    %dma_start3A_42 = tpu.memref_slice %arg10[%dma_start3A_40, %dma_start3A_41] : memref<10000x32xf32, #tpu.memory_space<vmem_shared>> -> memref<10000x32xf32, #tpu.memory_space<vmem_shared>>
    tpu.enqueue_indirect_dma source(%dma_start3A_42 : memref<10000x32xf32, #tpu.memory_space<vmem_shared>>) target(%dma_start3A_36 : memref<128x32xf32, #tpu.memory_space<vmem>>) offsets(%dma_start3A_39 : memref<128xi32, #tpu.memory_space<vmem>>) semaphore(%arg11 : memref<!tpu.dma_semaphore, #tpu.memory_space<semaphore_mem>>)
    %dma_start3A_43 = arith.constant 2 : i32
    %dma_start3A_44 = arith.constant 0 : i32
    %dma_start3A_45 = arith.constant 2 : i32
    %dma_start3A_46 = arith.constant 0 : i32
    %dma_start3A_47 = arith.constant 0 : i32
    %dma_start3A_48 = tpu.memref_slice %arg7[%dma_start3A_44, %dma_start3A_45, %dma_start3A_46, %dma_start3A_47] : memref<2x3x128x32xf32, #tpu.memory_space<vmem>> -> memref<1x1x128x32xf32, #tpu.memory_space<vmem>>
    %dma_start3A_49 = tpu.memref_squeeze %dma_start3A_48 : memref<1x1x128x32xf32, #tpu.memory_space<vmem>> -> memref<128x32xf32, #tpu.memory_space<vmem>>
    %dma_start3A_50 = arith.constant 0 : i32
    %dma_start3A_51 = tpu.memref_slice %arg5[%dma_start3A_43, %dma_start3A_50] : memref<79x128xi32, #tpu.memory_space<vmem>> -> memref<1x128xi32, #tpu.memory_space<vmem>>
    %dma_start3A_52 = tpu.memref_squeeze %dma_start3A_51 : memref<1x128xi32, #tpu.memory_space<vmem>> -> memref<128xi32, #tpu.memory_space<vmem>>
    %dma_start3A_53 = arith.constant 0 : i32
    %dma_start3A_54 = arith.constant 0 : i32
    %dma_start3A_55 = tpu.memref_slice %arg10[%dma_start3A_53, %dma_start3A_54] : memref<10000x32xf32, #tpu.memory_space<vmem_shared>> -> memref<10000x32xf32, #tpu.memory_space<vmem_shared>>
    tpu.enqueue_indirect_dma source(%dma_start3A_55 : memref<10000x32xf32, #tpu.memory_space<vmem_shared>>) target(%dma_start3A_49 : memref<128x32xf32, #tpu.memory_space<vmem>>) offsets(%dma_start3A_52 : memref<128xi32, #tpu.memory_space<vmem>>) semaphore(%arg11 : memref<!tpu.dma_semaphore, #tpu.memory_space<semaphore_mem>>)
    %scan3A_56 = arith.constant 0 : i32
    %scan3A_57 = arith.constant 0 : i32
    %scan3A_58 = arith.constant 25 : i32
    %scan3A_59 = arith.addi %scan3A_57, %scan3A_58 : i32
    %scan3A_60 = arith.constant 1 : i32
    scf.for %scan3A_184 = %scan3A_57 to %scan3A_59 step %scan3A_60  : i32 {
      %add3A_185 = arith.constant 1 : i32
      %add3A_186 = arith.addi %scan3A_184, %add3A_185 : i32
      %add3A_187 = arith.constant 1 : i32
      %add3A_188 = arith.addi %scan3A_184, %add3A_187 : i32
      %rem3A = arith.constant 2 : i32
      %rem3A_189 = arith.remsi %add3A_188, %rem3A : i32
      %mul3A_190 = arith.constant 3 : i32
      %mul3A_191 = arith.muli %add3A_186, %mul3A_190 : i32
      %add3A_192 = arith.constant 0 : i32
      %add3A_193 = arith.addi %mul3A_191, %add3A_192 : i32
      %dma_start3A_194 = arith.constant 0 : i32
      %dma_start3A_195 = arith.constant 0 : i32
      %dma_start3A_196 = arith.constant 0 : i32
      %dma_start3A_197 = tpu.memref_slice %arg7[%rem3A_189, %dma_start3A_194, %dma_start3A_195, %dma_start3A_196] : memref<2x3x128x32xf32, #tpu.memory_space<vmem>> -> memref<1x1x128x32xf32, #tpu.memory_space<vmem>>
      %dma_start3A_198 = tpu.memref_squeeze %dma_start3A_197 : memref<1x1x128x32xf32, #tpu.memory_space<vmem>> -> memref<128x32xf32, #tpu.memory_space<vmem>>
      %dma_start3A_199 = arith.constant 0 : i32
      %dma_start3A_200 = tpu.memref_slice %arg5[%add3A_193, %dma_start3A_199] : memref<79x128xi32, #tpu.memory_space<vmem>> -> memref<1x128xi32, #tpu.memory_space<vmem>>
      %dma_start3A_201 = tpu.memref_squeeze %dma_start3A_200 : memref<1x128xi32, #tpu.memory_space<vmem>> -> memref<128xi32, #tpu.memory_space<vmem>>
      %dma_start3A_202 = arith.constant 0 : i32
      %dma_start3A_203 = arith.constant 0 : i32
      %dma_start3A_204 = tpu.memref_slice %arg10[%dma_start3A_202, %dma_start3A_203] : memref<10000x32xf32, #tpu.memory_space<vmem_shared>> -> memref<10000x32xf32, #tpu.memory_space<vmem_shared>>
      tpu.enqueue_indirect_dma source(%dma_start3A_204 : memref<10000x32xf32, #tpu.memory_space<vmem_shared>>) target(%dma_start3A_198 : memref<128x32xf32, #tpu.memory_space<vmem>>) offsets(%dma_start3A_201 : memref<128xi32, #tpu.memory_space<vmem>>) semaphore(%arg11 : memref<!tpu.dma_semaphore, #tpu.memory_space<semaphore_mem>>)
      %mul3A_205 = arith.constant 3 : i32
      %mul3A_206 = arith.muli %add3A_186, %mul3A_205 : i32
      %add3A_207 = arith.constant 1 : i32
      %add3A_208 = arith.addi %mul3A_206, %add3A_207 : i32
      %dma_start3A_209 = arith.constant 1 : i32
      %dma_start3A_210 = arith.constant 0 : i32
      %dma_start3A_211 = arith.constant 0 : i32
      %dma_start3A_212 = tpu.memref_slice %arg7[%rem3A_189, %dma_start3A_209, %dma_start3A_210, %dma_start3A_211] : memref<2x3x128x32xf32, #tpu.memory_space<vmem>> -> memref<1x1x128x32xf32, #tpu.memory_space<vmem>>
      %dma_start3A_213 = tpu.memref_squeeze %dma_start3A_212 : memref<1x1x128x32xf32, #tpu.memory_space<vmem>> -> memref<128x32xf32, #tpu.memory_space<vmem>>
      %dma_start3A_214 = arith.constant 0 : i32
      %dma_start3A_215 = tpu.memref_slice %arg5[%add3A_208, %dma_start3A_214] : memref<79x128xi32, #tpu.memory_space<vmem>> -> memref<1x128xi32, #tpu.memory_space<vmem>>
      %dma_start3A_216 = tpu.memref_squeeze %dma_start3A_215 : memref<1x128xi32, #tpu.memory_space<vmem>> -> memref<128xi32, #tpu.memory_space<vmem>>
      %dma_start3A_217 = arith.constant 0 : i32
      %dma_start3A_218 = arith.constant 0 : i32
      %dma_start3A_219 = tpu.memref_slice %arg10[%dma_start3A_217, %dma_start3A_218] : memref<10000x32xf32, #tpu.memory_space<vmem_shared>> -> memref<10000x32xf32, #tpu.memory_space<vmem_shared>>
      tpu.enqueue_indirect_dma source(%dma_start3A_219 : memref<10000x32xf32, #tpu.memory_space<vmem_shared>>) target(%dma_start3A_213 : memref<128x32xf32, #tpu.memory_space<vmem>>) offsets(%dma_start3A_216 : memref<128xi32, #tpu.memory_space<vmem>>) semaphore(%arg11 : memref<!tpu.dma_semaphore, #tpu.memory_space<semaphore_mem>>)
      %mul3A_220 = arith.constant 3 : i32
      %mul3A_221 = arith.muli %add3A_186, %mul3A_220 : i32
      %add3A_222 = arith.constant 2 : i32
      %add3A_223 = arith.addi %mul3A_221, %add3A_222 : i32
      %dma_start3A_224 = arith.constant 2 : i32
      %dma_start3A_225 = arith.constant 0 : i32
      %dma_start3A_226 = arith.constant 0 : i32
      %dma_start3A_227 = tpu.memref_slice %arg7[%rem3A_189, %dma_start3A_224, %dma_start3A_225, %dma_start3A_226] : memref<2x3x128x32xf32, #tpu.memory_space<vmem>> -> memref<1x1x128x32xf32, #tpu.memory_space<vmem>>
      %dma_start3A_228 = tpu.memref_squeeze %dma_start3A_227 : memref<1x1x128x32xf32, #tpu.memory_space<vmem>> -> memref<128x32xf32, #tpu.memory_space<vmem>>
      %dma_start3A_229 = arith.constant 0 : i32
      %dma_start3A_230 = tpu.memref_slice %arg5[%add3A_223, %dma_start3A_229] : memref<79x128xi32, #tpu.memory_space<vmem>> -> memref<1x128xi32, #tpu.memory_space<vmem>>
      %dma_start3A_231 = tpu.memref_squeeze %dma_start3A_230 : memref<1x128xi32, #tpu.memory_space<vmem>> -> memref<128xi32, #tpu.memory_space<vmem>>
      %dma_start3A_232 = arith.constant 0 : i32
      %dma_start3A_233 = arith.constant 0 : i32
      %dma_start3A_234 = tpu.memref_slice %arg10[%dma_start3A_232, %dma_start3A_233] : memref<10000x32xf32, #tpu.memory_space<vmem_shared>> -> memref<10000x32xf32, #tpu.memory_space<vmem_shared>>
      tpu.enqueue_indirect_dma source(%dma_start3A_234 : memref<10000x32xf32, #tpu.memory_space<vmem_shared>>) target(%dma_start3A_228 : memref<128x32xf32, #tpu.memory_space<vmem>>) offsets(%dma_start3A_231 : memref<128xi32, #tpu.memory_space<vmem>>) semaphore(%arg11 : memref<!tpu.dma_semaphore, #tpu.memory_space<semaphore_mem>>)
      %rem3A_235 = arith.constant 2 : i32
      %rem3A_236 = arith.remsi %scan3A_184, %rem3A_235 : i32
      %mul3A_237 = arith.constant 3 : i32
      %mul3A_238 = arith.muli %scan3A_184, %mul3A_237 : i32
      %add3A_239 = arith.constant 0 : i32
      %add3A_240 = arith.addi %mul3A_238, %add3A_239 : i32
      %dma_wait3A_241 = arith.constant 0 : i32
      %dma_wait3A_242 = arith.constant 0 : i32
      %dma_wait3A_243 = arith.constant 0 : i32
      %dma_wait3A_244 = tpu.memref_slice %arg7[%rem3A_236, %dma_wait3A_241, %dma_wait3A_242, %dma_wait3A_243] : memref<2x3x128x32xf32, #tpu.memory_space<vmem>> -> memref<1x1x128x32xf32, #tpu.memory_space<vmem>>
      %dma_wait3A_245 = tpu.memref_squeeze %dma_wait3A_244 : memref<1x1x128x32xf32, #tpu.memory_space<vmem>> -> memref<128x32xf32, #tpu.memory_space<vmem>>
      %dma_wait3A_246 = arith.constant 0 : i32
      %dma_wait3A_247 = tpu.memref_slice %arg5[%add3A_240, %dma_wait3A_246] : memref<79x128xi32, #tpu.memory_space<vmem>> -> memref<1x128xi32, #tpu.memory_space<vmem>>
      %dma_wait3A_248 = tpu.memref_squeeze %dma_wait3A_247 : memref<1x128xi32, #tpu.memory_space<vmem>> -> memref<128xi32, #tpu.memory_space<vmem>>
      %dma_wait3A_249 = arith.constant 0 : i32
      %dma_wait3A_250 = arith.constant 0 : i32
      %dma_wait3A_251 = tpu.memref_slice %arg10[%dma_wait3A_249, %dma_wait3A_250] : memref<10000x32xf32, #tpu.memory_space<vmem_shared>> -> memref<10000x32xf32, #tpu.memory_space<vmem_shared>>
      tpu.wait_indirect_dma semaphore(%arg11 : memref<!tpu.dma_semaphore, #tpu.memory_space<semaphore_mem>>) src(%dma_wait3A_251 : memref<10000x32xf32, #tpu.memory_space<vmem_shared>>) dst(%dma_wait3A_245 : memref<128x32xf32, #tpu.memory_space<vmem>>)
      %mul3A_252 = arith.constant 3 : i32
      %mul3A_253 = arith.muli %scan3A_184, %mul3A_252 : i32
      %add3A_254 = arith.constant 1 : i32
      %add3A_255 = arith.addi %mul3A_253, %add3A_254 : i32
      %dma_wait3A_256 = arith.constant 1 : i32
      %dma_wait3A_257 = arith.constant 0 : i32
      %dma_wait3A_258 = arith.constant 0 : i32
      %dma_wait3A_259 = tpu.memref_slice %arg7[%rem3A_236, %dma_wait3A_256, %dma_wait3A_257, %dma_wait3A_258] : memref<2x3x128x32xf32, #tpu.memory_space<vmem>> -> memref<1x1x128x32xf32, #tpu.memory_space<vmem>>
      %dma_wait3A_260 = tpu.memref_squeeze %dma_wait3A_259 : memref<1x1x128x32xf32, #tpu.memory_space<vmem>> -> memref<128x32xf32, #tpu.memory_space<vmem>>
      %dma_wait3A_261 = arith.constant 0 : i32
      %dma_wait3A_262 = tpu.memref_slice %arg5[%add3A_255, %dma_wait3A_261] : memref<79x128xi32, #tpu.memory_space<vmem>> -> memref<1x128xi32, #tpu.memory_space<vmem>>
      %dma_wait3A_263 = tpu.memref_squeeze %dma_wait3A_262 : memref<1x128xi32, #tpu.memory_space<vmem>> -> memref<128xi32, #tpu.memory_space<vmem>>
      %dma_wait3A_264 = arith.constant 0 : i32
      %dma_wait3A_265 = arith.constant 0 : i32
      %dma_wait3A_266 = tpu.memref_slice %arg10[%dma_wait3A_264, %dma_wait3A_265] : memref<10000x32xf32, #tpu.memory_space<vmem_shared>> -> memref<10000x32xf32, #tpu.memory_space<vmem_shared>>
      tpu.wait_indirect_dma semaphore(%arg11 : memref<!tpu.dma_semaphore, #tpu.memory_space<semaphore_mem>>) src(%dma_wait3A_266 : memref<10000x32xf32, #tpu.memory_space<vmem_shared>>) dst(%dma_wait3A_260 : memref<128x32xf32, #tpu.memory_space<vmem>>)
      %mul3A_267 = arith.constant 3 : i32
      %mul3A_268 = arith.muli %scan3A_184, %mul3A_267 : i32
      %add3A_269 = arith.constant 2 : i32
      %add3A_270 = arith.addi %mul3A_268, %add3A_269 : i32
      %dma_wait3A_271 = arith.constant 2 : i32
      %dma_wait3A_272 = arith.constant 0 : i32
      %dma_wait3A_273 = arith.constant 0 : i32
      %dma_wait3A_274 = tpu.memref_slice %arg7[%rem3A_236, %dma_wait3A_271, %dma_wait3A_272, %dma_wait3A_273] : memref<2x3x128x32xf32, #tpu.memory_space<vmem>> -> memref<1x1x128x32xf32, #tpu.memory_space<vmem>>
      %dma_wait3A_275 = tpu.memref_squeeze %dma_wait3A_274 : memref<1x1x128x32xf32, #tpu.memory_space<vmem>> -> memref<128x32xf32, #tpu.memory_space<vmem>>
      %dma_wait3A_276 = arith.constant 0 : i32
      %dma_wait3A_277 = tpu.memref_slice %arg5[%add3A_270, %dma_wait3A_276] : memref<79x128xi32, #tpu.memory_space<vmem>> -> memref<1x128xi32, #tpu.memory_space<vmem>>
      %dma_wait3A_278 = tpu.memref_squeeze %dma_wait3A_277 : memref<1x128xi32, #tpu.memory_space<vmem>> -> memref<128xi32, #tpu.memory_space<vmem>>
      %dma_wait3A_279 = arith.constant 0 : i32
      %dma_wait3A_280 = arith.constant 0 : i32
      %dma_wait3A_281 = tpu.memref_slice %arg10[%dma_wait3A_279, %dma_wait3A_280] : memref<10000x32xf32, #tpu.memory_space<vmem_shared>> -> memref<10000x32xf32, #tpu.memory_space<vmem_shared>>
      tpu.wait_indirect_dma semaphore(%arg11 : memref<!tpu.dma_semaphore, #tpu.memory_space<semaphore_mem>>) src(%dma_wait3A_281 : memref<10000x32xf32, #tpu.memory_space<vmem_shared>>) dst(%dma_wait3A_275 : memref<128x32xf32, #tpu.memory_space<vmem>>)
      %rem3A_282 = arith.constant 2 : i32
      %rem3A_283 = arith.remsi %scan3A_184, %rem3A_282 : i32
      %mul3A_284 = arith.constant 3 : i32
      %mul3A_285 = arith.muli %scan3A_184, %mul3A_284 : i32
      %add3A_286 = arith.constant 0 : i32
      %add3A_287 = arith.addi %mul3A_285, %add3A_286 : i32
      %dma_start3A_288 = arith.constant 0 : i32
      %dma_start3A_289 = arith.constant 0 : i32
      %dma_start3A_290 = arith.constant 0 : i32
      %dma_start3A_291 = tpu.memref_slice %arg7[%rem3A_283, %dma_start3A_288, %dma_start3A_289, %dma_start3A_290] : memref<2x3x128x32xf32, #tpu.memory_space<vmem>> -> memref<1x1x128x32xf32, #tpu.memory_space<vmem>>
      %dma_start3A_292 = tpu.memref_squeeze %dma_start3A_291 : memref<1x1x128x32xf32, #tpu.memory_space<vmem>> -> memref<128x32xf32, #tpu.memory_space<vmem>>
      %dma_start3A_293 = arith.constant 0 : i32
      %dma_start3A_294 = tpu.memref_slice %arg6[%add3A_287, %dma_start3A_293] : memref<79x128xi32, #tpu.memory_space<vmem>> -> memref<1x128xi32, #tpu.memory_space<vmem>>
      %dma_start3A_295 = tpu.memref_squeeze %dma_start3A_294 : memref<1x128xi32, #tpu.memory_space<vmem>> -> memref<128xi32, #tpu.memory_space<vmem>>
      %dma_start3A_296 = arith.constant 0 : i32
      %dma_start3A_297 = arith.constant 0 : i32
      %dma_start3A_298 = tpu.memref_slice %arg9[%dma_start3A_296, %dma_start3A_297] : memref<10112x32xf32, #tpu.memory_space<vmem_shared>> -> memref<10112x32xf32, #tpu.memory_space<vmem_shared>>
      tpu.enqueue_indirect_dma source(%dma_start3A_292 : memref<128x32xf32, #tpu.memory_space<vmem>>) target(%dma_start3A_298 : memref<10112x32xf32, #tpu.memory_space<vmem_shared>>) offsets(%dma_start3A_295 : memref<128xi32, #tpu.memory_space<vmem>>) semaphore(%arg12 : memref<!tpu.dma_semaphore, #tpu.memory_space<semaphore_mem>>) {add = true}
      %mul3A_299 = arith.constant 3 : i32
      %mul3A_300 = arith.muli %scan3A_184, %mul3A_299 : i32
      %add3A_301 = arith.constant 1 : i32
      %add3A_302 = arith.addi %mul3A_300, %add3A_301 : i32
      %dma_start3A_303 = arith.constant 1 : i32
      %dma_start3A_304 = arith.constant 0 : i32
      %dma_start3A_305 = arith.constant 0 : i32
      %dma_start3A_306 = tpu.memref_slice %arg7[%rem3A_283, %dma_start3A_303, %dma_start3A_304, %dma_start3A_305] : memref<2x3x128x32xf32, #tpu.memory_space<vmem>> -> memref<1x1x128x32xf32, #tpu.memory_space<vmem>>
      %dma_start3A_307 = tpu.memref_squeeze %dma_start3A_306 : memref<1x1x128x32xf32, #tpu.memory_space<vmem>> -> memref<128x32xf32, #tpu.memory_space<vmem>>
      %dma_start3A_308 = arith.constant 0 : i32
      %dma_start3A_309 = tpu.memref_slice %arg6[%add3A_302, %dma_start3A_308] : memref<79x128xi32, #tpu.memory_space<vmem>> -> memref<1x128xi32, #tpu.memory_space<vmem>>
      %dma_start3A_310 = tpu.memref_squeeze %dma_start3A_309 : memref<1x128xi32, #tpu.memory_space<vmem>> -> memref<128xi32, #tpu.memory_space<vmem>>
      %dma_start3A_311 = arith.constant 0 : i32
      %dma_start3A_312 = arith.constant 0 : i32
      %dma_start3A_313 = tpu.memref_slice %arg9[%dma_start3A_311, %dma_start3A_312] : memref<10112x32xf32, #tpu.memory_space<vmem_shared>> -> memref<10112x32xf32, #tpu.memory_space<vmem_shared>>
      tpu.enqueue_indirect_dma source(%dma_start3A_307 : memref<128x32xf32, #tpu.memory_space<vmem>>) target(%dma_start3A_313 : memref<10112x32xf32, #tpu.memory_space<vmem_shared>>) offsets(%dma_start3A_310 : memref<128xi32, #tpu.memory_space<vmem>>) semaphore(%arg12 : memref<!tpu.dma_semaphore, #tpu.memory_space<semaphore_mem>>) {add = true}
      %mul3A_314 = arith.constant 3 : i32
      %mul3A_315 = arith.muli %scan3A_184, %mul3A_314 : i32
      %add3A_316 = arith.constant 2 : i32
      %add3A_317 = arith.addi %mul3A_315, %add3A_316 : i32
      %dma_start3A_318 = arith.constant 2 : i32
      %dma_start3A_319 = arith.constant 0 : i32
      %dma_start3A_320 = arith.constant 0 : i32
      %dma_start3A_321 = tpu.memref_slice %arg7[%rem3A_283, %dma_start3A_318, %dma_start3A_319, %dma_start3A_320] : memref<2x3x128x32xf32, #tpu.memory_space<vmem>> -> memref<1x1x128x32xf32, #tpu.memory_space<vmem>>
      %dma_start3A_322 = tpu.memref_squeeze %dma_start3A_321 : memref<1x1x128x32xf32, #tpu.memory_space<vmem>> -> memref<128x32xf32, #tpu.memory_space<vmem>>
      %dma_start3A_323 = arith.constant 0 : i32
      %dma_start3A_324 = tpu.memref_slice %arg6[%add3A_317, %dma_start3A_323] : memref<79x128xi32, #tpu.memory_space<vmem>> -> memref<1x128xi32, #tpu.memory_space<vmem>>
      %dma_start3A_325 = tpu.memref_squeeze %dma_start3A_324 : memref<1x128xi32, #tpu.memory_space<vmem>> -> memref<128xi32, #tpu.memory_space<vmem>>
      %dma_start3A_326 = arith.constant 0 : i32
      %dma_start3A_327 = arith.constant 0 : i32
      %dma_start3A_328 = tpu.memref_slice %arg9[%dma_start3A_326, %dma_start3A_327] : memref<10112x32xf32, #tpu.memory_space<vmem_shared>> -> memref<10112x32xf32, #tpu.memory_space<vmem_shared>>
      tpu.enqueue_indirect_dma source(%dma_start3A_322 : memref<128x32xf32, #tpu.memory_space<vmem>>) target(%dma_start3A_328 : memref<10112x32xf32, #tpu.memory_space<vmem_shared>>) offsets(%dma_start3A_325 : memref<128xi32, #tpu.memory_space<vmem>>) semaphore(%arg12 : memref<!tpu.dma_semaphore, #tpu.memory_space<semaphore_mem>>) {add = true}
      %rem3A_329 = arith.constant 2 : i32
      %rem3A_330 = arith.remsi %scan3A_184, %rem3A_329 : i32
      %mul3A_331 = arith.constant 3 : i32
      %mul3A_332 = arith.muli %scan3A_184, %mul3A_331 : i32
      %add3A_333 = arith.constant 0 : i32
      %add3A_334 = arith.addi %mul3A_332, %add3A_333 : i32
      %dma_wait3A_335 = arith.constant 0 : i32
      %dma_wait3A_336 = arith.constant 0 : i32
      %dma_wait3A_337 = arith.constant 0 : i32
      %dma_wait3A_338 = tpu.memref_slice %arg7[%rem3A_330, %dma_wait3A_335, %dma_wait3A_336, %dma_wait3A_337] : memref<2x3x128x32xf32, #tpu.memory_space<vmem>> -> memref<1x1x128x32xf32, #tpu.memory_space<vmem>>
      %dma_wait3A_339 = tpu.memref_squeeze %dma_wait3A_338 : memref<1x1x128x32xf32, #tpu.memory_space<vmem>> -> memref<128x32xf32, #tpu.memory_space<vmem>>
      %dma_wait3A_340 = arith.constant 0 : i32
      %dma_wait3A_341 = tpu.memref_slice %arg6[%add3A_334, %dma_wait3A_340] : memref<79x128xi32, #tpu.memory_space<vmem>> -> memref<1x128xi32, #tpu.memory_space<vmem>>
      %dma_wait3A_342 = tpu.memref_squeeze %dma_wait3A_341 : memref<1x128xi32, #tpu.memory_space<vmem>> -> memref<128xi32, #tpu.memory_space<vmem>>
      %dma_wait3A_343 = arith.constant 0 : i32
      %dma_wait3A_344 = arith.constant 0 : i32
      %dma_wait3A_345 = tpu.memref_slice %arg9[%dma_wait3A_343, %dma_wait3A_344] : memref<10112x32xf32, #tpu.memory_space<vmem_shared>> -> memref<10112x32xf32, #tpu.memory_space<vmem_shared>>
      tpu.wait_indirect_dma semaphore(%arg12 : memref<!tpu.dma_semaphore, #tpu.memory_space<semaphore_mem>>) src(%dma_wait3A_339 : memref<128x32xf32, #tpu.memory_space<vmem>>) dst(%dma_wait3A_345 : memref<10112x32xf32, #tpu.memory_space<vmem_shared>>)
      %mul3A_346 = arith.constant 3 : i32
      %mul3A_347 = arith.muli %scan3A_184, %mul3A_346 : i32
      %add3A_348 = arith.constant 1 : i32
      %add3A_349 = arith.addi %mul3A_347, %add3A_348 : i32
      %dma_wait3A_350 = arith.constant 1 : i32
      %dma_wait3A_351 = arith.constant 0 : i32
      %dma_wait3A_352 = arith.constant 0 : i32
      %dma_wait3A_353 = tpu.memref_slice %arg7[%rem3A_330, %dma_wait3A_350, %dma_wait3A_351, %dma_wait3A_352] : memref<2x3x128x32xf32, #tpu.memory_space<vmem>> -> memref<1x1x128x32xf32, #tpu.memory_space<vmem>>
      %dma_wait3A_354 = tpu.memref_squeeze %dma_wait3A_353 : memref<1x1x128x32xf32, #tpu.memory_space<vmem>> -> memref<128x32xf32, #tpu.memory_space<vmem>>
      %dma_wait3A_355 = arith.constant 0 : i32
      %dma_wait3A_356 = tpu.memref_slice %arg6[%add3A_349, %dma_wait3A_355] : memref<79x128xi32, #tpu.memory_space<vmem>> -> memref<1x128xi32, #tpu.memory_space<vmem>>
      %dma_wait3A_357 = tpu.memref_squeeze %dma_wait3A_356 : memref<1x128xi32, #tpu.memory_space<vmem>> -> memref<128xi32, #tpu.memory_space<vmem>>
      %dma_wait3A_358 = arith.constant 0 : i32
      %dma_wait3A_359 = arith.constant 0 : i32
      %dma_wait3A_360 = tpu.memref_slice %arg9[%dma_wait3A_358, %dma_wait3A_359] : memref<10112x32xf32, #tpu.memory_space<vmem_shared>> -> memref<10112x32xf32, #tpu.memory_space<vmem_shared>>
      tpu.wait_indirect_dma semaphore(%arg12 : memref<!tpu.dma_semaphore, #tpu.memory_space<semaphore_mem>>) src(%dma_wait3A_354 : memref<128x32xf32, #tpu.memory_space<vmem>>) dst(%dma_wait3A_360 : memref<10112x32xf32, #tpu.memory_space<vmem_shared>>)
      %mul3A_361 = arith.constant 3 : i32
      %mul3A_362 = arith.muli %scan3A_184, %mul3A_361 : i32
      %add3A_363 = arith.constant 2 : i32
      %add3A_364 = arith.addi %mul3A_362, %add3A_363 : i32
      %dma_wait3A_365 = arith.constant 2 : i32
      %dma_wait3A_366 = arith.constant 0 : i32
      %dma_wait3A_367 = arith.constant 0 : i32
      %dma_wait3A_368 = tpu.memref_slice %arg7[%rem3A_330, %dma_wait3A_365, %dma_wait3A_366, %dma_wait3A_367] : memref<2x3x128x32xf32, #tpu.memory_space<vmem>> -> memref<1x1x128x32xf32, #tpu.memory_space<vmem>>
      %dma_wait3A_369 = tpu.memref_squeeze %dma_wait3A_368 : memref<1x1x128x32xf32, #tpu.memory_space<vmem>> -> memref<128x32xf32, #tpu.memory_space<vmem>>
      %dma_wait3A_370 = arith.constant 0 : i32
      %dma_wait3A_371 = tpu.memref_slice %arg6[%add3A_364, %dma_wait3A_370] : memref<79x128xi32, #tpu.memory_space<vmem>> -> memref<1x128xi32, #tpu.memory_space<vmem>>
      %dma_wait3A_372 = tpu.memref_squeeze %dma_wait3A_371 : memref<1x128xi32, #tpu.memory_space<vmem>> -> memref<128xi32, #tpu.memory_space<vmem>>
      %dma_wait3A_373 = arith.constant 0 : i32
      %dma_wait3A_374 = arith.constant 0 : i32
      %dma_wait3A_375 = tpu.memref_slice %arg9[%dma_wait3A_373, %dma_wait3A_374] : memref<10112x32xf32, #tpu.memory_space<vmem_shared>> -> memref<10112x32xf32, #tpu.memory_space<vmem_shared>>
      tpu.wait_indirect_dma semaphore(%arg12 : memref<!tpu.dma_semaphore, #tpu.memory_space<semaphore_mem>>) src(%dma_wait3A_369 : memref<128x32xf32, #tpu.memory_space<vmem>>) dst(%dma_wait3A_375 : memref<10112x32xf32, #tpu.memory_space<vmem_shared>>)
    }
    %scan3A_61 = arith.constant 25 : i32
    %dma_wait3A = arith.constant 75 : i32
    %dma_wait3A_62 = arith.constant 1 : i32
    %dma_wait3A_63 = arith.constant 0 : i32
    %dma_wait3A_64 = arith.constant 0 : i32
    %dma_wait3A_65 = arith.constant 0 : i32
    %dma_wait3A_66 = tpu.memref_slice %arg7[%dma_wait3A_62, %dma_wait3A_63, %dma_wait3A_64, %dma_wait3A_65] : memref<2x3x128x32xf32, #tpu.memory_space<vmem>> -> memref<1x1x128x32xf32, #tpu.memory_space<vmem>>
    %dma_wait3A_67 = tpu.memref_squeeze %dma_wait3A_66 : memref<1x1x128x32xf32, #tpu.memory_space<vmem>> -> memref<128x32xf32, #tpu.memory_space<vmem>>
    %dma_wait3A_68 = arith.constant 0 : i32
    %dma_wait3A_69 = tpu.memref_slice %arg5[%dma_wait3A, %dma_wait3A_68] : memref<79x128xi32, #tpu.memory_space<vmem>> -> memref<1x128xi32, #tpu.memory_space<vmem>>
    %dma_wait3A_70 = tpu.memref_squeeze %dma_wait3A_69 : memref<1x128xi32, #tpu.memory_space<vmem>> -> memref<128xi32, #tpu.memory_space<vmem>>
    %dma_wait3A_71 = arith.constant 0 : i32
    %dma_wait3A_72 = arith.constant 0 : i32
    %dma_wait3A_73 = tpu.memref_slice %arg10[%dma_wait3A_71, %dma_wait3A_72] : memref<10000x32xf32, #tpu.memory_space<vmem_shared>> -> memref<10000x32xf32, #tpu.memory_space<vmem_shared>>
    tpu.wait_indirect_dma semaphore(%arg11 : memref<!tpu.dma_semaphore, #tpu.memory_space<semaphore_mem>>) src(%dma_wait3A_73 : memref<10000x32xf32, #tpu.memory_space<vmem_shared>>) dst(%dma_wait3A_67 : memref<128x32xf32, #tpu.memory_space<vmem>>)
    %dma_wait3A_74 = arith.constant 76 : i32
    %dma_wait3A_75 = arith.constant 1 : i32
    %dma_wait3A_76 = arith.constant 1 : i32
    %dma_wait3A_77 = arith.constant 0 : i32
    %dma_wait3A_78 = arith.constant 0 : i32
    %dma_wait3A_79 = tpu.memref_slice %arg7[%dma_wait3A_75, %dma_wait3A_76, %dma_wait3A_77, %dma_wait3A_78] : memref<2x3x128x32xf32, #tpu.memory_space<vmem>> -> memref<1x1x128x32xf32, #tpu.memory_space<vmem>>
    %dma_wait3A_80 = tpu.memref_squeeze %dma_wait3A_79 : memref<1x1x128x32xf32, #tpu.memory_space<vmem>> -> memref<128x32xf32, #tpu.memory_space<vmem>>
    %dma_wait3A_81 = arith.constant 0 : i32
    %dma_wait3A_82 = tpu.memref_slice %arg5[%dma_wait3A_74, %dma_wait3A_81] : memref<79x128xi32, #tpu.memory_space<vmem>> -> memref<1x128xi32, #tpu.memory_space<vmem>>
    %dma_wait3A_83 = tpu.memref_squeeze %dma_wait3A_82 : memref<1x128xi32, #tpu.memory_space<vmem>> -> memref<128xi32, #tpu.memory_space<vmem>>
    %dma_wait3A_84 = arith.constant 0 : i32
    %dma_wait3A_85 = arith.constant 0 : i32
    %dma_wait3A_86 = tpu.memref_slice %arg10[%dma_wait3A_84, %dma_wait3A_85] : memref<10000x32xf32, #tpu.memory_space<vmem_shared>> -> memref<10000x32xf32, #tpu.memory_space<vmem_shared>>
    tpu.wait_indirect_dma semaphore(%arg11 : memref<!tpu.dma_semaphore, #tpu.memory_space<semaphore_mem>>) src(%dma_wait3A_86 : memref<10000x32xf32, #tpu.memory_space<vmem_shared>>) dst(%dma_wait3A_80 : memref<128x32xf32, #tpu.memory_space<vmem>>)
    %dma_wait3A_87 = arith.constant 77 : i32
    %dma_wait3A_88 = arith.constant 1 : i32
    %dma_wait3A_89 = arith.constant 2 : i32
    %dma_wait3A_90 = arith.constant 0 : i32
    %dma_wait3A_91 = arith.constant 0 : i32
    %dma_wait3A_92 = tpu.memref_slice %arg7[%dma_wait3A_88, %dma_wait3A_89, %dma_wait3A_90, %dma_wait3A_91] : memref<2x3x128x32xf32, #tpu.memory_space<vmem>> -> memref<1x1x128x32xf32, #tpu.memory_space<vmem>>
    %dma_wait3A_93 = tpu.memref_squeeze %dma_wait3A_92 : memref<1x1x128x32xf32, #tpu.memory_space<vmem>> -> memref<128x32xf32, #tpu.memory_space<vmem>>
    %dma_wait3A_94 = arith.constant 0 : i32
    %dma_wait3A_95 = tpu.memref_slice %arg5[%dma_wait3A_87, %dma_wait3A_94] : memref<79x128xi32, #tpu.memory_space<vmem>> -> memref<1x128xi32, #tpu.memory_space<vmem>>
    %dma_wait3A_96 = tpu.memref_squeeze %dma_wait3A_95 : memref<1x128xi32, #tpu.memory_space<vmem>> -> memref<128xi32, #tpu.memory_space<vmem>>
    %dma_wait3A_97 = arith.constant 0 : i32
    %dma_wait3A_98 = arith.constant 0 : i32
    %dma_wait3A_99 = tpu.memref_slice %arg10[%dma_wait3A_97, %dma_wait3A_98] : memref<10000x32xf32, #tpu.memory_space<vmem_shared>> -> memref<10000x32xf32, #tpu.memory_space<vmem_shared>>
    tpu.wait_indirect_dma semaphore(%arg11 : memref<!tpu.dma_semaphore, #tpu.memory_space<semaphore_mem>>) src(%dma_wait3A_99 : memref<10000x32xf32, #tpu.memory_space<vmem_shared>>) dst(%dma_wait3A_93 : memref<128x32xf32, #tpu.memory_space<vmem>>)
    %dma_start3A_100 = arith.constant 1 : i32
    %dma_start3A_101 = arith.constant 0 : i32
    %dma_start3A_102 = arith.constant 75 : i32
    %dma_start3A_103 = arith.constant 0 : i32
    %dma_start3A_104 = arith.constant 0 : i32
    %dma_start3A_105 = tpu.memref_slice %arg7[%dma_start3A_100, %dma_start3A_101, %dma_start3A_103, %dma_start3A_104] : memref<2x3x128x32xf32, #tpu.memory_space<vmem>> -> memref<1x1x128x32xf32, #tpu.memory_space<vmem>>
    %dma_start3A_106 = tpu.memref_squeeze %dma_start3A_105 : memref<1x1x128x32xf32, #tpu.memory_space<vmem>> -> memref<128x32xf32, #tpu.memory_space<vmem>>
    %dma_start3A_107 = arith.constant 0 : i32
    %dma_start3A_108 = tpu.memref_slice %arg6[%dma_start3A_102, %dma_start3A_107] : memref<79x128xi32, #tpu.memory_space<vmem>> -> memref<1x128xi32, #tpu.memory_space<vmem>>
    %dma_start3A_109 = tpu.memref_squeeze %dma_start3A_108 : memref<1x128xi32, #tpu.memory_space<vmem>> -> memref<128xi32, #tpu.memory_space<vmem>>
    %dma_start3A_110 = arith.constant 0 : i32
    %dma_start3A_111 = arith.constant 0 : i32
    %dma_start3A_112 = tpu.memref_slice %arg9[%dma_start3A_110, %dma_start3A_111] : memref<10112x32xf32, #tpu.memory_space<vmem_shared>> -> memref<10112x32xf32, #tpu.memory_space<vmem_shared>>
    tpu.enqueue_indirect_dma source(%dma_start3A_106 : memref<128x32xf32, #tpu.memory_space<vmem>>) target(%dma_start3A_112 : memref<10112x32xf32, #tpu.memory_space<vmem_shared>>) offsets(%dma_start3A_109 : memref<128xi32, #tpu.memory_space<vmem>>) semaphore(%arg12 : memref<!tpu.dma_semaphore, #tpu.memory_space<semaphore_mem>>) {add = true}
    %dma_start3A_113 = arith.constant 1 : i32
    %dma_start3A_114 = arith.constant 1 : i32
    %dma_start3A_115 = arith.constant 76 : i32
    %dma_start3A_116 = arith.constant 0 : i32
    %dma_start3A_117 = arith.constant 0 : i32
    %dma_start3A_118 = tpu.memref_slice %arg7[%dma_start3A_113, %dma_start3A_114, %dma_start3A_116, %dma_start3A_117] : memref<2x3x128x32xf32, #tpu.memory_space<vmem>> -> memref<1x1x128x32xf32, #tpu.memory_space<vmem>>
    %dma_start3A_119 = tpu.memref_squeeze %dma_start3A_118 : memref<1x1x128x32xf32, #tpu.memory_space<vmem>> -> memref<128x32xf32, #tpu.memory_space<vmem>>
    %dma_start3A_120 = arith.constant 0 : i32
    %dma_start3A_121 = tpu.memref_slice %arg6[%dma_start3A_115, %dma_start3A_120] : memref<79x128xi32, #tpu.memory_space<vmem>> -> memref<1x128xi32, #tpu.memory_space<vmem>>
    %dma_start3A_122 = tpu.memref_squeeze %dma_start3A_121 : memref<1x128xi32, #tpu.memory_space<vmem>> -> memref<128xi32, #tpu.memory_space<vmem>>
    %dma_start3A_123 = arith.constant 0 : i32
    %dma_start3A_124 = arith.constant 0 : i32
    %dma_start3A_125 = tpu.memref_slice %arg9[%dma_start3A_123, %dma_start3A_124] : memref<10112x32xf32, #tpu.memory_space<vmem_shared>> -> memref<10112x32xf32, #tpu.memory_space<vmem_shared>>
    tpu.enqueue_indirect_dma source(%dma_start3A_119 : memref<128x32xf32, #tpu.memory_space<vmem>>) target(%dma_start3A_125 : memref<10112x32xf32, #tpu.memory_space<vmem_shared>>) offsets(%dma_start3A_122 : memref<128xi32, #tpu.memory_space<vmem>>) semaphore(%arg12 : memref<!tpu.dma_semaphore, #tpu.memory_space<semaphore_mem>>) {add = true}
    %dma_start3A_126 = arith.constant 1 : i32
    %dma_start3A_127 = arith.constant 2 : i32
    %dma_start3A_128 = arith.constant 77 : i32
    %dma_start3A_129 = arith.constant 0 : i32
    %dma_start3A_130 = arith.constant 0 : i32
    %dma_start3A_131 = tpu.memref_slice %arg7[%dma_start3A_126, %dma_start3A_127, %dma_start3A_129, %dma_start3A_130] : memref<2x3x128x32xf32, #tpu.memory_space<vmem>> -> memref<1x1x128x32xf32, #tpu.memory_space<vmem>>
    %dma_start3A_132 = tpu.memref_squeeze %dma_start3A_131 : memref<1x1x128x32xf32, #tpu.memory_space<vmem>> -> memref<128x32xf32, #tpu.memory_space<vmem>>
    %dma_start3A_133 = arith.constant 0 : i32
    %dma_start3A_134 = tpu.memref_slice %arg6[%dma_start3A_128, %dma_start3A_133] : memref<79x128xi32, #tpu.memory_space<vmem>> -> memref<1x128xi32, #tpu.memory_space<vmem>>
    %dma_start3A_135 = tpu.memref_squeeze %dma_start3A_134 : memref<1x128xi32, #tpu.memory_space<vmem>> -> memref<128xi32, #tpu.memory_space<vmem>>
    %dma_start3A_136 = arith.constant 0 : i32
    %dma_start3A_137 = arith.constant 0 : i32
    %dma_start3A_138 = tpu.memref_slice %arg9[%dma_start3A_136, %dma_start3A_137] : memref<10112x32xf32, #tpu.memory_space<vmem_shared>> -> memref<10112x32xf32, #tpu.memory_space<vmem_shared>>
    tpu.enqueue_indirect_dma source(%dma_start3A_132 : memref<128x32xf32, #tpu.memory_space<vmem>>) target(%dma_start3A_138 : memref<10112x32xf32, #tpu.memory_space<vmem_shared>>) offsets(%dma_start3A_135 : memref<128xi32, #tpu.memory_space<vmem>>) semaphore(%arg12 : memref<!tpu.dma_semaphore, #tpu.memory_space<semaphore_mem>>) {add = true}
    %dma_wait3A_139 = arith.constant 1 : i32
    %dma_wait3A_140 = arith.constant 0 : i32
    %dma_wait3A_141 = arith.constant 75 : i32
    %dma_wait3A_142 = arith.constant 0 : i32
    %dma_wait3A_143 = arith.constant 0 : i32
    %dma_wait3A_144 = tpu.memref_slice %arg7[%dma_wait3A_139, %dma_wait3A_140, %dma_wait3A_142, %dma_wait3A_143] : memref<2x3x128x32xf32, #tpu.memory_space<vmem>> -> memref<1x1x128x32xf32, #tpu.memory_space<vmem>>
    %dma_wait3A_145 = tpu.memref_squeeze %dma_wait3A_144 : memref<1x1x128x32xf32, #tpu.memory_space<vmem>> -> memref<128x32xf32, #tpu.memory_space<vmem>>
    %dma_wait3A_146 = arith.constant 0 : i32
    %dma_wait3A_147 = tpu.memref_slice %arg6[%dma_wait3A_141, %dma_wait3A_146] : memref<79x128xi32, #tpu.memory_space<vmem>> -> memref<1x128xi32, #tpu.memory_space<vmem>>
    %dma_wait3A_148 = tpu.memref_squeeze %dma_wait3A_147 : memref<1x128xi32, #tpu.memory_space<vmem>> -> memref<128xi32, #tpu.memory_space<vmem>>
    %dma_wait3A_149 = arith.constant 0 : i32
    %dma_wait3A_150 = arith.constant 0 : i32
    %dma_wait3A_151 = tpu.memref_slice %arg9[%dma_wait3A_149, %dma_wait3A_150] : memref<10112x32xf32, #tpu.memory_space<vmem_shared>> -> memref<10112x32xf32, #tpu.memory_space<vmem_shared>>
    tpu.wait_indirect_dma semaphore(%arg12 : memref<!tpu.dma_semaphore, #tpu.memory_space<semaphore_mem>>) src(%dma_wait3A_145 : memref<128x32xf32, #tpu.memory_space<vmem>>) dst(%dma_wait3A_151 : memref<10112x32xf32, #tpu.memory_space<vmem_shared>>)
    %dma_wait3A_152 = arith.constant 1 : i32
    %dma_wait3A_153 = arith.constant 1 : i32
    %dma_wait3A_154 = arith.constant 76 : i32
    %dma_wait3A_155 = arith.constant 0 : i32
    %dma_wait3A_156 = arith.constant 0 : i32
    %dma_wait3A_157 = tpu.memref_slice %arg7[%dma_wait3A_152, %dma_wait3A_153, %dma_wait3A_155, %dma_wait3A_156] : memref<2x3x128x32xf32, #tpu.memory_space<vmem>> -> memref<1x1x128x32xf32, #tpu.memory_space<vmem>>
    %dma_wait3A_158 = tpu.memref_squeeze %dma_wait3A_157 : memref<1x1x128x32xf32, #tpu.memory_space<vmem>> -> memref<128x32xf32, #tpu.memory_space<vmem>>
    %dma_wait3A_159 = arith.constant 0 : i32
    %dma_wait3A_160 = tpu.memref_slice %arg6[%dma_wait3A_154, %dma_wait3A_159] : memref<79x128xi32, #tpu.memory_space<vmem>> -> memref<1x128xi32, #tpu.memory_space<vmem>>
    %dma_wait3A_161 = tpu.memref_squeeze %dma_wait3A_160 : memref<1x128xi32, #tpu.memory_space<vmem>> -> memref<128xi32, #tpu.memory_space<vmem>>
    %dma_wait3A_162 = arith.constant 0 : i32
    %dma_wait3A_163 = arith.constant 0 : i32
    %dma_wait3A_164 = tpu.memref_slice %arg9[%dma_wait3A_162, %dma_wait3A_163] : memref<10112x32xf32, #tpu.memory_space<vmem_shared>> -> memref<10112x32xf32, #tpu.memory_space<vmem_shared>>
    tpu.wait_indirect_dma semaphore(%arg12 : memref<!tpu.dma_semaphore, #tpu.memory_space<semaphore_mem>>) src(%dma_wait3A_158 : memref<128x32xf32, #tpu.memory_space<vmem>>) dst(%dma_wait3A_164 : memref<10112x32xf32, #tpu.memory_space<vmem_shared>>)
    %dma_wait3A_165 = arith.constant 1 : i32
    %dma_wait3A_166 = arith.constant 2 : i32
    %dma_wait3A_167 = arith.constant 77 : i32
    %dma_wait3A_168 = arith.constant 0 : i32
    %dma_wait3A_169 = arith.constant 0 : i32
    %dma_wait3A_170 = tpu.memref_slice %arg7[%dma_wait3A_165, %dma_wait3A_166, %dma_wait3A_168, %dma_wait3A_169] : memref<2x3x128x32xf32, #tpu.memory_space<vmem>> -> memref<1x1x128x32xf32, #tpu.memory_space<vmem>>
    %dma_wait3A_171 = tpu.memref_squeeze %dma_wait3A_170 : memref<1x1x128x32xf32, #tpu.memory_space<vmem>> -> memref<128x32xf32, #tpu.memory_space<vmem>>
    %dma_wait3A_172 = arith.constant 0 : i32
    %dma_wait3A_173 = tpu.memref_slice %arg6[%dma_wait3A_167, %dma_wait3A_172] : memref<79x128xi32, #tpu.memory_space<vmem>> -> memref<1x128xi32, #tpu.memory_space<vmem>>
    %dma_wait3A_174 = tpu.memref_squeeze %dma_wait3A_173 : memref<1x128xi32, #tpu.memory_space<vmem>> -> memref<128xi32, #tpu.memory_space<vmem>>
    %dma_wait3A_175 = arith.constant 0 : i32
    %dma_wait3A_176 = arith.constant 0 : i32
    %dma_wait3A_177 = tpu.memref_slice %arg9[%dma_wait3A_175, %dma_wait3A_176] : memref<10112x32xf32, #tpu.memory_space<vmem_shared>> -> memref<10112x32xf32, #tpu.memory_space<vmem_shared>>
    tpu.wait_indirect_dma semaphore(%arg12 : memref<!tpu.dma_semaphore, #tpu.memory_space<semaphore_mem>>) src(%dma_wait3A_171 : memref<128x32xf32, #tpu.memory_space<vmem>>) dst(%dma_wait3A_177 : memref<10112x32xf32, #tpu.memory_space<vmem_shared>>)
    %lt3A_178 = arith.constant 4 : i32
    %lt3A_179 = arith.cmpi slt, %add3A, %lt3A_178 : i32
    %convert_element_type3A_180 = arith.extui %lt3A_179 : i1 to i32
    %cond3A_181 = arith.constant 0 : i32
    %cond3A_182 = arith.cmpi ne, %convert_element_type3A_180, %cond3A_181 : i32
    scf.if %cond3A_182 {
      %dma_start3A_184 = arith.constant 78 : i32
      %dma_start3A_185 = arith.constant 0 : i32
      %dma_start3A_186 = arith.constant 0 : i32
      %dma_start3A_187 = arith.constant 0 : i32
      %dma_start3A_188 = arith.constant 0 : i32
      %dma_start3A_189 = tpu.memref_slice %arg7[%dma_start3A_185, %dma_start3A_186, %dma_start3A_187, %dma_start3A_188] : memref<2x3x128x32xf32, #tpu.memory_space<vmem>> -> memref<1x1x128x32xf32, #tpu.memory_space<vmem>>
      %dma_start3A_190 = tpu.memref_squeeze %dma_start3A_189 : memref<1x1x128x32xf32, #tpu.memory_space<vmem>> -> memref<128x32xf32, #tpu.memory_space<vmem>>
      %dma_start3A_191 = arith.constant 0 : i32
      %dma_start3A_192 = tpu.memref_slice %arg5[%dma_start3A_184, %dma_start3A_191] : memref<79x128xi32, #tpu.memory_space<vmem>> -> memref<1x128xi32, #tpu.memory_space<vmem>>
      %dma_start3A_193 = tpu.memref_squeeze %dma_start3A_192 : memref<1x128xi32, #tpu.memory_space<vmem>> -> memref<128xi32, #tpu.memory_space<vmem>>
      %dma_start3A_194 = arith.constant 0 : i32
      %dma_start3A_195 = arith.constant 0 : i32
      %dma_start3A_196 = tpu.memref_slice %arg10[%dma_start3A_194, %dma_start3A_195] : memref<10000x32xf32, #tpu.memory_space<vmem_shared>> -> memref<10000x32xf32, #tpu.memory_space<vmem_shared>>
      tpu.enqueue_indirect_dma source(%dma_start3A_196 : memref<10000x32xf32, #tpu.memory_space<vmem_shared>>) target(%dma_start3A_190 : memref<128x32xf32, #tpu.memory_space<vmem>>) offsets(%dma_start3A_193 : memref<128xi32, #tpu.memory_space<vmem>>) semaphore(%arg11 : memref<!tpu.dma_semaphore, #tpu.memory_space<semaphore_mem>>)
      %dma_wait3A_197 = arith.constant 78 : i32
      %dma_wait3A_198 = arith.constant 0 : i32
      %dma_wait3A_199 = arith.constant 0 : i32
      %dma_wait3A_200 = arith.constant 0 : i32
      %dma_wait3A_201 = arith.constant 0 : i32
      %dma_wait3A_202 = tpu.memref_slice %arg7[%dma_wait3A_198, %dma_wait3A_199, %dma_wait3A_200, %dma_wait3A_201] : memref<2x3x128x32xf32, #tpu.memory_space<vmem>> -> memref<1x1x128x32xf32, #tpu.memory_space<vmem>>
      %dma_wait3A_203 = tpu.memref_squeeze %dma_wait3A_202 : memref<1x1x128x32xf32, #tpu.memory_space<vmem>> -> memref<128x32xf32, #tpu.memory_space<vmem>>
      %dma_wait3A_204 = arith.constant 0 : i32
      %dma_wait3A_205 = tpu.memref_slice %arg5[%dma_wait3A_197, %dma_wait3A_204] : memref<79x128xi32, #tpu.memory_space<vmem>> -> memref<1x128xi32, #tpu.memory_space<vmem>>
      %dma_wait3A_206 = tpu.memref_squeeze %dma_wait3A_205 : memref<1x128xi32, #tpu.memory_space<vmem>> -> memref<128xi32, #tpu.memory_space<vmem>>
      %dma_wait3A_207 = arith.constant 0 : i32
      %dma_wait3A_208 = arith.constant 0 : i32
      %dma_wait3A_209 = tpu.memref_slice %arg10[%dma_wait3A_207, %dma_wait3A_208] : memref<10000x32xf32, #tpu.memory_space<vmem_shared>> -> memref<10000x32xf32, #tpu.memory_space<vmem_shared>>
      tpu.wait_indirect_dma semaphore(%arg11 : memref<!tpu.dma_semaphore, #tpu.memory_space<semaphore_mem>>) src(%dma_wait3A_209 : memref<10000x32xf32, #tpu.memory_space<vmem_shared>>) dst(%dma_wait3A_203 : memref<128x32xf32, #tpu.memory_space<vmem>>)
      %run_scoped3A_210 = arith.constant 0 : i32
      %run_scoped3A_211 = arith.constant 0 : i32
      %run_scoped3A_212 = arith.constant 78 : i32
      "tpu.region"() ({
        %run_scoped3A_213 = tpu.sem_alloc : memref<!tpu.dma_semaphore, #tpu.memory_space<semaphore_mem>>
        %dma_start3A_214 = arith.constant 0 : i32
        %dma_start3A_215 = arith.constant 0 : i32
        %dma_start3A_216 = tpu.memref_slice %arg7[%run_scoped3A_210, %run_scoped3A_211, %dma_start3A_214, %dma_start3A_215] : memref<2x3x128x32xf32, #tpu.memory_space<vmem>> -> memref<1x1x128x32xf32, #tpu.memory_space<vmem>>
        %dma_start3A_217 = tpu.memref_squeeze %dma_start3A_216 : memref<1x1x128x32xf32, #tpu.memory_space<vmem>> -> memref<128x32xf32, #tpu.memory_space<vmem>>
        %dma_start3A_218 = arith.constant 0 : i32
        %dma_start3A_219 = tpu.memref_slice %arg6[%run_scoped3A_212, %dma_start3A_218] : memref<79x128xi32, #tpu.memory_space<vmem>> -> memref<1x128xi32, #tpu.memory_space<vmem>>
        %dma_start3A_220 = tpu.memref_squeeze %dma_start3A_219 : memref<1x128xi32, #tpu.memory_space<vmem>> -> memref<128xi32, #tpu.memory_space<vmem>>
        %dma_start3A_221 = arith.constant 0 : i32
        %dma_start3A_222 = arith.constant 0 : i32
        %dma_start3A_223 = tpu.memref_slice %arg9[%dma_start3A_221, %dma_start3A_222] : memref<10112x32xf32, #tpu.memory_space<vmem_shared>> -> memref<10112x32xf32, #tpu.memory_space<vmem_shared>>
        tpu.enqueue_indirect_dma source(%dma_start3A_217 : memref<128x32xf32, #tpu.memory_space<vmem>>) target(%dma_start3A_223 : memref<10112x32xf32, #tpu.memory_space<vmem_shared>>) offsets(%dma_start3A_220 : memref<128xi32, #tpu.memory_space<vmem>>) semaphore(%run_scoped3A_213 : memref<!tpu.dma_semaphore, #tpu.memory_space<semaphore_mem>>) {add = true}
        %dma_wait3A_224 = arith.constant 0 : i32
        %dma_wait3A_225 = arith.constant 0 : i32
        %dma_wait3A_226 = tpu.memref_slice %arg7[%run_scoped3A_210, %run_scoped3A_211, %dma_wait3A_224, %dma_wait3A_225] : memref<2x3x128x32xf32, #tpu.memory_space<vmem>> -> memref<1x1x128x32xf32, #tpu.memory_space<vmem>>
        %dma_wait3A_227 = tpu.memref_squeeze %dma_wait3A_226 : memref<1x1x128x32xf32, #tpu.memory_space<vmem>> -> memref<128x32xf32, #tpu.memory_space<vmem>>
        %dma_wait3A_228 = arith.constant 0 : i32
        %dma_wait3A_229 = tpu.memref_slice %arg6[%run_scoped3A_212, %dma_wait3A_228] : memref<79x128xi32, #tpu.memory_space<vmem>> -> memref<1x128xi32, #tpu.memory_space<vmem>>
        %dma_wait3A_230 = tpu.memref_squeeze %dma_wait3A_229 : memref<1x128xi32, #tpu.memory_space<vmem>> -> memref<128xi32, #tpu.memory_space<vmem>>
        %dma_wait3A_231 = arith.constant 0 : i32
        %dma_wait3A_232 = arith.constant 0 : i32
        %dma_wait3A_233 = tpu.memref_slice %arg9[%dma_wait3A_231, %dma_wait3A_232] : memref<10112x32xf32, #tpu.memory_space<vmem_shared>> -> memref<10112x32xf32, #tpu.memory_space<vmem_shared>>
        tpu.wait_indirect_dma semaphore(%run_scoped3A_213 : memref<!tpu.dma_semaphore, #tpu.memory_space<semaphore_mem>>) src(%dma_wait3A_227 : memref<128x32xf32, #tpu.memory_space<vmem>>) dst(%dma_wait3A_233 : memref<10112x32xf32, #tpu.memory_space<vmem_shared>>)
        tpu.yield
      }) : () -> ()
    } else {
    }
    %barrier3A_183 = arith.constant 0 : index
    tpu.barrier barrier_id(%barrier3A_183)
    "tpu.region"() ({
      %run_scoped3A_184 = tpu.sem_alloc : memref<!tpu.dma_semaphore, #tpu.memory_space<semaphore_mem>>
      %dma_start3A_185 = arith.constant 0 : i32
      %dma_start3A_186 = tpu.memref_slice %arg9[%mul3A_2, %dma_start3A_185] : memref<10112x32xf32, #tpu.memory_space<vmem_shared>> -> memref<632x32xf32, #tpu.memory_space<vmem_shared>>
      %dma_start3A_187 = arith.constant 0 : i32
      %dma_start3A_188 = tpu.memref_slice %arg9[%mul3A_2, %dma_start3A_187] : memref<10112x32xf32, #tpu.memory_space<vmem_shared>> -> memref<632x32xf32, #tpu.memory_space<vmem_shared>>
      tpu.enqueue_dma source(%dma_start3A_188 : memref<632x32xf32, #tpu.memory_space<vmem_shared>>) target(%arg8 : memref<632x32xf32, #tpu.memory_space<vmem>>) target_semaphore(%run_scoped3A_184 : memref<!tpu.dma_semaphore, #tpu.memory_space<semaphore_mem>>)
      %dma_wait3A_189 = arith.constant 0 : i32
      %dma_wait3A_190 = tpu.memref_slice %arg9[%mul3A_2, %dma_wait3A_189] : memref<10112x32xf32, #tpu.memory_space<vmem_shared>> -> memref<632x32xf32, #tpu.memory_space<vmem_shared>>
      %dma_wait3A_191 = arith.constant 0 : i32
      %dma_wait3A_192 = tpu.memref_slice %arg9[%mul3A_2, %dma_wait3A_191] : memref<10112x32xf32, #tpu.memory_space<vmem_shared>> -> memref<632x32xf32, #tpu.memory_space<vmem_shared>>
      tpu.wait_dma2 semaphore(%run_scoped3A_184 : memref<!tpu.dma_semaphore, #tpu.memory_space<semaphore_mem>>) src(%dma_wait3A_192 : memref<632x32xf32, #tpu.memory_space<vmem_shared>>) dst(%arg8 : memref<632x32xf32, #tpu.memory_space<vmem>>)
      tpu.yield
    }) : () -> ()
    "tpu.region"() ({
      %run_scoped3A_184 = tpu.sem_alloc : memref<!tpu.dma_semaphore, #tpu.memory_space<semaphore_mem>>
      %dma_start3A_185 = arith.constant 0 : i32
      %dma_start3A_186 = tpu.memref_slice %arg4[%arg0, %mul3A_2, %dma_start3A_185] : memref<2x10112x32xf32, #tpu.memory_space<hbm>> -> memref<1x632x32xf32, #tpu.memory_space<hbm>>
      %dma_start3A_187 = tpu.memref_squeeze %dma_start3A_186 : memref<1x632x32xf32, #tpu.memory_space<hbm>> -> memref<632x32xf32, #tpu.memory_space<hbm>>
      %dma_start3A_188 = arith.constant 0 : i32
      %dma_start3A_189 = tpu.memref_slice %arg4[%arg0, %mul3A_2, %dma_start3A_188] : memref<2x10112x32xf32, #tpu.memory_space<hbm>> -> memref<1x632x32xf32, #tpu.memory_space<hbm>>
      %dma_start3A_190 = tpu.memref_squeeze %dma_start3A_189 : memref<1x632x32xf32, #tpu.memory_space<hbm>> -> memref<632x32xf32, #tpu.memory_space<hbm>>
      tpu.enqueue_dma source(%arg8 : memref<632x32xf32, #tpu.memory_space<vmem>>) target(%dma_start3A_190 : memref<632x32xf32, #tpu.memory_space<hbm>>) target_semaphore(%run_scoped3A_184 : memref<!tpu.dma_semaphore, #tpu.memory_space<semaphore_mem>>)
      %dma_wait3A_191 = arith.constant 0 : i32
      %dma_wait3A_192 = tpu.memref_slice %arg4[%arg0, %mul3A_2, %dma_wait3A_191] : memref<2x10112x32xf32, #tpu.memory_space<hbm>> -> memref<1x632x32xf32, #tpu.memory_space<hbm>>
      %dma_wait3A_193 = tpu.memref_squeeze %dma_wait3A_192 : memref<1x632x32xf32, #tpu.memory_space<hbm>> -> memref<632x32xf32, #tpu.memory_space<hbm>>
      %dma_wait3A_194 = arith.constant 0 : i32
      %dma_wait3A_195 = tpu.memref_slice %arg4[%arg0, %mul3A_2, %dma_wait3A_194] : memref<2x10112x32xf32, #tpu.memory_space<hbm>> -> memref<1x632x32xf32, #tpu.memory_space<hbm>>
      %dma_wait3A_196 = tpu.memref_squeeze %dma_wait3A_195 : memref<1x632x32xf32, #tpu.memory_space<hbm>> -> memref<632x32xf32, #tpu.memory_space<hbm>>
      tpu.wait_dma2 semaphore(%run_scoped3A_184 : memref<!tpu.dma_semaphore, #tpu.memory_space<semaphore_mem>>) src(%arg8 : memref<632x32xf32, #tpu.memory_space<vmem>>) dst(%dma_wait3A_196 : memref<632x32xf32, #tpu.memory_space<hbm>>)
      tpu.yield
    }) : () -> ()
    return
  }
}

#map = affine_map<(d0, d1) -> (0, 0)>
#map1 = affine_map<(d0, d1) -> (0, 0, 0)>
module attributes {stable_mosaic.version = 14 : i64} {
  func.func @body(%arg0: i32, %arg1: i32, %arg2: memref<10000x32xf32, #tpu.memory_space<hbm>>, %arg3: memref<2x2500x128xi32, #tpu.memory_space<hbm>>, %arg4: memref<2x10112x32xf32, #tpu.memory_space<hbm>>, %arg5: memref<2x10112xf32, #tpu.memory_space<hbm>>, %arg6: memref<79x128xi32, #tpu.memory_space<vmem>>, %arg7: memref<79x128xi32, #tpu.memory_space<vmem>>, %arg8: memref<2x3x128x32xf32, #tpu.memory_space<vmem>>, %arg9: memref<632x32xf32, #tpu.memory_space<vmem>>, %arg10: memref<10112x32xf32, #tpu.memory_space<vmem_shared>>, %arg11: memref<10000x32xf32, #tpu.memory_space<vmem_shared>>, %arg12: memref<!tpu.dma_semaphore, #tpu.memory_space<semaphore_mem>>, %arg13: memref<!tpu.dma_semaphore, #tpu.memory_space<semaphore_mem>>, %arg14: memref<128xf32, #tpu.memory_space<vmem>>, %arg15: memref<640xf32, #tpu.memory_space<vmem>>, %arg16: memref<10112xf32, #tpu.memory_space<vmem_shared>>, %arg17: memref<!tpu.dma_semaphore, #tpu.memory_space<semaphore_mem>>) attributes {dimension_semantics = [#tpu.dimension_semantics<core_parallel>, #tpu.dimension_semantics<subcore_parallel>], iteration_bounds = array<i64: 2, 16>, scalar_prefetch = 0 : i64, scratch_operands = 12 : i64, tpu.core_type = #tpu.core_type<sc_vector_subcore>, window_params = [{transform_indices = #map}, {transform_indices = #map1}, {transform_indices = #map1}, {transform_indices = #map}]} {
    %mul3A = arith.constant 2 : i32
    %mul3A_0 = arith.muli %arg1, %mul3A : i32
    %add3A = arith.addi %mul3A_0, %arg0 : i32
    %mul3A_1 = arith.constant 632 : i32
    %mul3A_2 = arith.muli %arg1, %mul3A_1 : i32
    %broadcast_in_dim3A = arith.constant 0.000000e+00 : f32
    %broadcast_in_dim3A_3 = vector.broadcast %broadcast_in_dim3A : f32 to vector<16xf32>
    %mul3A_4 = arith.constant 78 : i32
    %mul3A_5 = arith.muli %add3A, %mul3A_4 : i32
    %min3A = arith.constant 4 : i32
    %min3A_6 = arith.minsi %add3A, %min3A : i32
    %add3A_7 = arith.addi %mul3A_5, %min3A_6 : i32
    %run_scoped3A = arith.constant 0 : i32
    "tpu.region"() ({
      %run_scoped3A_273 = tpu.sem_alloc : memref<!tpu.dma_semaphore, #tpu.memory_space<semaphore_mem>>
      %dma_start3A_274 = arith.constant 0 : i32
      %dma_start3A_275 = arith.constant 0 : i32
      %dma_start3A_276 = tpu.memref_slice %arg6[%dma_start3A_274, %dma_start3A_275] : memref<79x128xi32, #tpu.memory_space<vmem>> -> memref<78x128xi32, #tpu.memory_space<vmem>>
      %dma_start3A_277 = arith.constant 0 : i32
      %dma_start3A_278 = tpu.memref_slice %arg3[%run_scoped3A, %add3A_7, %dma_start3A_277] : memref<2x2500x128xi32, #tpu.memory_space<hbm>> -> memref<1x78x128xi32, #tpu.memory_space<hbm>>
      %dma_start3A_279 = tpu.memref_squeeze %dma_start3A_278 : memref<1x78x128xi32, #tpu.memory_space<hbm>> -> memref<78x128xi32, #tpu.memory_space<hbm>>
      %dma_start3A_280 = arith.constant 0 : i32
      %dma_start3A_281 = arith.constant 0 : i32
      %dma_start3A_282 = tpu.memref_slice %arg6[%dma_start3A_280, %dma_start3A_281] : memref<79x128xi32, #tpu.memory_space<vmem>> -> memref<78x128xi32, #tpu.memory_space<vmem>>
      %dma_start3A_283 = arith.constant 0 : i32
      %dma_start3A_284 = tpu.memref_slice %arg3[%run_scoped3A, %add3A_7, %dma_start3A_283] : memref<2x2500x128xi32, #tpu.memory_space<hbm>> -> memref<1x78x128xi32, #tpu.memory_space<hbm>>
      %dma_start3A_285 = tpu.memref_squeeze %dma_start3A_284 : memref<1x78x128xi32, #tpu.memory_space<hbm>> -> memref<78x128xi32, #tpu.memory_space<hbm>>
      tpu.enqueue_dma source(%dma_start3A_285 : memref<78x128xi32, #tpu.memory_space<hbm>>) target(%dma_start3A_282 : memref<78x128xi32, #tpu.memory_space<vmem>>) target_semaphore(%run_scoped3A_273 : memref<!tpu.dma_semaphore, #tpu.memory_space<semaphore_mem>>)
      %dma_wait3A_286 = arith.constant 0 : i32
      %dma_wait3A_287 = arith.constant 0 : i32
      %dma_wait3A_288 = tpu.memref_slice %arg6[%dma_wait3A_286, %dma_wait3A_287] : memref<79x128xi32, #tpu.memory_space<vmem>> -> memref<78x128xi32, #tpu.memory_space<vmem>>
      %dma_wait3A_289 = arith.constant 0 : i32
      %dma_wait3A_290 = tpu.memref_slice %arg3[%run_scoped3A, %add3A_7, %dma_wait3A_289] : memref<2x2500x128xi32, #tpu.memory_space<hbm>> -> memref<1x78x128xi32, #tpu.memory_space<hbm>>
      %dma_wait3A_291 = tpu.memref_squeeze %dma_wait3A_290 : memref<1x78x128xi32, #tpu.memory_space<hbm>> -> memref<78x128xi32, #tpu.memory_space<hbm>>
      %dma_wait3A_292 = arith.constant 0 : i32
      %dma_wait3A_293 = arith.constant 0 : i32
      %dma_wait3A_294 = tpu.memref_slice %arg6[%dma_wait3A_292, %dma_wait3A_293] : memref<79x128xi32, #tpu.memory_space<vmem>> -> memref<78x128xi32, #tpu.memory_space<vmem>>
      %dma_wait3A_295 = arith.constant 0 : i32
      %dma_wait3A_296 = tpu.memref_slice %arg3[%run_scoped3A, %add3A_7, %dma_wait3A_295] : memref<2x2500x128xi32, #tpu.memory_space<hbm>> -> memref<1x78x128xi32, #tpu.memory_space<hbm>>
      %dma_wait3A_297 = tpu.memref_squeeze %dma_wait3A_296 : memref<1x78x128xi32, #tpu.memory_space<hbm>> -> memref<78x128xi32, #tpu.memory_space<hbm>>
      tpu.wait_dma2 semaphore(%run_scoped3A_273 : memref<!tpu.dma_semaphore, #tpu.memory_space<semaphore_mem>>) src(%dma_wait3A_297 : memref<78x128xi32, #tpu.memory_space<hbm>>) dst(%dma_wait3A_294 : memref<78x128xi32, #tpu.memory_space<vmem>>)
      tpu.yield
    }) : () -> ()
    %run_scoped3A_8 = arith.constant 1 : i32
    "tpu.region"() ({
      %run_scoped3A_273 = tpu.sem_alloc : memref<!tpu.dma_semaphore, #tpu.memory_space<semaphore_mem>>
      %dma_start3A_274 = arith.constant 0 : i32
      %dma_start3A_275 = arith.constant 0 : i32
      %dma_start3A_276 = tpu.memref_slice %arg7[%dma_start3A_274, %dma_start3A_275] : memref<79x128xi32, #tpu.memory_space<vmem>> -> memref<78x128xi32, #tpu.memory_space<vmem>>
      %dma_start3A_277 = arith.constant 0 : i32
      %dma_start3A_278 = tpu.memref_slice %arg3[%run_scoped3A_8, %add3A_7, %dma_start3A_277] : memref<2x2500x128xi32, #tpu.memory_space<hbm>> -> memref<1x78x128xi32, #tpu.memory_space<hbm>>
      %dma_start3A_279 = tpu.memref_squeeze %dma_start3A_278 : memref<1x78x128xi32, #tpu.memory_space<hbm>> -> memref<78x128xi32, #tpu.memory_space<hbm>>
      %dma_start3A_280 = arith.constant 0 : i32
      %dma_start3A_281 = arith.constant 0 : i32
      %dma_start3A_282 = tpu.memref_slice %arg7[%dma_start3A_280, %dma_start3A_281] : memref<79x128xi32, #tpu.memory_space<vmem>> -> memref<78x128xi32, #tpu.memory_space<vmem>>
      %dma_start3A_283 = arith.constant 0 : i32
      %dma_start3A_284 = tpu.memref_slice %arg3[%run_scoped3A_8, %add3A_7, %dma_start3A_283] : memref<2x2500x128xi32, #tpu.memory_space<hbm>> -> memref<1x78x128xi32, #tpu.memory_space<hbm>>
      %dma_start3A_285 = tpu.memref_squeeze %dma_start3A_284 : memref<1x78x128xi32, #tpu.memory_space<hbm>> -> memref<78x128xi32, #tpu.memory_space<hbm>>
      tpu.enqueue_dma source(%dma_start3A_285 : memref<78x128xi32, #tpu.memory_space<hbm>>) target(%dma_start3A_282 : memref<78x128xi32, #tpu.memory_space<vmem>>) target_semaphore(%run_scoped3A_273 : memref<!tpu.dma_semaphore, #tpu.memory_space<semaphore_mem>>)
      %dma_wait3A_286 = arith.constant 0 : i32
      %dma_wait3A_287 = arith.constant 0 : i32
      %dma_wait3A_288 = tpu.memref_slice %arg7[%dma_wait3A_286, %dma_wait3A_287] : memref<79x128xi32, #tpu.memory_space<vmem>> -> memref<78x128xi32, #tpu.memory_space<vmem>>
      %dma_wait3A_289 = arith.constant 0 : i32
      %dma_wait3A_290 = tpu.memref_slice %arg3[%run_scoped3A_8, %add3A_7, %dma_wait3A_289] : memref<2x2500x128xi32, #tpu.memory_space<hbm>> -> memref<1x78x128xi32, #tpu.memory_space<hbm>>
      %dma_wait3A_291 = tpu.memref_squeeze %dma_wait3A_290 : memref<1x78x128xi32, #tpu.memory_space<hbm>> -> memref<78x128xi32, #tpu.memory_space<hbm>>
      %dma_wait3A_292 = arith.constant 0 : i32
      %dma_wait3A_293 = arith.constant 0 : i32
      %dma_wait3A_294 = tpu.memref_slice %arg7[%dma_wait3A_292, %dma_wait3A_293] : memref<79x128xi32, #tpu.memory_space<vmem>> -> memref<78x128xi32, #tpu.memory_space<vmem>>
      %dma_wait3A_295 = arith.constant 0 : i32
      %dma_wait3A_296 = tpu.memref_slice %arg3[%run_scoped3A_8, %add3A_7, %dma_wait3A_295] : memref<2x2500x128xi32, #tpu.memory_space<hbm>> -> memref<1x78x128xi32, #tpu.memory_space<hbm>>
      %dma_wait3A_297 = tpu.memref_squeeze %dma_wait3A_296 : memref<1x78x128xi32, #tpu.memory_space<hbm>> -> memref<78x128xi32, #tpu.memory_space<hbm>>
      tpu.wait_dma2 semaphore(%run_scoped3A_273 : memref<!tpu.dma_semaphore, #tpu.memory_space<semaphore_mem>>) src(%dma_wait3A_297 : memref<78x128xi32, #tpu.memory_space<hbm>>) dst(%dma_wait3A_294 : memref<78x128xi32, #tpu.memory_space<vmem>>)
      tpu.yield
    }) : () -> ()
    %lt3A = arith.constant 4 : i32
    %lt3A_9 = arith.cmpi slt, %add3A, %lt3A : i32
    %convert_element_type3A = arith.extui %lt3A_9 : i1 to i32
    %cond3A = arith.constant 0 : i32
    %cond3A_10 = arith.cmpi ne, %convert_element_type3A, %cond3A : i32
    scf.if %cond3A_10 {
      %add3A_273 = arith.constant 78 : i32
      %add3A_274 = arith.addi %add3A_7, %add3A_273 : i32
      %run_scoped3A_275 = arith.constant 0 : i32
      "tpu.region"() ({
        %run_scoped3A_279 = tpu.sem_alloc : memref<!tpu.dma_semaphore, #tpu.memory_space<semaphore_mem>>
        %dma_start3A_280 = arith.constant 78 : i32
        %dma_start3A_281 = arith.constant 0 : i32
        %dma_start3A_282 = tpu.memref_slice %arg6[%dma_start3A_280, %dma_start3A_281] : memref<79x128xi32, #tpu.memory_space<vmem>> -> memref<1x128xi32, #tpu.memory_space<vmem>>
        %dma_start3A_283 = arith.constant 0 : i32
        %dma_start3A_284 = tpu.memref_slice %arg3[%run_scoped3A_275, %add3A_274, %dma_start3A_283] : memref<2x2500x128xi32, #tpu.memory_space<hbm>> -> memref<1x1x128xi32, #tpu.memory_space<hbm>>
        %dma_start3A_285 = tpu.memref_squeeze %dma_start3A_284 : memref<1x1x128xi32, #tpu.memory_space<hbm>> -> memref<1x128xi32, #tpu.memory_space<hbm>>
        %dma_start3A_286 = arith.constant 78 : i32
        %dma_start3A_287 = arith.constant 0 : i32
        %dma_start3A_288 = tpu.memref_slice %arg6[%dma_start3A_286, %dma_start3A_287] : memref<79x128xi32, #tpu.memory_space<vmem>> -> memref<1x128xi32, #tpu.memory_space<vmem>>
        %dma_start3A_289 = arith.constant 0 : i32
        %dma_start3A_290 = tpu.memref_slice %arg3[%run_scoped3A_275, %add3A_274, %dma_start3A_289] : memref<2x2500x128xi32, #tpu.memory_space<hbm>> -> memref<1x1x128xi32, #tpu.memory_space<hbm>>
        %dma_start3A_291 = tpu.memref_squeeze %dma_start3A_290 : memref<1x1x128xi32, #tpu.memory_space<hbm>> -> memref<1x128xi32, #tpu.memory_space<hbm>>
        tpu.enqueue_dma source(%dma_start3A_291 : memref<1x128xi32, #tpu.memory_space<hbm>>) target(%dma_start3A_288 : memref<1x128xi32, #tpu.memory_space<vmem>>) target_semaphore(%run_scoped3A_279 : memref<!tpu.dma_semaphore, #tpu.memory_space<semaphore_mem>>)
        %dma_wait3A_292 = arith.constant 78 : i32
        %dma_wait3A_293 = arith.constant 0 : i32
        %dma_wait3A_294 = tpu.memref_slice %arg6[%dma_wait3A_292, %dma_wait3A_293] : memref<79x128xi32, #tpu.memory_space<vmem>> -> memref<1x128xi32, #tpu.memory_space<vmem>>
        %dma_wait3A_295 = arith.constant 0 : i32
        %dma_wait3A_296 = tpu.memref_slice %arg3[%run_scoped3A_275, %add3A_274, %dma_wait3A_295] : memref<2x2500x128xi32, #tpu.memory_space<hbm>> -> memref<1x1x128xi32, #tpu.memory_space<hbm>>
        %dma_wait3A_297 = tpu.memref_squeeze %dma_wait3A_296 : memref<1x1x128xi32, #tpu.memory_space<hbm>> -> memref<1x128xi32, #tpu.memory_space<hbm>>
        %dma_wait3A_298 = arith.constant 78 : i32
        %dma_wait3A_299 = arith.constant 0 : i32
        %dma_wait3A_300 = tpu.memref_slice %arg6[%dma_wait3A_298, %dma_wait3A_299] : memref<79x128xi32, #tpu.memory_space<vmem>> -> memref<1x128xi32, #tpu.memory_space<vmem>>
        %dma_wait3A_301 = arith.constant 0 : i32
        %dma_wait3A_302 = tpu.memref_slice %arg3[%run_scoped3A_275, %add3A_274, %dma_wait3A_301] : memref<2x2500x128xi32, #tpu.memory_space<hbm>> -> memref<1x1x128xi32, #tpu.memory_space<hbm>>
        %dma_wait3A_303 = tpu.memref_squeeze %dma_wait3A_302 : memref<1x1x128xi32, #tpu.memory_space<hbm>> -> memref<1x128xi32, #tpu.memory_space<hbm>>
        tpu.wait_dma2 semaphore(%run_scoped3A_279 : memref<!tpu.dma_semaphore, #tpu.memory_space<semaphore_mem>>) src(%dma_wait3A_303 : memref<1x128xi32, #tpu.memory_space<hbm>>) dst(%dma_wait3A_300 : memref<1x128xi32, #tpu.memory_space<vmem>>)
        tpu.yield
      }) : () -> ()
      %add3A_276 = arith.constant 78 : i32
      %add3A_277 = arith.addi %add3A_7, %add3A_276 : i32
      %run_scoped3A_278 = arith.constant 1 : i32
      "tpu.region"() ({
        %run_scoped3A_279 = tpu.sem_alloc : memref<!tpu.dma_semaphore, #tpu.memory_space<semaphore_mem>>
        %dma_start3A_280 = arith.constant 78 : i32
        %dma_start3A_281 = arith.constant 0 : i32
        %dma_start3A_282 = tpu.memref_slice %arg7[%dma_start3A_280, %dma_start3A_281] : memref<79x128xi32, #tpu.memory_space<vmem>> -> memref<1x128xi32, #tpu.memory_space<vmem>>
        %dma_start3A_283 = arith.constant 0 : i32
        %dma_start3A_284 = tpu.memref_slice %arg3[%run_scoped3A_278, %add3A_277, %dma_start3A_283] : memref<2x2500x128xi32, #tpu.memory_space<hbm>> -> memref<1x1x128xi32, #tpu.memory_space<hbm>>
        %dma_start3A_285 = tpu.memref_squeeze %dma_start3A_284 : memref<1x1x128xi32, #tpu.memory_space<hbm>> -> memref<1x128xi32, #tpu.memory_space<hbm>>
        %dma_start3A_286 = arith.constant 78 : i32
        %dma_start3A_287 = arith.constant 0 : i32
        %dma_start3A_288 = tpu.memref_slice %arg7[%dma_start3A_286, %dma_start3A_287] : memref<79x128xi32, #tpu.memory_space<vmem>> -> memref<1x128xi32, #tpu.memory_space<vmem>>
        %dma_start3A_289 = arith.constant 0 : i32
        %dma_start3A_290 = tpu.memref_slice %arg3[%run_scoped3A_278, %add3A_277, %dma_start3A_289] : memref<2x2500x128xi32, #tpu.memory_space<hbm>> -> memref<1x1x128xi32, #tpu.memory_space<hbm>>
        %dma_start3A_291 = tpu.memref_squeeze %dma_start3A_290 : memref<1x1x128xi32, #tpu.memory_space<hbm>> -> memref<1x128xi32, #tpu.memory_space<hbm>>
        tpu.enqueue_dma source(%dma_start3A_291 : memref<1x128xi32, #tpu.memory_space<hbm>>) target(%dma_start3A_288 : memref<1x128xi32, #tpu.memory_space<vmem>>) target_semaphore(%run_scoped3A_279 : memref<!tpu.dma_semaphore, #tpu.memory_space<semaphore_mem>>)
        %dma_wait3A_292 = arith.constant 78 : i32
        %dma_wait3A_293 = arith.constant 0 : i32
        %dma_wait3A_294 = tpu.memref_slice %arg7[%dma_wait3A_292, %dma_wait3A_293] : memref<79x128xi32, #tpu.memory_space<vmem>> -> memref<1x128xi32, #tpu.memory_space<vmem>>
        %dma_wait3A_295 = arith.constant 0 : i32
        %dma_wait3A_296 = tpu.memref_slice %arg3[%run_scoped3A_278, %add3A_277, %dma_wait3A_295] : memref<2x2500x128xi32, #tpu.memory_space<hbm>> -> memref<1x1x128xi32, #tpu.memory_space<hbm>>
        %dma_wait3A_297 = tpu.memref_squeeze %dma_wait3A_296 : memref<1x1x128xi32, #tpu.memory_space<hbm>> -> memref<1x128xi32, #tpu.memory_space<hbm>>
        %dma_wait3A_298 = arith.constant 78 : i32
        %dma_wait3A_299 = arith.constant 0 : i32
        %dma_wait3A_300 = tpu.memref_slice %arg7[%dma_wait3A_298, %dma_wait3A_299] : memref<79x128xi32, #tpu.memory_space<vmem>> -> memref<1x128xi32, #tpu.memory_space<vmem>>
        %dma_wait3A_301 = arith.constant 0 : i32
        %dma_wait3A_302 = tpu.memref_slice %arg3[%run_scoped3A_278, %add3A_277, %dma_wait3A_301] : memref<2x2500x128xi32, #tpu.memory_space<hbm>> -> memref<1x1x128xi32, #tpu.memory_space<hbm>>
        %dma_wait3A_303 = tpu.memref_squeeze %dma_wait3A_302 : memref<1x1x128xi32, #tpu.memory_space<hbm>> -> memref<1x128xi32, #tpu.memory_space<hbm>>
        tpu.wait_dma2 semaphore(%run_scoped3A_279 : memref<!tpu.dma_semaphore, #tpu.memory_space<semaphore_mem>>) src(%dma_wait3A_303 : memref<1x128xi32, #tpu.memory_space<hbm>>) dst(%dma_wait3A_300 : memref<1x128xi32, #tpu.memory_space<vmem>>)
        tpu.yield
      }) : () -> ()
    } else {
    }
    %mul3A_11 = arith.constant 625 : i32
    %mul3A_12 = arith.muli %arg1, %mul3A_11 : i32
    "tpu.region"() ({
      %run_scoped3A_273 = tpu.sem_alloc : memref<!tpu.dma_semaphore, #tpu.memory_space<semaphore_mem>>
      %dma_start3A_274 = arith.constant 0 : i32
      %dma_start3A_275 = arith.constant 0 : i32
      %dma_start3A_276 = tpu.memref_slice %arg9[%dma_start3A_274, %dma_start3A_275] : memref<632x32xf32, #tpu.memory_space<vmem>> -> memref<625x32xf32, #tpu.memory_space<vmem>>
      %dma_start3A_277 = arith.constant 0 : i32
      %dma_start3A_278 = tpu.memref_slice %arg2[%mul3A_12, %dma_start3A_277] : memref<10000x32xf32, #tpu.memory_space<hbm>> -> memref<625x32xf32, #tpu.memory_space<hbm>>
      %dma_start3A_279 = arith.constant 0 : i32
      %dma_start3A_280 = arith.constant 0 : i32
      %dma_start3A_281 = tpu.memref_slice %arg9[%dma_start3A_279, %dma_start3A_280] : memref<632x32xf32, #tpu.memory_space<vmem>> -> memref<625x32xf32, #tpu.memory_space<vmem>>
      %dma_start3A_282 = arith.constant 0 : i32
      %dma_start3A_283 = tpu.memref_slice %arg2[%mul3A_12, %dma_start3A_282] : memref<10000x32xf32, #tpu.memory_space<hbm>> -> memref<625x32xf32, #tpu.memory_space<hbm>>
      tpu.enqueue_dma source(%dma_start3A_283 : memref<625x32xf32, #tpu.memory_space<hbm>>) target(%dma_start3A_281 : memref<625x32xf32, #tpu.memory_space<vmem>>) target_semaphore(%run_scoped3A_273 : memref<!tpu.dma_semaphore, #tpu.memory_space<semaphore_mem>>)
      %dma_wait3A_284 = arith.constant 0 : i32
      %dma_wait3A_285 = arith.constant 0 : i32
      %dma_wait3A_286 = tpu.memref_slice %arg9[%dma_wait3A_284, %dma_wait3A_285] : memref<632x32xf32, #tpu.memory_space<vmem>> -> memref<625x32xf32, #tpu.memory_space<vmem>>
      %dma_wait3A_287 = arith.constant 0 : i32
      %dma_wait3A_288 = tpu.memref_slice %arg2[%mul3A_12, %dma_wait3A_287] : memref<10000x32xf32, #tpu.memory_space<hbm>> -> memref<625x32xf32, #tpu.memory_space<hbm>>
      %dma_wait3A_289 = arith.constant 0 : i32
      %dma_wait3A_290 = arith.constant 0 : i32
      %dma_wait3A_291 = tpu.memref_slice %arg9[%dma_wait3A_289, %dma_wait3A_290] : memref<632x32xf32, #tpu.memory_space<vmem>> -> memref<625x32xf32, #tpu.memory_space<vmem>>
      %dma_wait3A_292 = arith.constant 0 : i32
      %dma_wait3A_293 = tpu.memref_slice %arg2[%mul3A_12, %dma_wait3A_292] : memref<10000x32xf32, #tpu.memory_space<hbm>> -> memref<625x32xf32, #tpu.memory_space<hbm>>
      tpu.wait_dma2 semaphore(%run_scoped3A_273 : memref<!tpu.dma_semaphore, #tpu.memory_space<semaphore_mem>>) src(%dma_wait3A_293 : memref<625x32xf32, #tpu.memory_space<hbm>>) dst(%dma_wait3A_291 : memref<625x32xf32, #tpu.memory_space<vmem>>)
      tpu.yield
    }) : () -> ()
    "tpu.region"() ({
      %run_scoped3A_273 = tpu.sem_alloc : memref<!tpu.dma_semaphore, #tpu.memory_space<semaphore_mem>>
      %dma_start3A_274 = arith.constant 0 : i32
      %dma_start3A_275 = arith.constant 0 : i32
      %dma_start3A_276 = tpu.memref_slice %arg9[%dma_start3A_274, %dma_start3A_275] : memref<632x32xf32, #tpu.memory_space<vmem>> -> memref<625x32xf32, #tpu.memory_space<vmem>>
      %dma_start3A_277 = arith.constant 0 : i32
      %dma_start3A_278 = tpu.memref_slice %arg11[%mul3A_12, %dma_start3A_277] : memref<10000x32xf32, #tpu.memory_space<vmem_shared>> -> memref<625x32xf32, #tpu.memory_space<vmem_shared>>
      %dma_start3A_279 = arith.constant 0 : i32
      %dma_start3A_280 = tpu.memref_slice %arg11[%mul3A_12, %dma_start3A_279] : memref<10000x32xf32, #tpu.memory_space<vmem_shared>> -> memref<625x32xf32, #tpu.memory_space<vmem_shared>>
      %dma_start3A_281 = arith.constant 0 : i32
      %dma_start3A_282 = arith.constant 0 : i32
      %dma_start3A_283 = tpu.memref_slice %arg9[%dma_start3A_281, %dma_start3A_282] : memref<632x32xf32, #tpu.memory_space<vmem>> -> memref<625x32xf32, #tpu.memory_space<vmem>>
      tpu.enqueue_dma source(%dma_start3A_283 : memref<625x32xf32, #tpu.memory_space<vmem>>) target(%dma_start3A_280 : memref<625x32xf32, #tpu.memory_space<vmem_shared>>) target_semaphore(%run_scoped3A_273 : memref<!tpu.dma_semaphore, #tpu.memory_space<semaphore_mem>>)
      %dma_wait3A_284 = arith.constant 0 : i32
      %dma_wait3A_285 = arith.constant 0 : i32
      %dma_wait3A_286 = tpu.memref_slice %arg9[%dma_wait3A_284, %dma_wait3A_285] : memref<632x32xf32, #tpu.memory_space<vmem>> -> memref<625x32xf32, #tpu.memory_space<vmem>>
      %dma_wait3A_287 = arith.constant 0 : i32
      %dma_wait3A_288 = tpu.memref_slice %arg11[%mul3A_12, %dma_wait3A_287] : memref<10000x32xf32, #tpu.memory_space<vmem_shared>> -> memref<625x32xf32, #tpu.memory_space<vmem_shared>>
      %dma_wait3A_289 = arith.constant 0 : i32
      %dma_wait3A_290 = tpu.memref_slice %arg11[%mul3A_12, %dma_wait3A_289] : memref<10000x32xf32, #tpu.memory_space<vmem_shared>> -> memref<625x32xf32, #tpu.memory_space<vmem_shared>>
      %dma_wait3A_291 = arith.constant 0 : i32
      %dma_wait3A_292 = arith.constant 0 : i32
      %dma_wait3A_293 = tpu.memref_slice %arg9[%dma_wait3A_291, %dma_wait3A_292] : memref<632x32xf32, #tpu.memory_space<vmem>> -> memref<625x32xf32, #tpu.memory_space<vmem>>
      tpu.wait_dma2 semaphore(%run_scoped3A_273 : memref<!tpu.dma_semaphore, #tpu.memory_space<semaphore_mem>>) src(%dma_wait3A_293 : memref<625x32xf32, #tpu.memory_space<vmem>>) dst(%dma_wait3A_290 : memref<625x32xf32, #tpu.memory_space<vmem_shared>>)
      tpu.yield
    }) : () -> ()
    %scan3A = arith.constant 0 : i32
    %scan3A_13 = arith.constant 0 : i32
    %scan3A_14 = arith.constant 632 : i32
    %scan3A_15 = arith.addi %scan3A_13, %scan3A_14 : i32
    %scan3A_16 = arith.constant 1 : i32
    scf.for %scan3A_273 = %scan3A_13 to %scan3A_15 step %scan3A_16  : i32 {
      %swap3A_274 = arith.index_cast %scan3A_273 : i32 to index
      %swap3A_275 = arith.constant 0 : index
      %swap3A_276 = tpu.vector_load %arg9[%swap3A_274, %swap3A_275] {strides = array<i32>} : memref<632x32xf32, #tpu.memory_space<vmem>>, vector<1x16xf32>,
      %swap3A_277 = vector.shape_cast %swap3A_276 : vector<1x16xf32> to vector<16xf32>
      %swap3A_278 = vector.shape_cast %broadcast_in_dim3A_3 : vector<16xf32> to vector<1x16xf32>
      tpu.vector_store %arg9[%swap3A_274, %swap3A_275], %swap3A_278 {strides = array<i32>} : memref<632x32xf32, #tpu.memory_space<vmem>>, vector<1x16xf32>,
      %swap3A_279 = arith.index_cast %scan3A_273 : i32 to index
      %swap3A_280 = arith.constant 16 : index
      %swap3A_281 = tpu.vector_load %arg9[%swap3A_279, %swap3A_280] {strides = array<i32>} : memref<632x32xf32, #tpu.memory_space<vmem>>, vector<1x16xf32>,
      %swap3A_282 = vector.shape_cast %swap3A_281 : vector<1x16xf32> to vector<16xf32>
      %swap3A_283 = vector.shape_cast %broadcast_in_dim3A_3 : vector<16xf32> to vector<1x16xf32>
      tpu.vector_store %arg9[%swap3A_279, %swap3A_280], %swap3A_283 {strides = array<i32>} : memref<632x32xf32, #tpu.memory_space<vmem>>, vector<1x16xf32>,
    }
    %scan3A_17 = arith.constant 632 : i32
    "tpu.region"() ({
      %run_scoped3A_273 = tpu.sem_alloc : memref<!tpu.dma_semaphore, #tpu.memory_space<semaphore_mem>>
      %dma_start3A_274 = arith.constant 0 : i32
      %dma_start3A_275 = tpu.memref_slice %arg10[%mul3A_2, %dma_start3A_274] : memref<10112x32xf32, #tpu.memory_space<vmem_shared>> -> memref<632x32xf32, #tpu.memory_space<vmem_shared>>
      %dma_start3A_276 = arith.constant 0 : i32
      %dma_start3A_277 = tpu.memref_slice %arg10[%mul3A_2, %dma_start3A_276] : memref<10112x32xf32, #tpu.memory_space<vmem_shared>> -> memref<632x32xf32, #tpu.memory_space<vmem_shared>>
      tpu.enqueue_dma source(%arg9 : memref<632x32xf32, #tpu.memory_space<vmem>>) target(%dma_start3A_277 : memref<632x32xf32, #tpu.memory_space<vmem_shared>>) target_semaphore(%run_scoped3A_273 : memref<!tpu.dma_semaphore, #tpu.memory_space<semaphore_mem>>)
      %dma_wait3A_278 = arith.constant 0 : i32
      %dma_wait3A_279 = tpu.memref_slice %arg10[%mul3A_2, %dma_wait3A_278] : memref<10112x32xf32, #tpu.memory_space<vmem_shared>> -> memref<632x32xf32, #tpu.memory_space<vmem_shared>>
      %dma_wait3A_280 = arith.constant 0 : i32
      %dma_wait3A_281 = tpu.memref_slice %arg10[%mul3A_2, %dma_wait3A_280] : memref<10112x32xf32, #tpu.memory_space<vmem_shared>> -> memref<632x32xf32, #tpu.memory_space<vmem_shared>>
      tpu.wait_dma2 semaphore(%run_scoped3A_273 : memref<!tpu.dma_semaphore, #tpu.memory_space<semaphore_mem>>) src(%arg9 : memref<632x32xf32, #tpu.memory_space<vmem>>) dst(%dma_wait3A_281 : memref<632x32xf32, #tpu.memory_space<vmem_shared>>)
      tpu.yield
    }) : () -> ()
    %scan3A_18 = arith.constant 0 : i32
    %scan3A_19 = arith.constant 0 : i32
    %scan3A_20 = arith.constant 40 : i32
    %scan3A_21 = arith.addi %scan3A_19, %scan3A_20 : i32
    %scan3A_22 = arith.constant 1 : i32
    scf.for %scan3A_273 = %scan3A_19 to %scan3A_21 step %scan3A_22  : i32 {
      %mul3A_274 = arith.constant 16 : i32
      %mul3A_275 = arith.muli %scan3A_273, %mul3A_274 : i32
      %swap3A_276 = arith.index_cast %mul3A_275 : i32 to index
      %swap3A_277 = tpu.vector_load %arg15[%swap3A_276] {strides = array<i32>} : memref<640xf32, #tpu.memory_space<vmem>>, vector<16xf32>,
      %swap3A_278 = vector.shape_cast %swap3A_277 : vector<16xf32> to vector<16xf32>
      %swap3A_279 = vector.shape_cast %broadcast_in_dim3A_3 : vector<16xf32> to vector<16xf32>
      tpu.vector_store %arg15[%swap3A_276], %swap3A_279 {strides = array<i32>} : memref<640xf32, #tpu.memory_space<vmem>>, vector<16xf32>,
    }
    %scan3A_23 = arith.constant 40 : i32
    "tpu.region"() ({
      %run_scoped3A_273 = tpu.sem_alloc : memref<!tpu.dma_semaphore, #tpu.memory_space<semaphore_mem>>
      %dma_start3A_274 = arith.constant 0 : i32
      %dma_start3A_275 = tpu.memref_slice %arg15[%dma_start3A_274] : memref<640xf32, #tpu.memory_space<vmem>> -> memref<632xf32, #tpu.memory_space<vmem>>
      %dma_start3A_276 = tpu.memref_slice %arg16[%mul3A_2] : memref<10112xf32, #tpu.memory_space<vmem_shared>> -> memref<632xf32, #tpu.memory_space<vmem_shared>>
      %dma_start3A_277 = tpu.memref_slice %arg16[%mul3A_2] : memref<10112xf32, #tpu.memory_space<vmem_shared>> -> memref<632xf32, #tpu.memory_space<vmem_shared>>
      %dma_start3A_278 = arith.constant 0 : i32
      %dma_start3A_279 = tpu.memref_slice %arg15[%dma_start3A_278] : memref<640xf32, #tpu.memory_space<vmem>> -> memref<632xf32, #tpu.memory_space<vmem>>
      tpu.enqueue_dma source(%dma_start3A_279 : memref<632xf32, #tpu.memory_space<vmem>>) target(%dma_start3A_277 : memref<632xf32, #tpu.memory_space<vmem_shared>>) target_semaphore(%run_scoped3A_273 : memref<!tpu.dma_semaphore, #tpu.memory_space<semaphore_mem>>)
      %dma_wait3A_280 = arith.constant 0 : i32
      %dma_wait3A_281 = tpu.memref_slice %arg15[%dma_wait3A_280] : memref<640xf32, #tpu.memory_space<vmem>> -> memref<632xf32, #tpu.memory_space<vmem>>
      %dma_wait3A_282 = tpu.memref_slice %arg16[%mul3A_2] : memref<10112xf32, #tpu.memory_space<vmem_shared>> -> memref<632xf32, #tpu.memory_space<vmem_shared>>
      %dma_wait3A_283 = tpu.memref_slice %arg16[%mul3A_2] : memref<10112xf32, #tpu.memory_space<vmem_shared>> -> memref<632xf32, #tpu.memory_space<vmem_shared>>
      %dma_wait3A_284 = arith.constant 0 : i32
      %dma_wait3A_285 = tpu.memref_slice %arg15[%dma_wait3A_284] : memref<640xf32, #tpu.memory_space<vmem>> -> memref<632xf32, #tpu.memory_space<vmem>>
      tpu.wait_dma2 semaphore(%run_scoped3A_273 : memref<!tpu.dma_semaphore, #tpu.memory_space<semaphore_mem>>) src(%dma_wait3A_285 : memref<632xf32, #tpu.memory_space<vmem>>) dst(%dma_wait3A_283 : memref<632xf32, #tpu.memory_space<vmem_shared>>)
      tpu.yield
    }) : () -> ()
    %broadcast_in_dim3A_24 = arith.constant 1.000000e+00 : f32
    %broadcast_in_dim3A_25 = vector.broadcast %broadcast_in_dim3A_24 : f32 to vector<16xf32>
    %swap3A = arith.constant 0 : index
    %swap3A_26 = tpu.vector_load %arg14[%swap3A] {strides = array<i32>} : memref<128xf32, #tpu.memory_space<vmem>>, vector<16xf32>,
    %swap3A_27 = vector.shape_cast %swap3A_26 : vector<16xf32> to vector<16xf32>
    %swap3A_28 = vector.shape_cast %broadcast_in_dim3A_25 : vector<16xf32> to vector<16xf32>
    tpu.vector_store %arg14[%swap3A], %swap3A_28 {strides = array<i32>} : memref<128xf32, #tpu.memory_space<vmem>>, vector<16xf32>,
    %broadcast_in_dim3A_29 = arith.constant 1.000000e+00 : f32
    %broadcast_in_dim3A_30 = vector.broadcast %broadcast_in_dim3A_29 : f32 to vector<16xf32>
    %swap3A_31 = arith.constant 16 : index
    %swap3A_32 = tpu.vector_load %arg14[%swap3A_31] {strides = array<i32>} : memref<128xf32, #tpu.memory_space<vmem>>, vector<16xf32>,
    %swap3A_33 = vector.shape_cast %swap3A_32 : vector<16xf32> to vector<16xf32>
    %swap3A_34 = vector.shape_cast %broadcast_in_dim3A_30 : vector<16xf32> to vector<16xf32>
    tpu.vector_store %arg14[%swap3A_31], %swap3A_34 {strides = array<i32>} : memref<128xf32, #tpu.memory_space<vmem>>, vector<16xf32>,
    %broadcast_in_dim3A_35 = arith.constant 1.000000e+00 : f32
    %broadcast_in_dim3A_36 = vector.broadcast %broadcast_in_dim3A_35 : f32 to vector<16xf32>
    %swap3A_37 = arith.constant 32 : index
    %swap3A_38 = tpu.vector_load %arg14[%swap3A_37] {strides = array<i32>} : memref<128xf32, #tpu.memory_space<vmem>>, vector<16xf32>,
    %swap3A_39 = vector.shape_cast %swap3A_38 : vector<16xf32> to vector<16xf32>
    %swap3A_40 = vector.shape_cast %broadcast_in_dim3A_36 : vector<16xf32> to vector<16xf32>
    tpu.vector_store %arg14[%swap3A_37], %swap3A_40 {strides = array<i32>} : memref<128xf32, #tpu.memory_space<vmem>>, vector<16xf32>,
    %broadcast_in_dim3A_41 = arith.constant 1.000000e+00 : f32
    %broadcast_in_dim3A_42 = vector.broadcast %broadcast_in_dim3A_41 : f32 to vector<16xf32>
    %swap3A_43 = arith.constant 48 : index
    %swap3A_44 = tpu.vector_load %arg14[%swap3A_43] {strides = array<i32>} : memref<128xf32, #tpu.memory_space<vmem>>, vector<16xf32>,
    %swap3A_45 = vector.shape_cast %swap3A_44 : vector<16xf32> to vector<16xf32>
    %swap3A_46 = vector.shape_cast %broadcast_in_dim3A_42 : vector<16xf32> to vector<16xf32>
    tpu.vector_store %arg14[%swap3A_43], %swap3A_46 {strides = array<i32>} : memref<128xf32, #tpu.memory_space<vmem>>, vector<16xf32>,
    %broadcast_in_dim3A_47 = arith.constant 1.000000e+00 : f32
    %broadcast_in_dim3A_48 = vector.broadcast %broadcast_in_dim3A_47 : f32 to vector<16xf32>
    %swap3A_49 = arith.constant 64 : index
    %swap3A_50 = tpu.vector_load %arg14[%swap3A_49] {strides = array<i32>} : memref<128xf32, #tpu.memory_space<vmem>>, vector<16xf32>,
    %swap3A_51 = vector.shape_cast %swap3A_50 : vector<16xf32> to vector<16xf32>
    %swap3A_52 = vector.shape_cast %broadcast_in_dim3A_48 : vector<16xf32> to vector<16xf32>
    tpu.vector_store %arg14[%swap3A_49], %swap3A_52 {strides = array<i32>} : memref<128xf32, #tpu.memory_space<vmem>>, vector<16xf32>,
    %broadcast_in_dim3A_53 = arith.constant 1.000000e+00 : f32
    %broadcast_in_dim3A_54 = vector.broadcast %broadcast_in_dim3A_53 : f32 to vector<16xf32>
    %swap3A_55 = arith.constant 80 : index
    %swap3A_56 = tpu.vector_load %arg14[%swap3A_55] {strides = array<i32>} : memref<128xf32, #tpu.memory_space<vmem>>, vector<16xf32>,
    %swap3A_57 = vector.shape_cast %swap3A_56 : vector<16xf32> to vector<16xf32>
    %swap3A_58 = vector.shape_cast %broadcast_in_dim3A_54 : vector<16xf32> to vector<16xf32>
    tpu.vector_store %arg14[%swap3A_55], %swap3A_58 {strides = array<i32>} : memref<128xf32, #tpu.memory_space<vmem>>, vector<16xf32>,
    %broadcast_in_dim3A_59 = arith.constant 1.000000e+00 : f32
    %broadcast_in_dim3A_60 = vector.broadcast %broadcast_in_dim3A_59 : f32 to vector<16xf32>
    %swap3A_61 = arith.constant 96 : index
    %swap3A_62 = tpu.vector_load %arg14[%swap3A_61] {strides = array<i32>} : memref<128xf32, #tpu.memory_space<vmem>>, vector<16xf32>,
    %swap3A_63 = vector.shape_cast %swap3A_62 : vector<16xf32> to vector<16xf32>
    %swap3A_64 = vector.shape_cast %broadcast_in_dim3A_60 : vector<16xf32> to vector<16xf32>
    tpu.vector_store %arg14[%swap3A_61], %swap3A_64 {strides = array<i32>} : memref<128xf32, #tpu.memory_space<vmem>>, vector<16xf32>,
    %broadcast_in_dim3A_65 = arith.constant 1.000000e+00 : f32
    %broadcast_in_dim3A_66 = vector.broadcast %broadcast_in_dim3A_65 : f32 to vector<16xf32>
    %swap3A_67 = arith.constant 112 : index
    %swap3A_68 = tpu.vector_load %arg14[%swap3A_67] {strides = array<i32>} : memref<128xf32, #tpu.memory_space<vmem>>, vector<16xf32>,
    %swap3A_69 = vector.shape_cast %swap3A_68 : vector<16xf32> to vector<16xf32>
    %swap3A_70 = vector.shape_cast %broadcast_in_dim3A_66 : vector<16xf32> to vector<16xf32>
    tpu.vector_store %arg14[%swap3A_67], %swap3A_70 {strides = array<i32>} : memref<128xf32, #tpu.memory_space<vmem>>, vector<16xf32>,
    %barrier3A = arith.constant 0 : index
    tpu.barrier barrier_id(%barrier3A)
    %dma_start3A = arith.constant 0 : i32
    %dma_start3A_71 = arith.constant 0 : i32
    %dma_start3A_72 = arith.constant 0 : i32
    %dma_start3A_73 = arith.constant 0 : i32
    %dma_start3A_74 = arith.constant 0 : i32
    %dma_start3A_75 = tpu.memref_slice %arg8[%dma_start3A_71, %dma_start3A_72, %dma_start3A_73, %dma_start3A_74] : memref<2x3x128x32xf32, #tpu.memory_space<vmem>> -> memref<1x1x128x32xf32, #tpu.memory_space<vmem>>
    %dma_start3A_76 = tpu.memref_squeeze %dma_start3A_75 : memref<1x1x128x32xf32, #tpu.memory_space<vmem>> -> memref<128x32xf32, #tpu.memory_space<vmem>>
    %dma_start3A_77 = arith.constant 0 : i32
    %dma_start3A_78 = tpu.memref_slice %arg6[%dma_start3A, %dma_start3A_77] : memref<79x128xi32, #tpu.memory_space<vmem>> -> memref<1x128xi32, #tpu.memory_space<vmem>>
    %dma_start3A_79 = tpu.memref_squeeze %dma_start3A_78 : memref<1x128xi32, #tpu.memory_space<vmem>> -> memref<128xi32, #tpu.memory_space<vmem>>
    %dma_start3A_80 = arith.constant 0 : i32
    %dma_start3A_81 = arith.constant 0 : i32
    %dma_start3A_82 = tpu.memref_slice %arg11[%dma_start3A_80, %dma_start3A_81] : memref<10000x32xf32, #tpu.memory_space<vmem_shared>> -> memref<10000x32xf32, #tpu.memory_space<vmem_shared>>
    tpu.enqueue_indirect_dma source(%dma_start3A_82 : memref<10000x32xf32, #tpu.memory_space<vmem_shared>>) target(%dma_start3A_76 : memref<128x32xf32, #tpu.memory_space<vmem>>) offsets(%dma_start3A_79 : memref<128xi32, #tpu.memory_space<vmem>>) semaphore(%arg12 : memref<!tpu.dma_semaphore, #tpu.memory_space<semaphore_mem>>)
    %dma_start3A_83 = arith.constant 1 : i32
    %dma_start3A_84 = arith.constant 0 : i32
    %dma_start3A_85 = arith.constant 1 : i32
    %dma_start3A_86 = arith.constant 0 : i32
    %dma_start3A_87 = arith.constant 0 : i32
    %dma_start3A_88 = tpu.memref_slice %arg8[%dma_start3A_84, %dma_start3A_85, %dma_start3A_86, %dma_start3A_87] : memref<2x3x128x32xf32, #tpu.memory_space<vmem>> -> memref<1x1x128x32xf32, #tpu.memory_space<vmem>>
    %dma_start3A_89 = tpu.memref_squeeze %dma_start3A_88 : memref<1x1x128x32xf32, #tpu.memory_space<vmem>> -> memref<128x32xf32, #tpu.memory_space<vmem>>
    %dma_start3A_90 = arith.constant 0 : i32
    %dma_start3A_91 = tpu.memref_slice %arg6[%dma_start3A_83, %dma_start3A_90] : memref<79x128xi32, #tpu.memory_space<vmem>> -> memref<1x128xi32, #tpu.memory_space<vmem>>
    %dma_start3A_92 = tpu.memref_squeeze %dma_start3A_91 : memref<1x128xi32, #tpu.memory_space<vmem>> -> memref<128xi32, #tpu.memory_space<vmem>>
    %dma_start3A_93 = arith.constant 0 : i32
    %dma_start3A_94 = arith.constant 0 : i32
    %dma_start3A_95 = tpu.memref_slice %arg11[%dma_start3A_93, %dma_start3A_94] : memref<10000x32xf32, #tpu.memory_space<vmem_shared>> -> memref<10000x32xf32, #tpu.memory_space<vmem_shared>>
    tpu.enqueue_indirect_dma source(%dma_start3A_95 : memref<10000x32xf32, #tpu.memory_space<vmem_shared>>) target(%dma_start3A_89 : memref<128x32xf32, #tpu.memory_space<vmem>>) offsets(%dma_start3A_92 : memref<128xi32, #tpu.memory_space<vmem>>) semaphore(%arg12 : memref<!tpu.dma_semaphore, #tpu.memory_space<semaphore_mem>>)
    %dma_start3A_96 = arith.constant 2 : i32
    %dma_start3A_97 = arith.constant 0 : i32
    %dma_start3A_98 = arith.constant 2 : i32
    %dma_start3A_99 = arith.constant 0 : i32
    %dma_start3A_100 = arith.constant 0 : i32
    %dma_start3A_101 = tpu.memref_slice %arg8[%dma_start3A_97, %dma_start3A_98, %dma_start3A_99, %dma_start3A_100] : memref<2x3x128x32xf32, #tpu.memory_space<vmem>> -> memref<1x1x128x32xf32, #tpu.memory_space<vmem>>
    %dma_start3A_102 = tpu.memref_squeeze %dma_start3A_101 : memref<1x1x128x32xf32, #tpu.memory_space<vmem>> -> memref<128x32xf32, #tpu.memory_space<vmem>>
    %dma_start3A_103 = arith.constant 0 : i32
    %dma_start3A_104 = tpu.memref_slice %arg6[%dma_start3A_96, %dma_start3A_103] : memref<79x128xi32, #tpu.memory_space<vmem>> -> memref<1x128xi32, #tpu.memory_space<vmem>>
    %dma_start3A_105 = tpu.memref_squeeze %dma_start3A_104 : memref<1x128xi32, #tpu.memory_space<vmem>> -> memref<128xi32, #tpu.memory_space<vmem>>
    %dma_start3A_106 = arith.constant 0 : i32
    %dma_start3A_107 = arith.constant 0 : i32
    %dma_start3A_108 = tpu.memref_slice %arg11[%dma_start3A_106, %dma_start3A_107] : memref<10000x32xf32, #tpu.memory_space<vmem_shared>> -> memref<10000x32xf32, #tpu.memory_space<vmem_shared>>
    tpu.enqueue_indirect_dma source(%dma_start3A_108 : memref<10000x32xf32, #tpu.memory_space<vmem_shared>>) target(%dma_start3A_102 : memref<128x32xf32, #tpu.memory_space<vmem>>) offsets(%dma_start3A_105 : memref<128xi32, #tpu.memory_space<vmem>>) semaphore(%arg12 : memref<!tpu.dma_semaphore, #tpu.memory_space<semaphore_mem>>)
    %scan3A_109 = arith.constant 0 : i32
    %scan3A_110 = arith.constant 0 : i32
    %scan3A_111 = arith.constant 25 : i32
    %scan3A_112 = arith.addi %scan3A_110, %scan3A_111 : i32
    %scan3A_113 = arith.constant 1 : i32
    scf.for %scan3A_273 = %scan3A_110 to %scan3A_112 step %scan3A_113  : i32 {
      %add3A_274 = arith.constant 1 : i32
      %add3A_275 = arith.addi %scan3A_273, %add3A_274 : i32
      %add3A_276 = arith.constant 1 : i32
      %add3A_277 = arith.addi %scan3A_273, %add3A_276 : i32
      %rem3A = arith.constant 2 : i32
      %rem3A_278 = arith.remsi %add3A_277, %rem3A : i32
      %mul3A_279 = arith.constant 3 : i32
      %mul3A_280 = arith.muli %add3A_275, %mul3A_279 : i32
      %add3A_281 = arith.constant 0 : i32
      %add3A_282 = arith.addi %mul3A_280, %add3A_281 : i32
      %dma_start3A_283 = arith.constant 0 : i32
      %dma_start3A_284 = arith.constant 0 : i32
      %dma_start3A_285 = arith.constant 0 : i32
      %dma_start3A_286 = tpu.memref_slice %arg8[%rem3A_278, %dma_start3A_283, %dma_start3A_284, %dma_start3A_285] : memref<2x3x128x32xf32, #tpu.memory_space<vmem>> -> memref<1x1x128x32xf32, #tpu.memory_space<vmem>>
      %dma_start3A_287 = tpu.memref_squeeze %dma_start3A_286 : memref<1x1x128x32xf32, #tpu.memory_space<vmem>> -> memref<128x32xf32, #tpu.memory_space<vmem>>
      %dma_start3A_288 = arith.constant 0 : i32
      %dma_start3A_289 = tpu.memref_slice %arg6[%add3A_282, %dma_start3A_288] : memref<79x128xi32, #tpu.memory_space<vmem>> -> memref<1x128xi32, #tpu.memory_space<vmem>>
      %dma_start3A_290 = tpu.memref_squeeze %dma_start3A_289 : memref<1x128xi32, #tpu.memory_space<vmem>> -> memref<128xi32, #tpu.memory_space<vmem>>
      %dma_start3A_291 = arith.constant 0 : i32
      %dma_start3A_292 = arith.constant 0 : i32
      %dma_start3A_293 = tpu.memref_slice %arg11[%dma_start3A_291, %dma_start3A_292] : memref<10000x32xf32, #tpu.memory_space<vmem_shared>> -> memref<10000x32xf32, #tpu.memory_space<vmem_shared>>
      tpu.enqueue_indirect_dma source(%dma_start3A_293 : memref<10000x32xf32, #tpu.memory_space<vmem_shared>>) target(%dma_start3A_287 : memref<128x32xf32, #tpu.memory_space<vmem>>) offsets(%dma_start3A_290 : memref<128xi32, #tpu.memory_space<vmem>>) semaphore(%arg12 : memref<!tpu.dma_semaphore, #tpu.memory_space<semaphore_mem>>)
      %mul3A_294 = arith.constant 3 : i32
      %mul3A_295 = arith.muli %add3A_275, %mul3A_294 : i32
      %add3A_296 = arith.constant 1 : i32
      %add3A_297 = arith.addi %mul3A_295, %add3A_296 : i32
      %dma_start3A_298 = arith.constant 1 : i32
      %dma_start3A_299 = arith.constant 0 : i32
      %dma_start3A_300 = arith.constant 0 : i32
      %dma_start3A_301 = tpu.memref_slice %arg8[%rem3A_278, %dma_start3A_298, %dma_start3A_299, %dma_start3A_300] : memref<2x3x128x32xf32, #tpu.memory_space<vmem>> -> memref<1x1x128x32xf32, #tpu.memory_space<vmem>>
      %dma_start3A_302 = tpu.memref_squeeze %dma_start3A_301 : memref<1x1x128x32xf32, #tpu.memory_space<vmem>> -> memref<128x32xf32, #tpu.memory_space<vmem>>
      %dma_start3A_303 = arith.constant 0 : i32
      %dma_start3A_304 = tpu.memref_slice %arg6[%add3A_297, %dma_start3A_303] : memref<79x128xi32, #tpu.memory_space<vmem>> -> memref<1x128xi32, #tpu.memory_space<vmem>>
      %dma_start3A_305 = tpu.memref_squeeze %dma_start3A_304 : memref<1x128xi32, #tpu.memory_space<vmem>> -> memref<128xi32, #tpu.memory_space<vmem>>
      %dma_start3A_306 = arith.constant 0 : i32
      %dma_start3A_307 = arith.constant 0 : i32
      %dma_start3A_308 = tpu.memref_slice %arg11[%dma_start3A_306, %dma_start3A_307] : memref<10000x32xf32, #tpu.memory_space<vmem_shared>> -> memref<10000x32xf32, #tpu.memory_space<vmem_shared>>
      tpu.enqueue_indirect_dma source(%dma_start3A_308 : memref<10000x32xf32, #tpu.memory_space<vmem_shared>>) target(%dma_start3A_302 : memref<128x32xf32, #tpu.memory_space<vmem>>) offsets(%dma_start3A_305 : memref<128xi32, #tpu.memory_space<vmem>>) semaphore(%arg12 : memref<!tpu.dma_semaphore, #tpu.memory_space<semaphore_mem>>)
      %mul3A_309 = arith.constant 3 : i32
      %mul3A_310 = arith.muli %add3A_275, %mul3A_309 : i32
      %add3A_311 = arith.constant 2 : i32
      %add3A_312 = arith.addi %mul3A_310, %add3A_311 : i32
      %dma_start3A_313 = arith.constant 2 : i32
      %dma_start3A_314 = arith.constant 0 : i32
      %dma_start3A_315 = arith.constant 0 : i32
      %dma_start3A_316 = tpu.memref_slice %arg8[%rem3A_278, %dma_start3A_313, %dma_start3A_314, %dma_start3A_315] : memref<2x3x128x32xf32, #tpu.memory_space<vmem>> -> memref<1x1x128x32xf32, #tpu.memory_space<vmem>>
      %dma_start3A_317 = tpu.memref_squeeze %dma_start3A_316 : memref<1x1x128x32xf32, #tpu.memory_space<vmem>> -> memref<128x32xf32, #tpu.memory_space<vmem>>
      %dma_start3A_318 = arith.constant 0 : i32
      %dma_start3A_319 = tpu.memref_slice %arg6[%add3A_312, %dma_start3A_318] : memref<79x128xi32, #tpu.memory_space<vmem>> -> memref<1x128xi32, #tpu.memory_space<vmem>>
      %dma_start3A_320 = tpu.memref_squeeze %dma_start3A_319 : memref<1x128xi32, #tpu.memory_space<vmem>> -> memref<128xi32, #tpu.memory_space<vmem>>
      %dma_start3A_321 = arith.constant 0 : i32
      %dma_start3A_322 = arith.constant 0 : i32
      %dma_start3A_323 = tpu.memref_slice %arg11[%dma_start3A_321, %dma_start3A_322] : memref<10000x32xf32, #tpu.memory_space<vmem_shared>> -> memref<10000x32xf32, #tpu.memory_space<vmem_shared>>
      tpu.enqueue_indirect_dma source(%dma_start3A_323 : memref<10000x32xf32, #tpu.memory_space<vmem_shared>>) target(%dma_start3A_317 : memref<128x32xf32, #tpu.memory_space<vmem>>) offsets(%dma_start3A_320 : memref<128xi32, #tpu.memory_space<vmem>>) semaphore(%arg12 : memref<!tpu.dma_semaphore, #tpu.memory_space<semaphore_mem>>)
      %rem3A_324 = arith.constant 2 : i32
      %rem3A_325 = arith.remsi %scan3A_273, %rem3A_324 : i32
      %mul3A_326 = arith.constant 3 : i32
      %mul3A_327 = arith.muli %scan3A_273, %mul3A_326 : i32
      %add3A_328 = arith.constant 0 : i32
      %add3A_329 = arith.addi %mul3A_327, %add3A_328 : i32
      %dma_wait3A_330 = arith.constant 0 : i32
      %dma_wait3A_331 = arith.constant 0 : i32
      %dma_wait3A_332 = arith.constant 0 : i32
      %dma_wait3A_333 = tpu.memref_slice %arg8[%rem3A_325, %dma_wait3A_330, %dma_wait3A_331, %dma_wait3A_332] : memref<2x3x128x32xf32, #tpu.memory_space<vmem>> -> memref<1x1x128x32xf32, #tpu.memory_space<vmem>>
      %dma_wait3A_334 = tpu.memref_squeeze %dma_wait3A_333 : memref<1x1x128x32xf32, #tpu.memory_space<vmem>> -> memref<128x32xf32, #tpu.memory_space<vmem>>
      %dma_wait3A_335 = arith.constant 0 : i32
      %dma_wait3A_336 = tpu.memref_slice %arg6[%add3A_329, %dma_wait3A_335] : memref<79x128xi32, #tpu.memory_space<vmem>> -> memref<1x128xi32, #tpu.memory_space<vmem>>
      %dma_wait3A_337 = tpu.memref_squeeze %dma_wait3A_336 : memref<1x128xi32, #tpu.memory_space<vmem>> -> memref<128xi32, #tpu.memory_space<vmem>>
      %dma_wait3A_338 = arith.constant 0 : i32
      %dma_wait3A_339 = arith.constant 0 : i32
      %dma_wait3A_340 = tpu.memref_slice %arg11[%dma_wait3A_338, %dma_wait3A_339] : memref<10000x32xf32, #tpu.memory_space<vmem_shared>> -> memref<10000x32xf32, #tpu.memory_space<vmem_shared>>
      tpu.wait_indirect_dma semaphore(%arg12 : memref<!tpu.dma_semaphore, #tpu.memory_space<semaphore_mem>>) src(%dma_wait3A_340 : memref<10000x32xf32, #tpu.memory_space<vmem_shared>>) dst(%dma_wait3A_334 : memref<128x32xf32, #tpu.memory_space<vmem>>)
      %mul3A_341 = arith.constant 3 : i32
      %mul3A_342 = arith.muli %scan3A_273, %mul3A_341 : i32
      %add3A_343 = arith.constant 1 : i32
      %add3A_344 = arith.addi %mul3A_342, %add3A_343 : i32
      %dma_wait3A_345 = arith.constant 1 : i32
      %dma_wait3A_346 = arith.constant 0 : i32
      %dma_wait3A_347 = arith.constant 0 : i32
      %dma_wait3A_348 = tpu.memref_slice %arg8[%rem3A_325, %dma_wait3A_345, %dma_wait3A_346, %dma_wait3A_347] : memref<2x3x128x32xf32, #tpu.memory_space<vmem>> -> memref<1x1x128x32xf32, #tpu.memory_space<vmem>>
      %dma_wait3A_349 = tpu.memref_squeeze %dma_wait3A_348 : memref<1x1x128x32xf32, #tpu.memory_space<vmem>> -> memref<128x32xf32, #tpu.memory_space<vmem>>
      %dma_wait3A_350 = arith.constant 0 : i32
      %dma_wait3A_351 = tpu.memref_slice %arg6[%add3A_344, %dma_wait3A_350] : memref<79x128xi32, #tpu.memory_space<vmem>> -> memref<1x128xi32, #tpu.memory_space<vmem>>
      %dma_wait3A_352 = tpu.memref_squeeze %dma_wait3A_351 : memref<1x128xi32, #tpu.memory_space<vmem>> -> memref<128xi32, #tpu.memory_space<vmem>>
      %dma_wait3A_353 = arith.constant 0 : i32
      %dma_wait3A_354 = arith.constant 0 : i32
      %dma_wait3A_355 = tpu.memref_slice %arg11[%dma_wait3A_353, %dma_wait3A_354] : memref<10000x32xf32, #tpu.memory_space<vmem_shared>> -> memref<10000x32xf32, #tpu.memory_space<vmem_shared>>
      tpu.wait_indirect_dma semaphore(%arg12 : memref<!tpu.dma_semaphore, #tpu.memory_space<semaphore_mem>>) src(%dma_wait3A_355 : memref<10000x32xf32, #tpu.memory_space<vmem_shared>>) dst(%dma_wait3A_349 : memref<128x32xf32, #tpu.memory_space<vmem>>)
      %mul3A_356 = arith.constant 3 : i32
      %mul3A_357 = arith.muli %scan3A_273, %mul3A_356 : i32
      %add3A_358 = arith.constant 2 : i32
      %add3A_359 = arith.addi %mul3A_357, %add3A_358 : i32
      %dma_wait3A_360 = arith.constant 2 : i32
      %dma_wait3A_361 = arith.constant 0 : i32
      %dma_wait3A_362 = arith.constant 0 : i32
      %dma_wait3A_363 = tpu.memref_slice %arg8[%rem3A_325, %dma_wait3A_360, %dma_wait3A_361, %dma_wait3A_362] : memref<2x3x128x32xf32, #tpu.memory_space<vmem>> -> memref<1x1x128x32xf32, #tpu.memory_space<vmem>>
      %dma_wait3A_364 = tpu.memref_squeeze %dma_wait3A_363 : memref<1x1x128x32xf32, #tpu.memory_space<vmem>> -> memref<128x32xf32, #tpu.memory_space<vmem>>
      %dma_wait3A_365 = arith.constant 0 : i32
      %dma_wait3A_366 = tpu.memref_slice %arg6[%add3A_359, %dma_wait3A_365] : memref<79x128xi32, #tpu.memory_space<vmem>> -> memref<1x128xi32, #tpu.memory_space<vmem>>
      %dma_wait3A_367 = tpu.memref_squeeze %dma_wait3A_366 : memref<1x128xi32, #tpu.memory_space<vmem>> -> memref<128xi32, #tpu.memory_space<vmem>>
      %dma_wait3A_368 = arith.constant 0 : i32
      %dma_wait3A_369 = arith.constant 0 : i32
      %dma_wait3A_370 = tpu.memref_slice %arg11[%dma_wait3A_368, %dma_wait3A_369] : memref<10000x32xf32, #tpu.memory_space<vmem_shared>> -> memref<10000x32xf32, #tpu.memory_space<vmem_shared>>
      tpu.wait_indirect_dma semaphore(%arg12 : memref<!tpu.dma_semaphore, #tpu.memory_space<semaphore_mem>>) src(%dma_wait3A_370 : memref<10000x32xf32, #tpu.memory_space<vmem_shared>>) dst(%dma_wait3A_364 : memref<128x32xf32, #tpu.memory_space<vmem>>)
      %rem3A_371 = arith.constant 2 : i32
      %rem3A_372 = arith.remsi %scan3A_273, %rem3A_371 : i32
      %mul3A_373 = arith.constant 3 : i32
      %mul3A_374 = arith.muli %scan3A_273, %mul3A_373 : i32
      %add3A_375 = arith.constant 0 : i32
      %add3A_376 = arith.addi %mul3A_374, %add3A_375 : i32
      %dma_start3A_377 = arith.constant 0 : i32
      %dma_start3A_378 = arith.constant 0 : i32
      %dma_start3A_379 = arith.constant 0 : i32
      %dma_start3A_380 = tpu.memref_slice %arg8[%rem3A_372, %dma_start3A_377, %dma_start3A_378, %dma_start3A_379] : memref<2x3x128x32xf32, #tpu.memory_space<vmem>> -> memref<1x1x128x32xf32, #tpu.memory_space<vmem>>
      %dma_start3A_381 = tpu.memref_squeeze %dma_start3A_380 : memref<1x1x128x32xf32, #tpu.memory_space<vmem>> -> memref<128x32xf32, #tpu.memory_space<vmem>>
      %dma_start3A_382 = arith.constant 0 : i32
      %dma_start3A_383 = tpu.memref_slice %arg7[%add3A_376, %dma_start3A_382] : memref<79x128xi32, #tpu.memory_space<vmem>> -> memref<1x128xi32, #tpu.memory_space<vmem>>
      %dma_start3A_384 = tpu.memref_squeeze %dma_start3A_383 : memref<1x128xi32, #tpu.memory_space<vmem>> -> memref<128xi32, #tpu.memory_space<vmem>>
      %dma_start3A_385 = arith.constant 0 : i32
      %dma_start3A_386 = arith.constant 0 : i32
      %dma_start3A_387 = tpu.memref_slice %arg10[%dma_start3A_385, %dma_start3A_386] : memref<10112x32xf32, #tpu.memory_space<vmem_shared>> -> memref<10112x32xf32, #tpu.memory_space<vmem_shared>>
      tpu.enqueue_indirect_dma source(%dma_start3A_381 : memref<128x32xf32, #tpu.memory_space<vmem>>) target(%dma_start3A_387 : memref<10112x32xf32, #tpu.memory_space<vmem_shared>>) offsets(%dma_start3A_384 : memref<128xi32, #tpu.memory_space<vmem>>) semaphore(%arg13 : memref<!tpu.dma_semaphore, #tpu.memory_space<semaphore_mem>>) {add = true}
      %mul3A_388 = arith.constant 3 : i32
      %mul3A_389 = arith.muli %scan3A_273, %mul3A_388 : i32
      %add3A_390 = arith.constant 0 : i32
      %add3A_391 = arith.addi %mul3A_389, %add3A_390 : i32
      %dma_start3A_392 = arith.constant 0 : i32
      %dma_start3A_393 = tpu.memref_slice %arg7[%add3A_391, %dma_start3A_392] : memref<79x128xi32, #tpu.memory_space<vmem>> -> memref<1x128xi32, #tpu.memory_space<vmem>>
      %dma_start3A_394 = tpu.memref_squeeze %dma_start3A_393 : memref<1x128xi32, #tpu.memory_space<vmem>> -> memref<128xi32, #tpu.memory_space<vmem>>
      %dma_start3A_395 = arith.constant 0 : i32
      %dma_start3A_396 = tpu.memref_slice %arg16[%dma_start3A_395] : memref<10112xf32, #tpu.memory_space<vmem_shared>> -> memref<10112xf32, #tpu.memory_space<vmem_shared>>
      tpu.enqueue_indirect_dma source(%arg14 : memref<128xf32, #tpu.memory_space<vmem>>) target(%dma_start3A_396 : memref<10112xf32, #tpu.memory_space<vmem_shared>>) offsets(%dma_start3A_394 : memref<128xi32, #tpu.memory_space<vmem>>) semaphore(%arg17 : memref<!tpu.dma_semaphore, #tpu.memory_space<semaphore_mem>>) {add = true}
      %mul3A_397 = arith.constant 3 : i32
      %mul3A_398 = arith.muli %scan3A_273, %mul3A_397 : i32
      %add3A_399 = arith.constant 1 : i32
      %add3A_400 = arith.addi %mul3A_398, %add3A_399 : i32
      %dma_start3A_401 = arith.constant 1 : i32
      %dma_start3A_402 = arith.constant 0 : i32
      %dma_start3A_403 = arith.constant 0 : i32
      %dma_start3A_404 = tpu.memref_slice %arg8[%rem3A_372, %dma_start3A_401, %dma_start3A_402, %dma_start3A_403] : memref<2x3x128x32xf32, #tpu.memory_space<vmem>> -> memref<1x1x128x32xf32, #tpu.memory_space<vmem>>
      %dma_start3A_405 = tpu.memref_squeeze %dma_start3A_404 : memref<1x1x128x32xf32, #tpu.memory_space<vmem>> -> memref<128x32xf32, #tpu.memory_space<vmem>>
      %dma_start3A_406 = arith.constant 0 : i32
      %dma_start3A_407 = tpu.memref_slice %arg7[%add3A_400, %dma_start3A_406] : memref<79x128xi32, #tpu.memory_space<vmem>> -> memref<1x128xi32, #tpu.memory_space<vmem>>
      %dma_start3A_408 = tpu.memref_squeeze %dma_start3A_407 : memref<1x128xi32, #tpu.memory_space<vmem>> -> memref<128xi32, #tpu.memory_space<vmem>>
      %dma_start3A_409 = arith.constant 0 : i32
      %dma_start3A_410 = arith.constant 0 : i32
      %dma_start3A_411 = tpu.memref_slice %arg10[%dma_start3A_409, %dma_start3A_410] : memref<10112x32xf32, #tpu.memory_space<vmem_shared>> -> memref<10112x32xf32, #tpu.memory_space<vmem_shared>>
      tpu.enqueue_indirect_dma source(%dma_start3A_405 : memref<128x32xf32, #tpu.memory_space<vmem>>) target(%dma_start3A_411 : memref<10112x32xf32, #tpu.memory_space<vmem_shared>>) offsets(%dma_start3A_408 : memref<128xi32, #tpu.memory_space<vmem>>) semaphore(%arg13 : memref<!tpu.dma_semaphore, #tpu.memory_space<semaphore_mem>>) {add = true}
      %mul3A_412 = arith.constant 3 : i32
      %mul3A_413 = arith.muli %scan3A_273, %mul3A_412 : i32
      %add3A_414 = arith.constant 1 : i32
      %add3A_415 = arith.addi %mul3A_413, %add3A_414 : i32
      %dma_start3A_416 = arith.constant 0 : i32
      %dma_start3A_417 = tpu.memref_slice %arg7[%add3A_415, %dma_start3A_416] : memref<79x128xi32, #tpu.memory_space<vmem>> -> memref<1x128xi32, #tpu.memory_space<vmem>>
      %dma_start3A_418 = tpu.memref_squeeze %dma_start3A_417 : memref<1x128xi32, #tpu.memory_space<vmem>> -> memref<128xi32, #tpu.memory_space<vmem>>
      %dma_start3A_419 = arith.constant 0 : i32
      %dma_start3A_420 = tpu.memref_slice %arg16[%dma_start3A_419] : memref<10112xf32, #tpu.memory_space<vmem_shared>> -> memref<10112xf32, #tpu.memory_space<vmem_shared>>
      tpu.enqueue_indirect_dma source(%arg14 : memref<128xf32, #tpu.memory_space<vmem>>) target(%dma_start3A_420 : memref<10112xf32, #tpu.memory_space<vmem_shared>>) offsets(%dma_start3A_418 : memref<128xi32, #tpu.memory_space<vmem>>) semaphore(%arg17 : memref<!tpu.dma_semaphore, #tpu.memory_space<semaphore_mem>>) {add = true}
      %mul3A_421 = arith.constant 3 : i32
      %mul3A_422 = arith.muli %scan3A_273, %mul3A_421 : i32
      %add3A_423 = arith.constant 2 : i32
      %add3A_424 = arith.addi %mul3A_422, %add3A_423 : i32
      %dma_start3A_425 = arith.constant 2 : i32
      %dma_start3A_426 = arith.constant 0 : i32
      %dma_start3A_427 = arith.constant 0 : i32
      %dma_start3A_428 = tpu.memref_slice %arg8[%rem3A_372, %dma_start3A_425, %dma_start3A_426, %dma_start3A_427] : memref<2x3x128x32xf32, #tpu.memory_space<vmem>> -> memref<1x1x128x32xf32, #tpu.memory_space<vmem>>
      %dma_start3A_429 = tpu.memref_squeeze %dma_start3A_428 : memref<1x1x128x32xf32, #tpu.memory_space<vmem>> -> memref<128x32xf32, #tpu.memory_space<vmem>>
      %dma_start3A_430 = arith.constant 0 : i32
      %dma_start3A_431 = tpu.memref_slice %arg7[%add3A_424, %dma_start3A_430] : memref<79x128xi32, #tpu.memory_space<vmem>> -> memref<1x128xi32, #tpu.memory_space<vmem>>
      %dma_start3A_432 = tpu.memref_squeeze %dma_start3A_431 : memref<1x128xi32, #tpu.memory_space<vmem>> -> memref<128xi32, #tpu.memory_space<vmem>>
      %dma_start3A_433 = arith.constant 0 : i32
      %dma_start3A_434 = arith.constant 0 : i32
      %dma_start3A_435 = tpu.memref_slice %arg10[%dma_start3A_433, %dma_start3A_434] : memref<10112x32xf32, #tpu.memory_space<vmem_shared>> -> memref<10112x32xf32, #tpu.memory_space<vmem_shared>>
      tpu.enqueue_indirect_dma source(%dma_start3A_429 : memref<128x32xf32, #tpu.memory_space<vmem>>) target(%dma_start3A_435 : memref<10112x32xf32, #tpu.memory_space<vmem_shared>>) offsets(%dma_start3A_432 : memref<128xi32, #tpu.memory_space<vmem>>) semaphore(%arg13 : memref<!tpu.dma_semaphore, #tpu.memory_space<semaphore_mem>>) {add = true}
      %mul3A_436 = arith.constant 3 : i32
      %mul3A_437 = arith.muli %scan3A_273, %mul3A_436 : i32
      %add3A_438 = arith.constant 2 : i32
      %add3A_439 = arith.addi %mul3A_437, %add3A_438 : i32
      %dma_start3A_440 = arith.constant 0 : i32
      %dma_start3A_441 = tpu.memref_slice %arg7[%add3A_439, %dma_start3A_440] : memref<79x128xi32, #tpu.memory_space<vmem>> -> memref<1x128xi32, #tpu.memory_space<vmem>>
      %dma_start3A_442 = tpu.memref_squeeze %dma_start3A_441 : memref<1x128xi32, #tpu.memory_space<vmem>> -> memref<128xi32, #tpu.memory_space<vmem>>
      %dma_start3A_443 = arith.constant 0 : i32
      %dma_start3A_444 = tpu.memref_slice %arg16[%dma_start3A_443] : memref<10112xf32, #tpu.memory_space<vmem_shared>> -> memref<10112xf32, #tpu.memory_space<vmem_shared>>
      tpu.enqueue_indirect_dma source(%arg14 : memref<128xf32, #tpu.memory_space<vmem>>) target(%dma_start3A_444 : memref<10112xf32, #tpu.memory_space<vmem_shared>>) offsets(%dma_start3A_442 : memref<128xi32, #tpu.memory_space<vmem>>) semaphore(%arg17 : memref<!tpu.dma_semaphore, #tpu.memory_space<semaphore_mem>>) {add = true}
      %rem3A_445 = arith.constant 2 : i32
      %rem3A_446 = arith.remsi %scan3A_273, %rem3A_445 : i32
      %mul3A_447 = arith.constant 3 : i32
      %mul3A_448 = arith.muli %scan3A_273, %mul3A_447 : i32
      %add3A_449 = arith.constant 0 : i32
      %add3A_450 = arith.addi %mul3A_448, %add3A_449 : i32
      %dma_wait3A_451 = arith.constant 0 : i32
      %dma_wait3A_452 = arith.constant 0 : i32
      %dma_wait3A_453 = arith.constant 0 : i32
      %dma_wait3A_454 = tpu.memref_slice %arg8[%rem3A_446, %dma_wait3A_451, %dma_wait3A_452, %dma_wait3A_453] : memref<2x3x128x32xf32, #tpu.memory_space<vmem>> -> memref<1x1x128x32xf32, #tpu.memory_space<vmem>>
      %dma_wait3A_455 = tpu.memref_squeeze %dma_wait3A_454 : memref<1x1x128x32xf32, #tpu.memory_space<vmem>> -> memref<128x32xf32, #tpu.memory_space<vmem>>
      %dma_wait3A_456 = arith.constant 0 : i32
      %dma_wait3A_457 = tpu.memref_slice %arg7[%add3A_450, %dma_wait3A_456] : memref<79x128xi32, #tpu.memory_space<vmem>> -> memref<1x128xi32, #tpu.memory_space<vmem>>
      %dma_wait3A_458 = tpu.memref_squeeze %dma_wait3A_457 : memref<1x128xi32, #tpu.memory_space<vmem>> -> memref<128xi32, #tpu.memory_space<vmem>>
      %dma_wait3A_459 = arith.constant 0 : i32
      %dma_wait3A_460 = arith.constant 0 : i32
      %dma_wait3A_461 = tpu.memref_slice %arg10[%dma_wait3A_459, %dma_wait3A_460] : memref<10112x32xf32, #tpu.memory_space<vmem_shared>> -> memref<10112x32xf32, #tpu.memory_space<vmem_shared>>
      tpu.wait_indirect_dma semaphore(%arg13 : memref<!tpu.dma_semaphore, #tpu.memory_space<semaphore_mem>>) src(%dma_wait3A_455 : memref<128x32xf32, #tpu.memory_space<vmem>>) dst(%dma_wait3A_461 : memref<10112x32xf32, #tpu.memory_space<vmem_shared>>)
      %mul3A_462 = arith.constant 3 : i32
      %mul3A_463 = arith.muli %scan3A_273, %mul3A_462 : i32
      %add3A_464 = arith.constant 0 : i32
      %add3A_465 = arith.addi %mul3A_463, %add3A_464 : i32
      %dma_wait3A_466 = arith.constant 0 : i32
      %dma_wait3A_467 = tpu.memref_slice %arg7[%add3A_465, %dma_wait3A_466] : memref<79x128xi32, #tpu.memory_space<vmem>> -> memref<1x128xi32, #tpu.memory_space<vmem>>
      %dma_wait3A_468 = tpu.memref_squeeze %dma_wait3A_467 : memref<1x128xi32, #tpu.memory_space<vmem>> -> memref<128xi32, #tpu.memory_space<vmem>>
      %dma_wait3A_469 = arith.constant 0 : i32
      %dma_wait3A_470 = tpu.memref_slice %arg16[%dma_wait3A_469] : memref<10112xf32, #tpu.memory_space<vmem_shared>> -> memref<10112xf32, #tpu.memory_space<vmem_shared>>
      tpu.wait_indirect_dma semaphore(%arg17 : memref<!tpu.dma_semaphore, #tpu.memory_space<semaphore_mem>>) src(%arg14 : memref<128xf32, #tpu.memory_space<vmem>>) dst(%dma_wait3A_470 : memref<10112xf32, #tpu.memory_space<vmem_shared>>)
      %mul3A_471 = arith.constant 3 : i32
      %mul3A_472 = arith.muli %scan3A_273, %mul3A_471 : i32
      %add3A_473 = arith.constant 1 : i32
      %add3A_474 = arith.addi %mul3A_472, %add3A_473 : i32
      %dma_wait3A_475 = arith.constant 1 : i32
      %dma_wait3A_476 = arith.constant 0 : i32
      %dma_wait3A_477 = arith.constant 0 : i32
      %dma_wait3A_478 = tpu.memref_slice %arg8[%rem3A_446, %dma_wait3A_475, %dma_wait3A_476, %dma_wait3A_477] : memref<2x3x128x32xf32, #tpu.memory_space<vmem>> -> memref<1x1x128x32xf32, #tpu.memory_space<vmem>>
      %dma_wait3A_479 = tpu.memref_squeeze %dma_wait3A_478 : memref<1x1x128x32xf32, #tpu.memory_space<vmem>> -> memref<128x32xf32, #tpu.memory_space<vmem>>
      %dma_wait3A_480 = arith.constant 0 : i32
      %dma_wait3A_481 = tpu.memref_slice %arg7[%add3A_474, %dma_wait3A_480] : memref<79x128xi32, #tpu.memory_space<vmem>> -> memref<1x128xi32, #tpu.memory_space<vmem>>
      %dma_wait3A_482 = tpu.memref_squeeze %dma_wait3A_481 : memref<1x128xi32, #tpu.memory_space<vmem>> -> memref<128xi32, #tpu.memory_space<vmem>>
      %dma_wait3A_483 = arith.constant 0 : i32
      %dma_wait3A_484 = arith.constant 0 : i32
      %dma_wait3A_485 = tpu.memref_slice %arg10[%dma_wait3A_483, %dma_wait3A_484] : memref<10112x32xf32, #tpu.memory_space<vmem_shared>> -> memref<10112x32xf32, #tpu.memory_space<vmem_shared>>
      tpu.wait_indirect_dma semaphore(%arg13 : memref<!tpu.dma_semaphore, #tpu.memory_space<semaphore_mem>>) src(%dma_wait3A_479 : memref<128x32xf32, #tpu.memory_space<vmem>>) dst(%dma_wait3A_485 : memref<10112x32xf32, #tpu.memory_space<vmem_shared>>)
      %mul3A_486 = arith.constant 3 : i32
      %mul3A_487 = arith.muli %scan3A_273, %mul3A_486 : i32
      %add3A_488 = arith.constant 1 : i32
      %add3A_489 = arith.addi %mul3A_487, %add3A_488 : i32
      %dma_wait3A_490 = arith.constant 0 : i32
      %dma_wait3A_491 = tpu.memref_slice %arg7[%add3A_489, %dma_wait3A_490] : memref<79x128xi32, #tpu.memory_space<vmem>> -> memref<1x128xi32, #tpu.memory_space<vmem>>
      %dma_wait3A_492 = tpu.memref_squeeze %dma_wait3A_491 : memref<1x128xi32, #tpu.memory_space<vmem>> -> memref<128xi32, #tpu.memory_space<vmem>>
      %dma_wait3A_493 = arith.constant 0 : i32
      %dma_wait3A_494 = tpu.memref_slice %arg16[%dma_wait3A_493] : memref<10112xf32, #tpu.memory_space<vmem_shared>> -> memref<10112xf32, #tpu.memory_space<vmem_shared>>
      tpu.wait_indirect_dma semaphore(%arg17 : memref<!tpu.dma_semaphore, #tpu.memory_space<semaphore_mem>>) src(%arg14 : memref<128xf32, #tpu.memory_space<vmem>>) dst(%dma_wait3A_494 : memref<10112xf32, #tpu.memory_space<vmem_shared>>)
      %mul3A_495 = arith.constant 3 : i32
      %mul3A_496 = arith.muli %scan3A_273, %mul3A_495 : i32
      %add3A_497 = arith.constant 2 : i32
      %add3A_498 = arith.addi %mul3A_496, %add3A_497 : i32
      %dma_wait3A_499 = arith.constant 2 : i32
      %dma_wait3A_500 = arith.constant 0 : i32
      %dma_wait3A_501 = arith.constant 0 : i32
      %dma_wait3A_502 = tpu.memref_slice %arg8[%rem3A_446, %dma_wait3A_499, %dma_wait3A_500, %dma_wait3A_501] : memref<2x3x128x32xf32, #tpu.memory_space<vmem>> -> memref<1x1x128x32xf32, #tpu.memory_space<vmem>>
      %dma_wait3A_503 = tpu.memref_squeeze %dma_wait3A_502 : memref<1x1x128x32xf32, #tpu.memory_space<vmem>> -> memref<128x32xf32, #tpu.memory_space<vmem>>
      %dma_wait3A_504 = arith.constant 0 : i32
      %dma_wait3A_505 = tpu.memref_slice %arg7[%add3A_498, %dma_wait3A_504] : memref<79x128xi32, #tpu.memory_space<vmem>> -> memref<1x128xi32, #tpu.memory_space<vmem>>
      %dma_wait3A_506 = tpu.memref_squeeze %dma_wait3A_505 : memref<1x128xi32, #tpu.memory_space<vmem>> -> memref<128xi32, #tpu.memory_space<vmem>>
      %dma_wait3A_507 = arith.constant 0 : i32
      %dma_wait3A_508 = arith.constant 0 : i32
      %dma_wait3A_509 = tpu.memref_slice %arg10[%dma_wait3A_507, %dma_wait3A_508] : memref<10112x32xf32, #tpu.memory_space<vmem_shared>> -> memref<10112x32xf32, #tpu.memory_space<vmem_shared>>
      tpu.wait_indirect_dma semaphore(%arg13 : memref<!tpu.dma_semaphore, #tpu.memory_space<semaphore_mem>>) src(%dma_wait3A_503 : memref<128x32xf32, #tpu.memory_space<vmem>>) dst(%dma_wait3A_509 : memref<10112x32xf32, #tpu.memory_space<vmem_shared>>)
      %mul3A_510 = arith.constant 3 : i32
      %mul3A_511 = arith.muli %scan3A_273, %mul3A_510 : i32
      %add3A_512 = arith.constant 2 : i32
      %add3A_513 = arith.addi %mul3A_511, %add3A_512 : i32
      %dma_wait3A_514 = arith.constant 0 : i32
      %dma_wait3A_515 = tpu.memref_slice %arg7[%add3A_513, %dma_wait3A_514] : memref<79x128xi32, #tpu.memory_space<vmem>> -> memref<1x128xi32, #tpu.memory_space<vmem>>
      %dma_wait3A_516 = tpu.memref_squeeze %dma_wait3A_515 : memref<1x128xi32, #tpu.memory_space<vmem>> -> memref<128xi32, #tpu.memory_space<vmem>>
      %dma_wait3A_517 = arith.constant 0 : i32
      %dma_wait3A_518 = tpu.memref_slice %arg16[%dma_wait3A_517] : memref<10112xf32, #tpu.memory_space<vmem_shared>> -> memref<10112xf32, #tpu.memory_space<vmem_shared>>
      tpu.wait_indirect_dma semaphore(%arg17 : memref<!tpu.dma_semaphore, #tpu.memory_space<semaphore_mem>>) src(%arg14 : memref<128xf32, #tpu.memory_space<vmem>>) dst(%dma_wait3A_518 : memref<10112xf32, #tpu.memory_space<vmem_shared>>)
    }
    %scan3A_114 = arith.constant 25 : i32
    %dma_wait3A = arith.constant 75 : i32
    %dma_wait3A_115 = arith.constant 1 : i32
    %dma_wait3A_116 = arith.constant 0 : i32
    %dma_wait3A_117 = arith.constant 0 : i32
    %dma_wait3A_118 = arith.constant 0 : i32
    %dma_wait3A_119 = tpu.memref_slice %arg8[%dma_wait3A_115, %dma_wait3A_116, %dma_wait3A_117, %dma_wait3A_118] : memref<2x3x128x32xf32, #tpu.memory_space<vmem>> -> memref<1x1x128x32xf32, #tpu.memory_space<vmem>>
    %dma_wait3A_120 = tpu.memref_squeeze %dma_wait3A_119 : memref<1x1x128x32xf32, #tpu.memory_space<vmem>> -> memref<128x32xf32, #tpu.memory_space<vmem>>
    %dma_wait3A_121 = arith.constant 0 : i32
    %dma_wait3A_122 = tpu.memref_slice %arg6[%dma_wait3A, %dma_wait3A_121] : memref<79x128xi32, #tpu.memory_space<vmem>> -> memref<1x128xi32, #tpu.memory_space<vmem>>
    %dma_wait3A_123 = tpu.memref_squeeze %dma_wait3A_122 : memref<1x128xi32, #tpu.memory_space<vmem>> -> memref<128xi32, #tpu.memory_space<vmem>>
    %dma_wait3A_124 = arith.constant 0 : i32
    %dma_wait3A_125 = arith.constant 0 : i32
    %dma_wait3A_126 = tpu.memref_slice %arg11[%dma_wait3A_124, %dma_wait3A_125] : memref<10000x32xf32, #tpu.memory_space<vmem_shared>> -> memref<10000x32xf32, #tpu.memory_space<vmem_shared>>
    tpu.wait_indirect_dma semaphore(%arg12 : memref<!tpu.dma_semaphore, #tpu.memory_space<semaphore_mem>>) src(%dma_wait3A_126 : memref<10000x32xf32, #tpu.memory_space<vmem_shared>>) dst(%dma_wait3A_120 : memref<128x32xf32, #tpu.memory_space<vmem>>)
    %dma_wait3A_127 = arith.constant 76 : i32
    %dma_wait3A_128 = arith.constant 1 : i32
    %dma_wait3A_129 = arith.constant 1 : i32
    %dma_wait3A_130 = arith.constant 0 : i32
    %dma_wait3A_131 = arith.constant 0 : i32
    %dma_wait3A_132 = tpu.memref_slice %arg8[%dma_wait3A_128, %dma_wait3A_129, %dma_wait3A_130, %dma_wait3A_131] : memref<2x3x128x32xf32, #tpu.memory_space<vmem>> -> memref<1x1x128x32xf32, #tpu.memory_space<vmem>>
    %dma_wait3A_133 = tpu.memref_squeeze %dma_wait3A_132 : memref<1x1x128x32xf32, #tpu.memory_space<vmem>> -> memref<128x32xf32, #tpu.memory_space<vmem>>
    %dma_wait3A_134 = arith.constant 0 : i32
    %dma_wait3A_135 = tpu.memref_slice %arg6[%dma_wait3A_127, %dma_wait3A_134] : memref<79x128xi32, #tpu.memory_space<vmem>> -> memref<1x128xi32, #tpu.memory_space<vmem>>
    %dma_wait3A_136 = tpu.memref_squeeze %dma_wait3A_135 : memref<1x128xi32, #tpu.memory_space<vmem>> -> memref<128xi32, #tpu.memory_space<vmem>>
    %dma_wait3A_137 = arith.constant 0 : i32
    %dma_wait3A_138 = arith.constant 0 : i32
    %dma_wait3A_139 = tpu.memref_slice %arg11[%dma_wait3A_137, %dma_wait3A_138] : memref<10000x32xf32, #tpu.memory_space<vmem_shared>> -> memref<10000x32xf32, #tpu.memory_space<vmem_shared>>
    tpu.wait_indirect_dma semaphore(%arg12 : memref<!tpu.dma_semaphore, #tpu.memory_space<semaphore_mem>>) src(%dma_wait3A_139 : memref<10000x32xf32, #tpu.memory_space<vmem_shared>>) dst(%dma_wait3A_133 : memref<128x32xf32, #tpu.memory_space<vmem>>)
    %dma_wait3A_140 = arith.constant 77 : i32
    %dma_wait3A_141 = arith.constant 1 : i32
    %dma_wait3A_142 = arith.constant 2 : i32
    %dma_wait3A_143 = arith.constant 0 : i32
    %dma_wait3A_144 = arith.constant 0 : i32
    %dma_wait3A_145 = tpu.memref_slice %arg8[%dma_wait3A_141, %dma_wait3A_142, %dma_wait3A_143, %dma_wait3A_144] : memref<2x3x128x32xf32, #tpu.memory_space<vmem>> -> memref<1x1x128x32xf32, #tpu.memory_space<vmem>>
    %dma_wait3A_146 = tpu.memref_squeeze %dma_wait3A_145 : memref<1x1x128x32xf32, #tpu.memory_space<vmem>> -> memref<128x32xf32, #tpu.memory_space<vmem>>
    %dma_wait3A_147 = arith.constant 0 : i32
    %dma_wait3A_148 = tpu.memref_slice %arg6[%dma_wait3A_140, %dma_wait3A_147] : memref<79x128xi32, #tpu.memory_space<vmem>> -> memref<1x128xi32, #tpu.memory_space<vmem>>
    %dma_wait3A_149 = tpu.memref_squeeze %dma_wait3A_148 : memref<1x128xi32, #tpu.memory_space<vmem>> -> memref<128xi32, #tpu.memory_space<vmem>>
    %dma_wait3A_150 = arith.constant 0 : i32
    %dma_wait3A_151 = arith.constant 0 : i32
    %dma_wait3A_152 = tpu.memref_slice %arg11[%dma_wait3A_150, %dma_wait3A_151] : memref<10000x32xf32, #tpu.memory_space<vmem_shared>> -> memref<10000x32xf32, #tpu.memory_space<vmem_shared>>
    tpu.wait_indirect_dma semaphore(%arg12 : memref<!tpu.dma_semaphore, #tpu.memory_space<semaphore_mem>>) src(%dma_wait3A_152 : memref<10000x32xf32, #tpu.memory_space<vmem_shared>>) dst(%dma_wait3A_146 : memref<128x32xf32, #tpu.memory_space<vmem>>)
    %dma_start3A_153 = arith.constant 1 : i32
    %dma_start3A_154 = arith.constant 0 : i32
    %dma_start3A_155 = arith.constant 75 : i32
    %dma_start3A_156 = arith.constant 0 : i32
    %dma_start3A_157 = arith.constant 0 : i32
    %dma_start3A_158 = tpu.memref_slice %arg8[%dma_start3A_153, %dma_start3A_154, %dma_start3A_156, %dma_start3A_157] : memref<2x3x128x32xf32, #tpu.memory_space<vmem>> -> memref<1x1x128x32xf32, #tpu.memory_space<vmem>>
    %dma_start3A_159 = tpu.memref_squeeze %dma_start3A_158 : memref<1x1x128x32xf32, #tpu.memory_space<vmem>> -> memref<128x32xf32, #tpu.memory_space<vmem>>
    %dma_start3A_160 = arith.constant 0 : i32
    %dma_start3A_161 = tpu.memref_slice %arg7[%dma_start3A_155, %dma_start3A_160] : memref<79x128xi32, #tpu.memory_space<vmem>> -> memref<1x128xi32, #tpu.memory_space<vmem>>
    %dma_start3A_162 = tpu.memref_squeeze %dma_start3A_161 : memref<1x128xi32, #tpu.memory_space<vmem>> -> memref<128xi32, #tpu.memory_space<vmem>>
    %dma_start3A_163 = arith.constant 0 : i32
    %dma_start3A_164 = arith.constant 0 : i32
    %dma_start3A_165 = tpu.memref_slice %arg10[%dma_start3A_163, %dma_start3A_164] : memref<10112x32xf32, #tpu.memory_space<vmem_shared>> -> memref<10112x32xf32, #tpu.memory_space<vmem_shared>>
    tpu.enqueue_indirect_dma source(%dma_start3A_159 : memref<128x32xf32, #tpu.memory_space<vmem>>) target(%dma_start3A_165 : memref<10112x32xf32, #tpu.memory_space<vmem_shared>>) offsets(%dma_start3A_162 : memref<128xi32, #tpu.memory_space<vmem>>) semaphore(%arg13 : memref<!tpu.dma_semaphore, #tpu.memory_space<semaphore_mem>>) {add = true}
    %dma_start3A_166 = arith.constant 75 : i32
    %dma_start3A_167 = arith.constant 0 : i32
    %dma_start3A_168 = tpu.memref_slice %arg7[%dma_start3A_166, %dma_start3A_167] : memref<79x128xi32, #tpu.memory_space<vmem>> -> memref<1x128xi32, #tpu.memory_space<vmem>>
    %dma_start3A_169 = tpu.memref_squeeze %dma_start3A_168 : memref<1x128xi32, #tpu.memory_space<vmem>> -> memref<128xi32, #tpu.memory_space<vmem>>
    %dma_start3A_170 = arith.constant 0 : i32
    %dma_start3A_171 = tpu.memref_slice %arg16[%dma_start3A_170] : memref<10112xf32, #tpu.memory_space<vmem_shared>> -> memref<10112xf32, #tpu.memory_space<vmem_shared>>
    tpu.enqueue_indirect_dma source(%arg14 : memref<128xf32, #tpu.memory_space<vmem>>) target(%dma_start3A_171 : memref<10112xf32, #tpu.memory_space<vmem_shared>>) offsets(%dma_start3A_169 : memref<128xi32, #tpu.memory_space<vmem>>) semaphore(%arg17 : memref<!tpu.dma_semaphore, #tpu.memory_space<semaphore_mem>>) {add = true}
    %dma_start3A_172 = arith.constant 1 : i32
    %dma_start3A_173 = arith.constant 1 : i32
    %dma_start3A_174 = arith.constant 76 : i32
    %dma_start3A_175 = arith.constant 0 : i32
    %dma_start3A_176 = arith.constant 0 : i32
    %dma_start3A_177 = tpu.memref_slice %arg8[%dma_start3A_172, %dma_start3A_173, %dma_start3A_175, %dma_start3A_176] : memref<2x3x128x32xf32, #tpu.memory_space<vmem>> -> memref<1x1x128x32xf32, #tpu.memory_space<vmem>>
    %dma_start3A_178 = tpu.memref_squeeze %dma_start3A_177 : memref<1x1x128x32xf32, #tpu.memory_space<vmem>> -> memref<128x32xf32, #tpu.memory_space<vmem>>
    %dma_start3A_179 = arith.constant 0 : i32
    %dma_start3A_180 = tpu.memref_slice %arg7[%dma_start3A_174, %dma_start3A_179] : memref<79x128xi32, #tpu.memory_space<vmem>> -> memref<1x128xi32, #tpu.memory_space<vmem>>
    %dma_start3A_181 = tpu.memref_squeeze %dma_start3A_180 : memref<1x128xi32, #tpu.memory_space<vmem>> -> memref<128xi32, #tpu.memory_space<vmem>>
    %dma_start3A_182 = arith.constant 0 : i32
    %dma_start3A_183 = arith.constant 0 : i32
    %dma_start3A_184 = tpu.memref_slice %arg10[%dma_start3A_182, %dma_start3A_183] : memref<10112x32xf32, #tpu.memory_space<vmem_shared>> -> memref<10112x32xf32, #tpu.memory_space<vmem_shared>>
    tpu.enqueue_indirect_dma source(%dma_start3A_178 : memref<128x32xf32, #tpu.memory_space<vmem>>) target(%dma_start3A_184 : memref<10112x32xf32, #tpu.memory_space<vmem_shared>>) offsets(%dma_start3A_181 : memref<128xi32, #tpu.memory_space<vmem>>) semaphore(%arg13 : memref<!tpu.dma_semaphore, #tpu.memory_space<semaphore_mem>>) {add = true}
    %dma_start3A_185 = arith.constant 76 : i32
    %dma_start3A_186 = arith.constant 0 : i32
    %dma_start3A_187 = tpu.memref_slice %arg7[%dma_start3A_185, %dma_start3A_186] : memref<79x128xi32, #tpu.memory_space<vmem>> -> memref<1x128xi32, #tpu.memory_space<vmem>>
    %dma_start3A_188 = tpu.memref_squeeze %dma_start3A_187 : memref<1x128xi32, #tpu.memory_space<vmem>> -> memref<128xi32, #tpu.memory_space<vmem>>
    %dma_start3A_189 = arith.constant 0 : i32
    %dma_start3A_190 = tpu.memref_slice %arg16[%dma_start3A_189] : memref<10112xf32, #tpu.memory_space<vmem_shared>> -> memref<10112xf32, #tpu.memory_space<vmem_shared>>
    tpu.enqueue_indirect_dma source(%arg14 : memref<128xf32, #tpu.memory_space<vmem>>) target(%dma_start3A_190 : memref<10112xf32, #tpu.memory_space<vmem_shared>>) offsets(%dma_start3A_188 : memref<128xi32, #tpu.memory_space<vmem>>) semaphore(%arg17 : memref<!tpu.dma_semaphore, #tpu.memory_space<semaphore_mem>>) {add = true}
    %dma_start3A_191 = arith.constant 1 : i32
    %dma_start3A_192 = arith.constant 2 : i32
    %dma_start3A_193 = arith.constant 77 : i32
    %dma_start3A_194 = arith.constant 0 : i32
    %dma_start3A_195 = arith.constant 0 : i32
    %dma_start3A_196 = tpu.memref_slice %arg8[%dma_start3A_191, %dma_start3A_192, %dma_start3A_194, %dma_start3A_195] : memref<2x3x128x32xf32, #tpu.memory_space<vmem>> -> memref<1x1x128x32xf32, #tpu.memory_space<vmem>>
    %dma_start3A_197 = tpu.memref_squeeze %dma_start3A_196 : memref<1x1x128x32xf32, #tpu.memory_space<vmem>> -> memref<128x32xf32, #tpu.memory_space<vmem>>
    %dma_start3A_198 = arith.constant 0 : i32
    %dma_start3A_199 = tpu.memref_slice %arg7[%dma_start3A_193, %dma_start3A_198] : memref<79x128xi32, #tpu.memory_space<vmem>> -> memref<1x128xi32, #tpu.memory_space<vmem>>
    %dma_start3A_200 = tpu.memref_squeeze %dma_start3A_199 : memref<1x128xi32, #tpu.memory_space<vmem>> -> memref<128xi32, #tpu.memory_space<vmem>>
    %dma_start3A_201 = arith.constant 0 : i32
    %dma_start3A_202 = arith.constant 0 : i32
    %dma_start3A_203 = tpu.memref_slice %arg10[%dma_start3A_201, %dma_start3A_202] : memref<10112x32xf32, #tpu.memory_space<vmem_shared>> -> memref<10112x32xf32, #tpu.memory_space<vmem_shared>>
    tpu.enqueue_indirect_dma source(%dma_start3A_197 : memref<128x32xf32, #tpu.memory_space<vmem>>) target(%dma_start3A_203 : memref<10112x32xf32, #tpu.memory_space<vmem_shared>>) offsets(%dma_start3A_200 : memref<128xi32, #tpu.memory_space<vmem>>) semaphore(%arg13 : memref<!tpu.dma_semaphore, #tpu.memory_space<semaphore_mem>>) {add = true}
    %dma_start3A_204 = arith.constant 77 : i32
    %dma_start3A_205 = arith.constant 0 : i32
    %dma_start3A_206 = tpu.memref_slice %arg7[%dma_start3A_204, %dma_start3A_205] : memref<79x128xi32, #tpu.memory_space<vmem>> -> memref<1x128xi32, #tpu.memory_space<vmem>>
    %dma_start3A_207 = tpu.memref_squeeze %dma_start3A_206 : memref<1x128xi32, #tpu.memory_space<vmem>> -> memref<128xi32, #tpu.memory_space<vmem>>
    %dma_start3A_208 = arith.constant 0 : i32
    %dma_start3A_209 = tpu.memref_slice %arg16[%dma_start3A_208] : memref<10112xf32, #tpu.memory_space<vmem_shared>> -> memref<10112xf32, #tpu.memory_space<vmem_shared>>
    tpu.enqueue_indirect_dma source(%arg14 : memref<128xf32, #tpu.memory_space<vmem>>) target(%dma_start3A_209 : memref<10112xf32, #tpu.memory_space<vmem_shared>>) offsets(%dma_start3A_207 : memref<128xi32, #tpu.memory_space<vmem>>) semaphore(%arg17 : memref<!tpu.dma_semaphore, #tpu.memory_space<semaphore_mem>>) {add = true}
    %dma_wait3A_210 = arith.constant 1 : i32
    %dma_wait3A_211 = arith.constant 0 : i32
    %dma_wait3A_212 = arith.constant 75 : i32
    %dma_wait3A_213 = arith.constant 0 : i32
    %dma_wait3A_214 = arith.constant 0 : i32
    %dma_wait3A_215 = tpu.memref_slice %arg8[%dma_wait3A_210, %dma_wait3A_211, %dma_wait3A_213, %dma_wait3A_214] : memref<2x3x128x32xf32, #tpu.memory_space<vmem>> -> memref<1x1x128x32xf32, #tpu.memory_space<vmem>>
    %dma_wait3A_216 = tpu.memref_squeeze %dma_wait3A_215 : memref<1x1x128x32xf32, #tpu.memory_space<vmem>> -> memref<128x32xf32, #tpu.memory_space<vmem>>
    %dma_wait3A_217 = arith.constant 0 : i32
    %dma_wait3A_218 = tpu.memref_slice %arg7[%dma_wait3A_212, %dma_wait3A_217] : memref<79x128xi32, #tpu.memory_space<vmem>> -> memref<1x128xi32, #tpu.memory_space<vmem>>
    %dma_wait3A_219 = tpu.memref_squeeze %dma_wait3A_218 : memref<1x128xi32, #tpu.memory_space<vmem>> -> memref<128xi32, #tpu.memory_space<vmem>>
    %dma_wait3A_220 = arith.constant 0 : i32
    %dma_wait3A_221 = arith.constant 0 : i32
    %dma_wait3A_222 = tpu.memref_slice %arg10[%dma_wait3A_220, %dma_wait3A_221] : memref<10112x32xf32, #tpu.memory_space<vmem_shared>> -> memref<10112x32xf32, #tpu.memory_space<vmem_shared>>
    tpu.wait_indirect_dma semaphore(%arg13 : memref<!tpu.dma_semaphore, #tpu.memory_space<semaphore_mem>>) src(%dma_wait3A_216 : memref<128x32xf32, #tpu.memory_space<vmem>>) dst(%dma_wait3A_222 : memref<10112x32xf32, #tpu.memory_space<vmem_shared>>)
    %dma_wait3A_223 = arith.constant 75 : i32
    %dma_wait3A_224 = arith.constant 0 : i32
    %dma_wait3A_225 = tpu.memref_slice %arg7[%dma_wait3A_223, %dma_wait3A_224] : memref<79x128xi32, #tpu.memory_space<vmem>> -> memref<1x128xi32, #tpu.memory_space<vmem>>
    %dma_wait3A_226 = tpu.memref_squeeze %dma_wait3A_225 : memref<1x128xi32, #tpu.memory_space<vmem>> -> memref<128xi32, #tpu.memory_space<vmem>>
    %dma_wait3A_227 = arith.constant 0 : i32
    %dma_wait3A_228 = tpu.memref_slice %arg16[%dma_wait3A_227] : memref<10112xf32, #tpu.memory_space<vmem_shared>> -> memref<10112xf32, #tpu.memory_space<vmem_shared>>
    tpu.wait_indirect_dma semaphore(%arg17 : memref<!tpu.dma_semaphore, #tpu.memory_space<semaphore_mem>>) src(%arg14 : memref<128xf32, #tpu.memory_space<vmem>>) dst(%dma_wait3A_228 : memref<10112xf32, #tpu.memory_space<vmem_shared>>)
    %dma_wait3A_229 = arith.constant 1 : i32
    %dma_wait3A_230 = arith.constant 1 : i32
    %dma_wait3A_231 = arith.constant 76 : i32
    %dma_wait3A_232 = arith.constant 0 : i32
    %dma_wait3A_233 = arith.constant 0 : i32
    %dma_wait3A_234 = tpu.memref_slice %arg8[%dma_wait3A_229, %dma_wait3A_230, %dma_wait3A_232, %dma_wait3A_233] : memref<2x3x128x32xf32, #tpu.memory_space<vmem>> -> memref<1x1x128x32xf32, #tpu.memory_space<vmem>>
    %dma_wait3A_235 = tpu.memref_squeeze %dma_wait3A_234 : memref<1x1x128x32xf32, #tpu.memory_space<vmem>> -> memref<128x32xf32, #tpu.memory_space<vmem>>
    %dma_wait3A_236 = arith.constant 0 : i32
    %dma_wait3A_237 = tpu.memref_slice %arg7[%dma_wait3A_231, %dma_wait3A_236] : memref<79x128xi32, #tpu.memory_space<vmem>> -> memref<1x128xi32, #tpu.memory_space<vmem>>
    %dma_wait3A_238 = tpu.memref_squeeze %dma_wait3A_237 : memref<1x128xi32, #tpu.memory_space<vmem>> -> memref<128xi32, #tpu.memory_space<vmem>>
    %dma_wait3A_239 = arith.constant 0 : i32
    %dma_wait3A_240 = arith.constant 0 : i32
    %dma_wait3A_241 = tpu.memref_slice %arg10[%dma_wait3A_239, %dma_wait3A_240] : memref<10112x32xf32, #tpu.memory_space<vmem_shared>> -> memref<10112x32xf32, #tpu.memory_space<vmem_shared>>
    tpu.wait_indirect_dma semaphore(%arg13 : memref<!tpu.dma_semaphore, #tpu.memory_space<semaphore_mem>>) src(%dma_wait3A_235 : memref<128x32xf32, #tpu.memory_space<vmem>>) dst(%dma_wait3A_241 : memref<10112x32xf32, #tpu.memory_space<vmem_shared>>)
    %dma_wait3A_242 = arith.constant 76 : i32
    %dma_wait3A_243 = arith.constant 0 : i32
    %dma_wait3A_244 = tpu.memref_slice %arg7[%dma_wait3A_242, %dma_wait3A_243] : memref<79x128xi32, #tpu.memory_space<vmem>> -> memref<1x128xi32, #tpu.memory_space<vmem>>
    %dma_wait3A_245 = tpu.memref_squeeze %dma_wait3A_244 : memref<1x128xi32, #tpu.memory_space<vmem>> -> memref<128xi32, #tpu.memory_space<vmem>>
    %dma_wait3A_246 = arith.constant 0 : i32
    %dma_wait3A_247 = tpu.memref_slice %arg16[%dma_wait3A_246] : memref<10112xf32, #tpu.memory_space<vmem_shared>> -> memref<10112xf32, #tpu.memory_space<vmem_shared>>
    tpu.wait_indirect_dma semaphore(%arg17 : memref<!tpu.dma_semaphore, #tpu.memory_space<semaphore_mem>>) src(%arg14 : memref<128xf32, #tpu.memory_space<vmem>>) dst(%dma_wait3A_247 : memref<10112xf32, #tpu.memory_space<vmem_shared>>)
    %dma_wait3A_248 = arith.constant 1 : i32
    %dma_wait3A_249 = arith.constant 2 : i32
    %dma_wait3A_250 = arith.constant 77 : i32
    %dma_wait3A_251 = arith.constant 0 : i32
    %dma_wait3A_252 = arith.constant 0 : i32
    %dma_wait3A_253 = tpu.memref_slice %arg8[%dma_wait3A_248, %dma_wait3A_249, %dma_wait3A_251, %dma_wait3A_252] : memref<2x3x128x32xf32, #tpu.memory_space<vmem>> -> memref<1x1x128x32xf32, #tpu.memory_space<vmem>>
    %dma_wait3A_254 = tpu.memref_squeeze %dma_wait3A_253 : memref<1x1x128x32xf32, #tpu.memory_space<vmem>> -> memref<128x32xf32, #tpu.memory_space<vmem>>
    %dma_wait3A_255 = arith.constant 0 : i32
    %dma_wait3A_256 = tpu.memref_slice %arg7[%dma_wait3A_250, %dma_wait3A_255] : memref<79x128xi32, #tpu.memory_space<vmem>> -> memref<1x128xi32, #tpu.memory_space<vmem>>
    %dma_wait3A_257 = tpu.memref_squeeze %dma_wait3A_256 : memref<1x128xi32, #tpu.memory_space<vmem>> -> memref<128xi32, #tpu.memory_space<vmem>>
    %dma_wait3A_258 = arith.constant 0 : i32
    %dma_wait3A_259 = arith.constant 0 : i32
    %dma_wait3A_260 = tpu.memref_slice %arg10[%dma_wait3A_258, %dma_wait3A_259] : memref<10112x32xf32, #tpu.memory_space<vmem_shared>> -> memref<10112x32xf32, #tpu.memory_space<vmem_shared>>
    tpu.wait_indirect_dma semaphore(%arg13 : memref<!tpu.dma_semaphore, #tpu.memory_space<semaphore_mem>>) src(%dma_wait3A_254 : memref<128x32xf32, #tpu.memory_space<vmem>>) dst(%dma_wait3A_260 : memref<10112x32xf32, #tpu.memory_space<vmem_shared>>)
    %dma_wait3A_261 = arith.constant 77 : i32
    %dma_wait3A_262 = arith.constant 0 : i32
    %dma_wait3A_263 = tpu.memref_slice %arg7[%dma_wait3A_261, %dma_wait3A_262] : memref<79x128xi32, #tpu.memory_space<vmem>> -> memref<1x128xi32, #tpu.memory_space<vmem>>
    %dma_wait3A_264 = tpu.memref_squeeze %dma_wait3A_263 : memref<1x128xi32, #tpu.memory_space<vmem>> -> memref<128xi32, #tpu.memory_space<vmem>>
    %dma_wait3A_265 = arith.constant 0 : i32
    %dma_wait3A_266 = tpu.memref_slice %arg16[%dma_wait3A_265] : memref<10112xf32, #tpu.memory_space<vmem_shared>> -> memref<10112xf32, #tpu.memory_space<vmem_shared>>
    tpu.wait_indirect_dma semaphore(%arg17 : memref<!tpu.dma_semaphore, #tpu.memory_space<semaphore_mem>>) src(%arg14 : memref<128xf32, #tpu.memory_space<vmem>>) dst(%dma_wait3A_266 : memref<10112xf32, #tpu.memory_space<vmem_shared>>)
    %lt3A_267 = arith.constant 4 : i32
    %lt3A_268 = arith.cmpi slt, %add3A, %lt3A_267 : i32
    %convert_element_type3A_269 = arith.extui %lt3A_268 : i1 to i32
    %cond3A_270 = arith.constant 0 : i32
    %cond3A_271 = arith.cmpi ne, %convert_element_type3A_269, %cond3A_270 : i32
    scf.if %cond3A_271 {
      %dma_start3A_273 = arith.constant 78 : i32
      %dma_start3A_274 = arith.constant 0 : i32
      %dma_start3A_275 = arith.constant 0 : i32
      %dma_start3A_276 = arith.constant 0 : i32
      %dma_start3A_277 = arith.constant 0 : i32
      %dma_start3A_278 = tpu.memref_slice %arg8[%dma_start3A_274, %dma_start3A_275, %dma_start3A_276, %dma_start3A_277] : memref<2x3x128x32xf32, #tpu.memory_space<vmem>> -> memref<1x1x128x32xf32, #tpu.memory_space<vmem>>
      %dma_start3A_279 = tpu.memref_squeeze %dma_start3A_278 : memref<1x1x128x32xf32, #tpu.memory_space<vmem>> -> memref<128x32xf32, #tpu.memory_space<vmem>>
      %dma_start3A_280 = arith.constant 0 : i32
      %dma_start3A_281 = tpu.memref_slice %arg6[%dma_start3A_273, %dma_start3A_280] : memref<79x128xi32, #tpu.memory_space<vmem>> -> memref<1x128xi32, #tpu.memory_space<vmem>>
      %dma_start3A_282 = tpu.memref_squeeze %dma_start3A_281 : memref<1x128xi32, #tpu.memory_space<vmem>> -> memref<128xi32, #tpu.memory_space<vmem>>
      %dma_start3A_283 = arith.constant 0 : i32
      %dma_start3A_284 = arith.constant 0 : i32
      %dma_start3A_285 = tpu.memref_slice %arg11[%dma_start3A_283, %dma_start3A_284] : memref<10000x32xf32, #tpu.memory_space<vmem_shared>> -> memref<10000x32xf32, #tpu.memory_space<vmem_shared>>
      tpu.enqueue_indirect_dma source(%dma_start3A_285 : memref<10000x32xf32, #tpu.memory_space<vmem_shared>>) target(%dma_start3A_279 : memref<128x32xf32, #tpu.memory_space<vmem>>) offsets(%dma_start3A_282 : memref<128xi32, #tpu.memory_space<vmem>>) semaphore(%arg12 : memref<!tpu.dma_semaphore, #tpu.memory_space<semaphore_mem>>)
      %dma_wait3A_286 = arith.constant 78 : i32
      %dma_wait3A_287 = arith.constant 0 : i32
      %dma_wait3A_288 = arith.constant 0 : i32
      %dma_wait3A_289 = arith.constant 0 : i32
      %dma_wait3A_290 = arith.constant 0 : i32
      %dma_wait3A_291 = tpu.memref_slice %arg8[%dma_wait3A_287, %dma_wait3A_288, %dma_wait3A_289, %dma_wait3A_290] : memref<2x3x128x32xf32, #tpu.memory_space<vmem>> -> memref<1x1x128x32xf32, #tpu.memory_space<vmem>>
      %dma_wait3A_292 = tpu.memref_squeeze %dma_wait3A_291 : memref<1x1x128x32xf32, #tpu.memory_space<vmem>> -> memref<128x32xf32, #tpu.memory_space<vmem>>
      %dma_wait3A_293 = arith.constant 0 : i32
      %dma_wait3A_294 = tpu.memref_slice %arg6[%dma_wait3A_286, %dma_wait3A_293] : memref<79x128xi32, #tpu.memory_space<vmem>> -> memref<1x128xi32, #tpu.memory_space<vmem>>
      %dma_wait3A_295 = tpu.memref_squeeze %dma_wait3A_294 : memref<1x128xi32, #tpu.memory_space<vmem>> -> memref<128xi32, #tpu.memory_space<vmem>>
      %dma_wait3A_296 = arith.constant 0 : i32
      %dma_wait3A_297 = arith.constant 0 : i32
      %dma_wait3A_298 = tpu.memref_slice %arg11[%dma_wait3A_296, %dma_wait3A_297] : memref<10000x32xf32, #tpu.memory_space<vmem_shared>> -> memref<10000x32xf32, #tpu.memory_space<vmem_shared>>
      tpu.wait_indirect_dma semaphore(%arg12 : memref<!tpu.dma_semaphore, #tpu.memory_space<semaphore_mem>>) src(%dma_wait3A_298 : memref<10000x32xf32, #tpu.memory_space<vmem_shared>>) dst(%dma_wait3A_292 : memref<128x32xf32, #tpu.memory_space<vmem>>)
      %run_scoped3A_299 = arith.constant 0 : i32
      %run_scoped3A_300 = arith.constant 0 : i32
      %run_scoped3A_301 = arith.constant 78 : i32
      "tpu.region"() ({
        %run_scoped3A_303 = tpu.sem_alloc : memref<!tpu.dma_semaphore, #tpu.memory_space<semaphore_mem>>
        %dma_start3A_304 = arith.constant 0 : i32
        %dma_start3A_305 = arith.constant 0 : i32
        %dma_start3A_306 = tpu.memref_slice %arg8[%run_scoped3A_299, %run_scoped3A_300, %dma_start3A_304, %dma_start3A_305] : memref<2x3x128x32xf32, #tpu.memory_space<vmem>> -> memref<1x1x128x32xf32, #tpu.memory_space<vmem>>
        %dma_start3A_307 = tpu.memref_squeeze %dma_start3A_306 : memref<1x1x128x32xf32, #tpu.memory_space<vmem>> -> memref<128x32xf32, #tpu.memory_space<vmem>>
        %dma_start3A_308 = arith.constant 0 : i32
        %dma_start3A_309 = tpu.memref_slice %arg7[%run_scoped3A_301, %dma_start3A_308] : memref<79x128xi32, #tpu.memory_space<vmem>> -> memref<1x128xi32, #tpu.memory_space<vmem>>
        %dma_start3A_310 = tpu.memref_squeeze %dma_start3A_309 : memref<1x128xi32, #tpu.memory_space<vmem>> -> memref<128xi32, #tpu.memory_space<vmem>>
        %dma_start3A_311 = arith.constant 0 : i32
        %dma_start3A_312 = arith.constant 0 : i32
        %dma_start3A_313 = tpu.memref_slice %arg10[%dma_start3A_311, %dma_start3A_312] : memref<10112x32xf32, #tpu.memory_space<vmem_shared>> -> memref<10112x32xf32, #tpu.memory_space<vmem_shared>>
        tpu.enqueue_indirect_dma source(%dma_start3A_307 : memref<128x32xf32, #tpu.memory_space<vmem>>) target(%dma_start3A_313 : memref<10112x32xf32, #tpu.memory_space<vmem_shared>>) offsets(%dma_start3A_310 : memref<128xi32, #tpu.memory_space<vmem>>) semaphore(%run_scoped3A_303 : memref<!tpu.dma_semaphore, #tpu.memory_space<semaphore_mem>>) {add = true}
        %dma_wait3A_314 = arith.constant 0 : i32
        %dma_wait3A_315 = arith.constant 0 : i32
        %dma_wait3A_316 = tpu.memref_slice %arg8[%run_scoped3A_299, %run_scoped3A_300, %dma_wait3A_314, %dma_wait3A_315] : memref<2x3x128x32xf32, #tpu.memory_space<vmem>> -> memref<1x1x128x32xf32, #tpu.memory_space<vmem>>
        %dma_wait3A_317 = tpu.memref_squeeze %dma_wait3A_316 : memref<1x1x128x32xf32, #tpu.memory_space<vmem>> -> memref<128x32xf32, #tpu.memory_space<vmem>>
        %dma_wait3A_318 = arith.constant 0 : i32
        %dma_wait3A_319 = tpu.memref_slice %arg7[%run_scoped3A_301, %dma_wait3A_318] : memref<79x128xi32, #tpu.memory_space<vmem>> -> memref<1x128xi32, #tpu.memory_space<vmem>>
        %dma_wait3A_320 = tpu.memref_squeeze %dma_wait3A_319 : memref<1x128xi32, #tpu.memory_space<vmem>> -> memref<128xi32, #tpu.memory_space<vmem>>
        %dma_wait3A_321 = arith.constant 0 : i32
        %dma_wait3A_322 = arith.constant 0 : i32
        %dma_wait3A_323 = tpu.memref_slice %arg10[%dma_wait3A_321, %dma_wait3A_322] : memref<10112x32xf32, #tpu.memory_space<vmem_shared>> -> memref<10112x32xf32, #tpu.memory_space<vmem_shared>>
        tpu.wait_indirect_dma semaphore(%run_scoped3A_303 : memref<!tpu.dma_semaphore, #tpu.memory_space<semaphore_mem>>) src(%dma_wait3A_317 : memref<128x32xf32, #tpu.memory_space<vmem>>) dst(%dma_wait3A_323 : memref<10112x32xf32, #tpu.memory_space<vmem_shared>>)
        tpu.yield
      }) : () -> ()
      %run_scoped3A_302 = arith.constant 78 : i32
      "tpu.region"() ({
        %run_scoped3A_303 = tpu.sem_alloc : memref<!tpu.dma_semaphore, #tpu.memory_space<semaphore_mem>>
        %dma_start3A_304 = arith.constant 0 : i32
        %dma_start3A_305 = tpu.memref_slice %arg7[%run_scoped3A_302, %dma_start3A_304] : memref<79x128xi32, #tpu.memory_space<vmem>> -> memref<1x128xi32, #tpu.memory_space<vmem>>
        %dma_start3A_306 = tpu.memref_squeeze %dma_start3A_305 : memref<1x128xi32, #tpu.memory_space<vmem>> -> memref<128xi32, #tpu.memory_space<vmem>>
        %dma_start3A_307 = arith.constant 0 : i32
        %dma_start3A_308 = tpu.memref_slice %arg16[%dma_start3A_307] : memref<10112xf32, #tpu.memory_space<vmem_shared>> -> memref<10112xf32, #tpu.memory_space<vmem_shared>>
        tpu.enqueue_indirect_dma source(%arg14 : memref<128xf32, #tpu.memory_space<vmem>>) target(%dma_start3A_308 : memref<10112xf32, #tpu.memory_space<vmem_shared>>) offsets(%dma_start3A_306 : memref<128xi32, #tpu.memory_space<vmem>>) semaphore(%run_scoped3A_303 : memref<!tpu.dma_semaphore, #tpu.memory_space<semaphore_mem>>) {add = true}
        %dma_wait3A_309 = arith.constant 0 : i32
        %dma_wait3A_310 = tpu.memref_slice %arg7[%run_scoped3A_302, %dma_wait3A_309] : memref<79x128xi32, #tpu.memory_space<vmem>> -> memref<1x128xi32, #tpu.memory_space<vmem>>
        %dma_wait3A_311 = tpu.memref_squeeze %dma_wait3A_310 : memref<1x128xi32, #tpu.memory_space<vmem>> -> memref<128xi32, #tpu.memory_space<vmem>>
        %dma_wait3A_312 = arith.constant 0 : i32
        %dma_wait3A_313 = tpu.memref_slice %arg16[%dma_wait3A_312] : memref<10112xf32, #tpu.memory_space<vmem_shared>> -> memref<10112xf32, #tpu.memory_space<vmem_shared>>
        tpu.wait_indirect_dma semaphore(%run_scoped3A_303 : memref<!tpu.dma_semaphore, #tpu.memory_space<semaphore_mem>>) src(%arg14 : memref<128xf32, #tpu.memory_space<vmem>>) dst(%dma_wait3A_313 : memref<10112xf32, #tpu.memory_space<vmem_shared>>)
        tpu.yield
      }) : () -> ()
    } else {
    }
    %barrier3A_272 = arith.constant 0 : index
    tpu.barrier barrier_id(%barrier3A_272)
    "tpu.region"() ({
      %run_scoped3A_273 = tpu.sem_alloc : memref<!tpu.dma_semaphore, #tpu.memory_space<semaphore_mem>>
      %dma_start3A_274 = arith.constant 0 : i32
      %dma_start3A_275 = tpu.memref_slice %arg10[%mul3A_2, %dma_start3A_274] : memref<10112x32xf32, #tpu.memory_space<vmem_shared>> -> memref<632x32xf32, #tpu.memory_space<vmem_shared>>
      %dma_start3A_276 = arith.constant 0 : i32
      %dma_start3A_277 = tpu.memref_slice %arg10[%mul3A_2, %dma_start3A_276] : memref<10112x32xf32, #tpu.memory_space<vmem_shared>> -> memref<632x32xf32, #tpu.memory_space<vmem_shared>>
      tpu.enqueue_dma source(%dma_start3A_277 : memref<632x32xf32, #tpu.memory_space<vmem_shared>>) target(%arg9 : memref<632x32xf32, #tpu.memory_space<vmem>>) target_semaphore(%run_scoped3A_273 : memref<!tpu.dma_semaphore, #tpu.memory_space<semaphore_mem>>)
      %dma_wait3A_278 = arith.constant 0 : i32
      %dma_wait3A_279 = tpu.memref_slice %arg10[%mul3A_2, %dma_wait3A_278] : memref<10112x32xf32, #tpu.memory_space<vmem_shared>> -> memref<632x32xf32, #tpu.memory_space<vmem_shared>>
      %dma_wait3A_280 = arith.constant 0 : i32
      %dma_wait3A_281 = tpu.memref_slice %arg10[%mul3A_2, %dma_wait3A_280] : memref<10112x32xf32, #tpu.memory_space<vmem_shared>> -> memref<632x32xf32, #tpu.memory_space<vmem_shared>>
      tpu.wait_dma2 semaphore(%run_scoped3A_273 : memref<!tpu.dma_semaphore, #tpu.memory_space<semaphore_mem>>) src(%dma_wait3A_281 : memref<632x32xf32, #tpu.memory_space<vmem_shared>>) dst(%arg9 : memref<632x32xf32, #tpu.memory_space<vmem>>)
      tpu.yield
    }) : () -> ()
    "tpu.region"() ({
      %run_scoped3A_273 = tpu.sem_alloc : memref<!tpu.dma_semaphore, #tpu.memory_space<semaphore_mem>>
      %dma_start3A_274 = arith.constant 0 : i32
      %dma_start3A_275 = tpu.memref_slice %arg4[%arg0, %mul3A_2, %dma_start3A_274] : memref<2x10112x32xf32, #tpu.memory_space<hbm>> -> memref<1x632x32xf32, #tpu.memory_space<hbm>>
      %dma_start3A_276 = tpu.memref_squeeze %dma_start3A_275 : memref<1x632x32xf32, #tpu.memory_space<hbm>> -> memref<632x32xf32, #tpu.memory_space<hbm>>
      %dma_start3A_277 = arith.constant 0 : i32
      %dma_start3A_278 = tpu.memref_slice %arg4[%arg0, %mul3A_2, %dma_start3A_277] : memref<2x10112x32xf32, #tpu.memory_space<hbm>> -> memref<1x632x32xf32, #tpu.memory_space<hbm>>
      %dma_start3A_279 = tpu.memref_squeeze %dma_start3A_278 : memref<1x632x32xf32, #tpu.memory_space<hbm>> -> memref<632x32xf32, #tpu.memory_space<hbm>>
      tpu.enqueue_dma source(%arg9 : memref<632x32xf32, #tpu.memory_space<vmem>>) target(%dma_start3A_279 : memref<632x32xf32, #tpu.memory_space<hbm>>) target_semaphore(%run_scoped3A_273 : memref<!tpu.dma_semaphore, #tpu.memory_space<semaphore_mem>>)
      %dma_wait3A_280 = arith.constant 0 : i32
      %dma_wait3A_281 = tpu.memref_slice %arg4[%arg0, %mul3A_2, %dma_wait3A_280] : memref<2x10112x32xf32, #tpu.memory_space<hbm>> -> memref<1x632x32xf32, #tpu.memory_space<hbm>>
      %dma_wait3A_282 = tpu.memref_squeeze %dma_wait3A_281 : memref<1x632x32xf32, #tpu.memory_space<hbm>> -> memref<632x32xf32, #tpu.memory_space<hbm>>
      %dma_wait3A_283 = arith.constant 0 : i32
      %dma_wait3A_284 = tpu.memref_slice %arg4[%arg0, %mul3A_2, %dma_wait3A_283] : memref<2x10112x32xf32, #tpu.memory_space<hbm>> -> memref<1x632x32xf32, #tpu.memory_space<hbm>>
      %dma_wait3A_285 = tpu.memref_squeeze %dma_wait3A_284 : memref<1x632x32xf32, #tpu.memory_space<hbm>> -> memref<632x32xf32, #tpu.memory_space<hbm>>
      tpu.wait_dma2 semaphore(%run_scoped3A_273 : memref<!tpu.dma_semaphore, #tpu.memory_space<semaphore_mem>>) src(%arg9 : memref<632x32xf32, #tpu.memory_space<vmem>>) dst(%dma_wait3A_285 : memref<632x32xf32, #tpu.memory_space<hbm>>)
      tpu.yield
    }) : () -> ()
    "tpu.region"() ({
      %run_scoped3A_273 = tpu.sem_alloc : memref<!tpu.dma_semaphore, #tpu.memory_space<semaphore_mem>>
      %dma_start3A_274 = arith.constant 0 : i32
      %dma_start3A_275 = tpu.memref_slice %arg15[%dma_start3A_274] : memref<640xf32, #tpu.memory_space<vmem>> -> memref<632xf32, #tpu.memory_space<vmem>>
      %dma_start3A_276 = tpu.memref_slice %arg16[%mul3A_2] : memref<10112xf32, #tpu.memory_space<vmem_shared>> -> memref<632xf32, #tpu.memory_space<vmem_shared>>
      %dma_start3A_277 = arith.constant 0 : i32
      %dma_start3A_278 = tpu.memref_slice %arg15[%dma_start3A_277] : memref<640xf32, #tpu.memory_space<vmem>> -> memref<632xf32, #tpu.memory_space<vmem>>
      %dma_start3A_279 = tpu.memref_slice %arg16[%mul3A_2] : memref<10112xf32, #tpu.memory_space<vmem_shared>> -> memref<632xf32, #tpu.memory_space<vmem_shared>>
      tpu.enqueue_dma source(%dma_start3A_279 : memref<632xf32, #tpu.memory_space<vmem_shared>>) target(%dma_start3A_278 : memref<632xf32, #tpu.memory_space<vmem>>) target_semaphore(%run_scoped3A_273 : memref<!tpu.dma_semaphore, #tpu.memory_space<semaphore_mem>>)
      %dma_wait3A_280 = arith.constant 0 : i32
      %dma_wait3A_281 = tpu.memref_slice %arg15[%dma_wait3A_280] : memref<640xf32, #tpu.memory_space<vmem>> -> memref<632xf32, #tpu.memory_space<vmem>>
      %dma_wait3A_282 = tpu.memref_slice %arg16[%mul3A_2] : memref<10112xf32, #tpu.memory_space<vmem_shared>> -> memref<632xf32, #tpu.memory_space<vmem_shared>>
      %dma_wait3A_283 = arith.constant 0 : i32
      %dma_wait3A_284 = tpu.memref_slice %arg15[%dma_wait3A_283] : memref<640xf32, #tpu.memory_space<vmem>> -> memref<632xf32, #tpu.memory_space<vmem>>
      %dma_wait3A_285 = tpu.memref_slice %arg16[%mul3A_2] : memref<10112xf32, #tpu.memory_space<vmem_shared>> -> memref<632xf32, #tpu.memory_space<vmem_shared>>
      tpu.wait_dma2 semaphore(%run_scoped3A_273 : memref<!tpu.dma_semaphore, #tpu.memory_space<semaphore_mem>>) src(%dma_wait3A_285 : memref<632xf32, #tpu.memory_space<vmem_shared>>) dst(%dma_wait3A_284 : memref<632xf32, #tpu.memory_space<vmem>>)
      tpu.yield
    }) : () -> ()
    "tpu.region"() ({
      %run_scoped3A_273 = tpu.sem_alloc : memref<!tpu.dma_semaphore, #tpu.memory_space<semaphore_mem>>
      %dma_start3A_274 = arith.constant 0 : i32
      %dma_start3A_275 = tpu.memref_slice %arg15[%dma_start3A_274] : memref<640xf32, #tpu.memory_space<vmem>> -> memref<632xf32, #tpu.memory_space<vmem>>
      %dma_start3A_276 = tpu.memref_slice %arg5[%arg0, %mul3A_2] : memref<2x10112xf32, #tpu.memory_space<hbm>> -> memref<1x632xf32, #tpu.memory_space<hbm>>
      %dma_start3A_277 = tpu.memref_squeeze %dma_start3A_276 : memref<1x632xf32, #tpu.memory_space<hbm>> -> memref<632xf32, #tpu.memory_space<hbm>>
      %dma_start3A_278 = tpu.memref_slice %arg5[%arg0, %mul3A_2] : memref<2x10112xf32, #tpu.memory_space<hbm>> -> memref<1x632xf32, #tpu.memory_space<hbm>>
      %dma_start3A_279 = tpu.memref_squeeze %dma_start3A_278 : memref<1x632xf32, #tpu.memory_space<hbm>> -> memref<632xf32, #tpu.memory_space<hbm>>
      %dma_start3A_280 = arith.constant 0 : i32
      %dma_start3A_281 = tpu.memref_slice %arg15[%dma_start3A_280] : memref<640xf32, #tpu.memory_space<vmem>> -> memref<632xf32, #tpu.memory_space<vmem>>
      tpu.enqueue_dma source(%dma_start3A_281 : memref<632xf32, #tpu.memory_space<vmem>>) target(%dma_start3A_279 : memref<632xf32, #tpu.memory_space<hbm>>) target_semaphore(%run_scoped3A_273 : memref<!tpu.dma_semaphore, #tpu.memory_space<semaphore_mem>>)
      %dma_wait3A_282 = arith.constant 0 : i32
      %dma_wait3A_283 = tpu.memref_slice %arg15[%dma_wait3A_282] : memref<640xf32, #tpu.memory_space<vmem>> -> memref<632xf32, #tpu.memory_space<vmem>>
      %dma_wait3A_284 = tpu.memref_slice %arg5[%arg0, %mul3A_2] : memref<2x10112xf32, #tpu.memory_space<hbm>> -> memref<1x632xf32, #tpu.memory_space<hbm>>
      %dma_wait3A_285 = tpu.memref_squeeze %dma_wait3A_284 : memref<1x632xf32, #tpu.memory_space<hbm>> -> memref<632xf32, #tpu.memory_space<hbm>>
      %dma_wait3A_286 = tpu.memref_slice %arg5[%arg0, %mul3A_2] : memref<2x10112xf32, #tpu.memory_space<hbm>> -> memref<1x632xf32, #tpu.memory_space<hbm>>
      %dma_wait3A_287 = tpu.memref_squeeze %dma_wait3A_286 : memref<1x632xf32, #tpu.memory_space<hbm>> -> memref<632xf32, #tpu.memory_space<hbm>>
      %dma_wait3A_288 = arith.constant 0 : i32
      %dma_wait3A_289 = tpu.memref_slice %arg15[%dma_wait3A_288] : memref<640xf32, #tpu.memory_space<vmem>> -> memref<632xf32, #tpu.memory_space<vmem>>
      tpu.wait_dma2 semaphore(%run_scoped3A_273 : memref<!tpu.dma_semaphore, #tpu.memory_space<semaphore_mem>>) src(%dma_wait3A_289 : memref<632xf32, #tpu.memory_space<vmem>>) dst(%dma_wait3A_287 : memref<632xf32, #tpu.memory_space<hbm>>)
      tpu.yield
    }) : () -> ()
    return
  }
}

module attributes {stable_mosaic.version = 14 : i64} {
  func.func @_proj_body(%arg0: i32, %arg1: memref<2000x128xf32, #tpu.memory_space<vmem>>, %arg2: memref<128x32xf32, #tpu.memory_space<vmem>>, %arg3: memref<2000x32xf32, #tpu.memory_space<vmem>>) attributes {dimension_semantics = [#tpu.dimension_semantics<arbitrary>], iteration_bounds = array<i64: 5>, scalar_prefetch = 0 : i64, scratch_operands = 0 : i64, tpu.core_type = #tpu.core_type<tc>, window_params = [{transform_indices = @transform_0, window_bounds = array<i64: 2000, 128>}, {pipeline_mode = #tpu.pipeline_mode<synchronous>, transform_indices = @transform_1, window_bounds = array<i64: 128, 32>}, {transform_indices = @transform_2, window_bounds = array<i64: 2000, 32>}]} {
    %get3A = arith.constant 0 : index
    %get3A_0 = arith.constant 0 : index
    %get3A_1 = vector.load %arg1[%get3A, %get3A_0] : memref<2000x128xf32, #tpu.memory_space<vmem>>, vector<2000x128xf32>
    %get3A_2 = arith.constant 0 : index
    %get3A_3 = arith.constant 0 : index
    %get3A_4 = vector.load %arg2[%get3A_2, %get3A_3] : memref<128x32xf32, #tpu.memory_space<vmem>>, vector<128x32xf32>
    %dot_general3A = arith.constant dense<0.000000e+00> : vector<2000x32xf32>
    %dot_general3A_5 = tpu.matmul %get3A_1, %get3A_4, %dot_general3A {dimension_numbers = #tpu.dot_dimension_numbers<[1], [0], [0], [1], [0, 0, 1, 1], [], []>, transpose_lhs_hint = false} : vector<2000x128xf32>, vector<128x32xf32>, vector<2000x32xf32> -> vector<2000x32xf32>
    %swap3A = arith.constant 0 : index
    %swap3A_6 = arith.constant 0 : index
    %swap3A_7 = vector.load %arg3[%swap3A, %swap3A_6] : memref<2000x32xf32, #tpu.memory_space<vmem>>, vector<2000x32xf32>
    tpu.vector_store %arg3[%swap3A, %swap3A_6], %dot_general3A_5 {strides = array<i32>} : memref<2000x32xf32, #tpu.memory_space<vmem>>, vector<2000x32xf32>,
    return
  }
  func.func @transform_0(%arg0: i32) -> (i32, i32) {
    %c0_i32 = arith.constant 0 : i32
    %c0_i32_0 = arith.constant 0 : i32
    return %arg0, %c0_i32 : i32, i32
  }
  func.func @transform_1(%arg0: i32) -> (i32, i32) {
    %c0_i32 = arith.constant 0 : i32
    %c0_i32_0 = arith.constant 0 : i32
    %c0_i32_1 = arith.constant 0 : i32
    return %c0_i32, %c0_i32_0 : i32, i32
  }
  func.func @transform_2(%arg0: i32) -> (i32, i32) {
    %c0_i32 = arith.constant 0 : i32
    %c0_i32_0 = arith.constant 0 : i32
    return %arg0, %c0_i32 : i32, i32
  }
}

module attributes {stable_mosaic.version = 14 : i64} {
  func.func @_mid_body(%arg0: i32, %arg1: memref<2x2000x32xf32, #tpu.memory_space<vmem>>, %arg2: memref<2000x1xf32, #tpu.memory_space<vmem>>, %arg3: memref<2000x1xf32, #tpu.memory_space<vmem>>, %arg4: memref<1x32xf32, #tpu.memory_space<vmem>>, %arg5: memref<32x32xf32, #tpu.memory_space<vmem>>, %arg6: memref<2000x32xf32, #tpu.memory_space<vmem>>) attributes {dimension_semantics = [#tpu.dimension_semantics<arbitrary>], iteration_bounds = array<i64: 5>, scalar_prefetch = 0 : i64, scratch_operands = 0 : i64, tpu.core_type = #tpu.core_type<tc>, window_params = [{transform_indices = @transform_0, window_bounds = array<i64: 2, 2000, 32>}, {transform_indices = @transform_1, window_bounds = array<i64: 2000, 1>}, {transform_indices = @transform_2, window_bounds = array<i64: 2000, 1>}, {pipeline_mode = #tpu.pipeline_mode<synchronous>, transform_indices = @transform_3, window_bounds = array<i64: 1, 32>}, {pipeline_mode = #tpu.pipeline_mode<synchronous>, transform_indices = @transform_4, window_bounds = array<i64: 32, 32>}, {transform_indices = @transform_5, window_bounds = array<i64: 2000, 32>}]} {
    %get3A = arith.constant 0 : index
    %get3A_0 = arith.constant 0 : index
    %get3A_1 = arith.constant 0 : index
    %get3A_2 = vector.load %arg1[%get3A, %get3A_0, %get3A_1] : memref<2x2000x32xf32, #tpu.memory_space<vmem>>, vector<2x2000x32xf32>
    %get3A_3 = arith.constant 0 : index
    %get3A_4 = arith.constant 0 : index
    %get3A_5 = vector.load %arg2[%get3A_3, %get3A_4] : memref<2000x1xf32, #tpu.memory_space<vmem>>, vector<2000x1xf32>
    %get3A_6 = arith.constant 0 : index
    %get3A_7 = arith.constant 0 : index
    %get3A_8 = vector.load %arg3[%get3A_6, %get3A_7] : memref<2000x1xf32, #tpu.memory_space<vmem>>, vector<2000x1xf32>
    %add3A = arith.addf %get3A_5, %get3A_8 : vector<2000x1xf32>
    %jit3A = arith.constant 1.000000e+00 : f32
    %max3A = vector.broadcast %jit3A : f32 to vector<2000x1xf32>
    %max3A_9 = arith.maximumf %max3A, %add3A : vector<2000x1xf32>
    %slice3A = vector.extract_strided_slice %get3A_2 {offsets = [0, 0, 0], sizes = [1, 2000, 32], strides = [1, 1, 1]} : vector<2x2000x32xf32> to vector<1x2000x32xf32>
    %squeeze3A = vector.shape_cast %slice3A : vector<1x2000x32xf32> to vector<2000x32xf32>
    %slice3A_10 = vector.extract_strided_slice %get3A_2 {offsets = [1, 0, 0], sizes = [1, 2000, 32], strides = [1, 1, 1]} : vector<2x2000x32xf32> to vector<1x2000x32xf32>
    %squeeze3A_11 = vector.shape_cast %slice3A_10 : vector<1x2000x32xf32> to vector<2000x32xf32>
    %add3A_12 = arith.addf %squeeze3A, %squeeze3A_11 : vector<2000x32xf32>
    %div3A = vector.broadcast %max3A_9 : vector<2000x1xf32> to vector<2000x32xf32>
    %div3A_13 = arith.divf %add3A_12, %div3A : vector<2000x32xf32>
    %get3A_14 = arith.constant 0 : index
    %get3A_15 = arith.constant 0 : index
    %get3A_16 = vector.load %arg4[%get3A_14, %get3A_15] : memref<1x32xf32, #tpu.memory_space<vmem>>, vector<1x32xf32>
    %add3A_17 = vector.broadcast %get3A_16 : vector<1x32xf32> to vector<2000x32xf32>
    %add3A_18 = arith.addf %div3A_13, %add3A_17 : vector<2000x32xf32>
    %max3A_19 = arith.constant 0.000000e+00 : f32
    %max3A_20 = vector.broadcast %max3A_19 : f32 to vector<2000x32xf32>
    %max3A_21 = arith.maximumf %add3A_18, %max3A_20 : vector<2000x32xf32>
    %get3A_22 = arith.constant 0 : index
    %get3A_23 = arith.constant 0 : index
    %get3A_24 = vector.load %arg5[%get3A_22, %get3A_23] : memref<32x32xf32, #tpu.memory_space<vmem>>, vector<32x32xf32>
    %dot_general3A = arith.constant dense<0.000000e+00> : vector<2000x32xf32>
    %dot_general3A_25 = tpu.matmul %max3A_21, %get3A_24, %dot_general3A {dimension_numbers = #tpu.dot_dimension_numbers<[1], [0], [0], [1], [0, 0, 1, 1], [], []>, transpose_lhs_hint = false} : vector<2000x32xf32>, vector<32x32xf32>, vector<2000x32xf32> -> vector<2000x32xf32>
    %swap3A = arith.constant 0 : index
    %swap3A_26 = arith.constant 0 : index
    %swap3A_27 = vector.load %arg6[%swap3A, %swap3A_26] : memref<2000x32xf32, #tpu.memory_space<vmem>>, vector<2000x32xf32>
    tpu.vector_store %arg6[%swap3A, %swap3A_26], %dot_general3A_25 {strides = array<i32>} : memref<2000x32xf32, #tpu.memory_space<vmem>>, vector<2000x32xf32>,
    return
  }
  func.func @transform_0(%arg0: i32) -> (i32, i32, i32) {
    %c0_i32 = arith.constant 0 : i32
    %c0_i32_0 = arith.constant 0 : i32
    %c0_i32_1 = arith.constant 0 : i32
    return %c0_i32, %arg0, %c0_i32_0 : i32, i32, i32
  }
  func.func @transform_1(%arg0: i32) -> (i32, i32) {
    %c0_i32 = arith.constant 0 : i32
    %c0_i32_0 = arith.constant 0 : i32
    return %arg0, %c0_i32 : i32, i32
  }
  func.func @transform_2(%arg0: i32) -> (i32, i32) {
    %c0_i32 = arith.constant 0 : i32
    %c0_i32_0 = arith.constant 0 : i32
    return %arg0, %c0_i32 : i32, i32
  }
  func.func @transform_3(%arg0: i32) -> (i32, i32) {
    %c0_i32 = arith.constant 0 : i32
    %c0_i32_0 = arith.constant 0 : i32
    %c0_i32_1 = arith.constant 0 : i32
    return %c0_i32, %c0_i32_0 : i32, i32
  }
  func.func @transform_4(%arg0: i32) -> (i32, i32) {
    %c0_i32 = arith.constant 0 : i32
    %c0_i32_0 = arith.constant 0 : i32
    %c0_i32_1 = arith.constant 0 : i32
    return %c0_i32, %c0_i32_0 : i32, i32
  }
  func.func @transform_5(%arg0: i32) -> (i32, i32) {
    %c0_i32 = arith.constant 0 : i32
    %c0_i32_0 = arith.constant 0 : i32
    return %arg0, %c0_i32 : i32, i32
  }
}

module attributes {stable_mosaic.version = 14 : i64} {
  func.func @_tail_body(%arg0: i32, %arg1: memref<2x2000x32xf32, #tpu.memory_space<vmem>>, %arg2: memref<2000x1xf32, #tpu.memory_space<vmem>>, %arg3: memref<2000x1xf32, #tpu.memory_space<vmem>>, %arg4: memref<1x32xf32, #tpu.memory_space<vmem>>, %arg5: memref<32x32xf32, #tpu.memory_space<vmem>>, %arg6: memref<1x32xf32, #tpu.memory_space<vmem>>, %arg7: memref<1x1xf32, #tpu.memory_space<vmem>>, %arg8: memref<32x32xf32, #tpu.memory_space<vmem>>, %arg9: memref<1x32xf32, #tpu.memory_space<vmem>>, %arg10: memref<1x1xf32, #tpu.memory_space<vmem>>, %arg11: memref<32x32xf32, #tpu.memory_space<vmem>>, %arg12: memref<1x32xf32, #tpu.memory_space<vmem>>, %arg13: memref<32x32xf32, #tpu.memory_space<vmem>>, %arg14: memref<1x32xf32, #tpu.memory_space<vmem>>, %arg15: memref<32x2xf32, #tpu.memory_space<vmem>>, %arg16: memref<1x2xf32, #tpu.memory_space<vmem>>, %arg17: memref<2000x2xf32, #tpu.memory_space<vmem>>) attributes {dimension_semantics = [#tpu.dimension_semantics<arbitrary>], iteration_bounds = array<i64: 5>, scalar_prefetch = 0 : i64, scratch_operands = 0 : i64, tpu.core_type = #tpu.core_type<tc>, window_params = [{transform_indices = @transform_0, window_bounds = array<i64: 2, 2000, 32>}, {transform_indices = @transform_1, window_bounds = array<i64: 2000, 1>}, {transform_indices = @transform_2, window_bounds = array<i64: 2000, 1>}, {pipeline_mode = #tpu.pipeline_mode<synchronous>, transform_indices = @transform_3, window_bounds = array<i64: 1, 32>}, {pipeline_mode = #tpu.pipeline_mode<synchronous>, transform_indices = @transform_4, window_bounds = array<i64: 32, 32>}, {pipeline_mode = #tpu.pipeline_mode<synchronous>, transform_indices = @transform_5, window_bounds = array<i64: 1, 32>}, {pipeline_mode = #tpu.pipeline_mode<synchronous>, transform_indices = @transform_6, window_bounds = array<i64: 1, 1>}, {pipeline_mode = #tpu.pipeline_mode<synchronous>, transform_indices = @transform_7, window_bounds = array<i64: 32, 32>}, {pipeline_mode = #tpu.pipeline_mode<synchronous>, transform_indices = @transform_8, window_bounds = array<i64: 1, 32>}, {pipeline_mode = #tpu.pipeline_mode<synchronous>, transform_indices = @transform_9, window_bounds = array<i64: 1, 1>}, {pipeline_mode = #tpu.pipeline_mode<synchronous>, transform_indices = @transform_10, window_bounds = array<i64: 32, 32>}, {pipeline_mode = #tpu.pipeline_mode<synchronous>, transform_indices = @transform_11, window_bounds = array<i64: 1, 32>}, {pipeline_mode = #tpu.pipeline_mode<synchronous>, transform_indices = @transform_12, window_bounds = array<i64: 32, 32>}, {pipeline_mode = #tpu.pipeline_mode<synchronous>, transform_indices = @transform_13, window_bounds = array<i64: 1, 32>}, {pipeline_mode = #tpu.pipeline_mode<synchronous>, transform_indices = @transform_14, window_bounds = array<i64: 32, 2>}, {pipeline_mode = #tpu.pipeline_mode<synchronous>, transform_indices = @transform_15, window_bounds = array<i64: 1, 2>}, {transform_indices = @transform_16, window_bounds = array<i64: 2000, 2>}]} {
    %get3A = arith.constant 0 : index
    %get3A_0 = arith.constant 0 : index
    %get3A_1 = arith.constant 0 : index
    %get3A_2 = vector.load %arg1[%get3A, %get3A_0, %get3A_1] : memref<2x2000x32xf32, #tpu.memory_space<vmem>>, vector<2x2000x32xf32>
    %get3A_3 = arith.constant 0 : index
    %get3A_4 = arith.constant 0 : index
    %get3A_5 = vector.load %arg2[%get3A_3, %get3A_4] : memref<2000x1xf32, #tpu.memory_space<vmem>>, vector<2000x1xf32>
    %get3A_6 = arith.constant 0 : index
    %get3A_7 = arith.constant 0 : index
    %get3A_8 = vector.load %arg3[%get3A_6, %get3A_7] : memref<2000x1xf32, #tpu.memory_space<vmem>>, vector<2000x1xf32>
    %add3A = arith.addf %get3A_5, %get3A_8 : vector<2000x1xf32>
    %jit3A = arith.constant 1.000000e+00 : f32
    %max3A = vector.broadcast %jit3A : f32 to vector<2000x1xf32>
    %max3A_9 = arith.maximumf %max3A, %add3A : vector<2000x1xf32>
    %slice3A = vector.extract_strided_slice %get3A_2 {offsets = [0, 0, 0], sizes = [1, 2000, 32], strides = [1, 1, 1]} : vector<2x2000x32xf32> to vector<1x2000x32xf32>
    %squeeze3A = vector.shape_cast %slice3A : vector<1x2000x32xf32> to vector<2000x32xf32>
    %slice3A_10 = vector.extract_strided_slice %get3A_2 {offsets = [1, 0, 0], sizes = [1, 2000, 32], strides = [1, 1, 1]} : vector<2x2000x32xf32> to vector<1x2000x32xf32>
    %squeeze3A_11 = vector.shape_cast %slice3A_10 : vector<1x2000x32xf32> to vector<2000x32xf32>
    %add3A_12 = arith.addf %squeeze3A, %squeeze3A_11 : vector<2000x32xf32>
    %div3A = vector.broadcast %max3A_9 : vector<2000x1xf32> to vector<2000x32xf32>
    %div3A_13 = arith.divf %add3A_12, %div3A : vector<2000x32xf32>
    %get3A_14 = arith.constant 0 : index
    %get3A_15 = arith.constant 0 : index
    %get3A_16 = vector.load %arg4[%get3A_14, %get3A_15] : memref<1x32xf32, #tpu.memory_space<vmem>>, vector<1x32xf32>
    %add3A_17 = vector.broadcast %get3A_16 : vector<1x32xf32> to vector<2000x32xf32>
    %add3A_18 = arith.addf %div3A_13, %add3A_17 : vector<2000x32xf32>
    %max3A_19 = arith.constant 0.000000e+00 : f32
    %max3A_20 = vector.broadcast %max3A_19 : f32 to vector<2000x32xf32>
    %max3A_21 = arith.maximumf %add3A_18, %max3A_20 : vector<2000x32xf32>
    %get3A_22 = arith.constant 0 : index
    %get3A_23 = arith.constant 0 : index
    %get3A_24 = vector.load %arg7[%get3A_22, %get3A_23] : memref<1x1xf32, #tpu.memory_space<vmem>>, vector<1x1xf32>
    %get3A_25 = vector.extract %get3A_24[0, 0] : f32 from vector<1x1xf32>
    %get3A_26 = arith.constant 0 : index
    %get3A_27 = arith.constant 0 : index
    %get3A_28 = vector.load %arg5[%get3A_26, %get3A_27] : memref<32x32xf32, #tpu.memory_space<vmem>>, vector<32x32xf32>
    %dot_general3A = arith.constant dense<0.000000e+00> : vector<2000x32xf32>
    %dot_general3A_29 = tpu.matmul %max3A_21, %get3A_28, %dot_general3A {dimension_numbers = #tpu.dot_dimension_numbers<[1], [0], [0], [1], [0, 0, 1, 1], [], []>, transpose_lhs_hint = false} : vector<2000x32xf32>, vector<32x32xf32>, vector<2000x32xf32> -> vector<2000x32xf32>
    %get3A_30 = arith.constant 0 : index
    %get3A_31 = arith.constant 0 : index
    %get3A_32 = vector.load %arg6[%get3A_30, %get3A_31] : memref<1x32xf32, #tpu.memory_space<vmem>>, vector<1x32xf32>
    %add3A_33 = vector.broadcast %get3A_32 : vector<1x32xf32> to vector<2000x32xf32>
    %add3A_34 = arith.addf %dot_general3A_29, %add3A_33 : vector<2000x32xf32>
    %max3A_35 = arith.constant 0.000000e+00 : f32
    %max3A_36 = vector.broadcast %max3A_35 : f32 to vector<2000x32xf32>
    %max3A_37 = arith.maximumf %add3A_34, %max3A_36 : vector<2000x32xf32>
    %mul3A = vector.broadcast %get3A_25 : f32 to vector<2000x32xf32>
    %mul3A_38 = arith.mulf %mul3A, %max3A_37 : vector<2000x32xf32>
    %get3A_39 = arith.constant 0 : index
    %get3A_40 = arith.constant 0 : index
    %get3A_41 = vector.load %arg10[%get3A_39, %get3A_40] : memref<1x1xf32, #tpu.memory_space<vmem>>, vector<1x1xf32>
    %get3A_42 = vector.extract %get3A_41[0, 0] : f32 from vector<1x1xf32>
    %get3A_43 = arith.constant 0 : index
    %get3A_44 = arith.constant 0 : index
    %get3A_45 = vector.load %arg8[%get3A_43, %get3A_44] : memref<32x32xf32, #tpu.memory_space<vmem>>, vector<32x32xf32>
    %dot_general3A_46 = arith.constant dense<0.000000e+00> : vector<2000x32xf32>
    %dot_general3A_47 = tpu.matmul %mul3A_38, %get3A_45, %dot_general3A_46 {dimension_numbers = #tpu.dot_dimension_numbers<[1], [0], [0], [1], [0, 0, 1, 1], [], []>, transpose_lhs_hint = false} : vector<2000x32xf32>, vector<32x32xf32>, vector<2000x32xf32> -> vector<2000x32xf32>
    %get3A_48 = arith.constant 0 : index
    %get3A_49 = arith.constant 0 : index
    %get3A_50 = vector.load %arg9[%get3A_48, %get3A_49] : memref<1x32xf32, #tpu.memory_space<vmem>>, vector<1x32xf32>
    %add3A_51 = vector.broadcast %get3A_50 : vector<1x32xf32> to vector<2000x32xf32>
    %add3A_52 = arith.addf %dot_general3A_47, %add3A_51 : vector<2000x32xf32>
    %max3A_53 = arith.constant 0.000000e+00 : f32
    %max3A_54 = vector.broadcast %max3A_53 : f32 to vector<2000x32xf32>
    %max3A_55 = arith.maximumf %add3A_52, %max3A_54 : vector<2000x32xf32>
    %mul3A_56 = vector.broadcast %get3A_42 : f32 to vector<2000x32xf32>
    %mul3A_57 = arith.mulf %mul3A_56, %max3A_55 : vector<2000x32xf32>
    %get3A_58 = arith.constant 0 : index
    %get3A_59 = arith.constant 0 : index
    %get3A_60 = vector.load %arg11[%get3A_58, %get3A_59] : memref<32x32xf32, #tpu.memory_space<vmem>>, vector<32x32xf32>
    %dot_general3A_61 = arith.constant dense<0.000000e+00> : vector<2000x32xf32>
    %dot_general3A_62 = tpu.matmul %mul3A_57, %get3A_60, %dot_general3A_61 {dimension_numbers = #tpu.dot_dimension_numbers<[1], [0], [0], [1], [0, 0, 1, 1], [], []>, transpose_lhs_hint = false} : vector<2000x32xf32>, vector<32x32xf32>, vector<2000x32xf32> -> vector<2000x32xf32>
    %get3A_63 = arith.constant 0 : index
    %get3A_64 = arith.constant 0 : index
    %get3A_65 = vector.load %arg12[%get3A_63, %get3A_64] : memref<1x32xf32, #tpu.memory_space<vmem>>, vector<1x32xf32>
    %add3A_66 = vector.broadcast %get3A_65 : vector<1x32xf32> to vector<2000x32xf32>
    %add3A_67 = arith.addf %dot_general3A_62, %add3A_66 : vector<2000x32xf32>
    %max3A_68 = arith.constant 0.000000e+00 : f32
    %max3A_69 = vector.broadcast %max3A_68 : f32 to vector<2000x32xf32>
    %max3A_70 = arith.maximumf %add3A_67, %max3A_69 : vector<2000x32xf32>
    %get3A_71 = arith.constant 0 : index
    %get3A_72 = arith.constant 0 : index
    %get3A_73 = vector.load %arg13[%get3A_71, %get3A_72] : memref<32x32xf32, #tpu.memory_space<vmem>>, vector<32x32xf32>
    %dot_general3A_74 = arith.constant dense<0.000000e+00> : vector<2000x32xf32>
    %dot_general3A_75 = tpu.matmul %max3A_70, %get3A_73, %dot_general3A_74 {dimension_numbers = #tpu.dot_dimension_numbers<[1], [0], [0], [1], [0, 0, 1, 1], [], []>, transpose_lhs_hint = false} : vector<2000x32xf32>, vector<32x32xf32>, vector<2000x32xf32> -> vector<2000x32xf32>
    %get3A_76 = arith.constant 0 : index
    %get3A_77 = arith.constant 0 : index
    %get3A_78 = vector.load %arg14[%get3A_76, %get3A_77] : memref<1x32xf32, #tpu.memory_space<vmem>>, vector<1x32xf32>
    %add3A_79 = vector.broadcast %get3A_78 : vector<1x32xf32> to vector<2000x32xf32>
    %add3A_80 = arith.addf %dot_general3A_75, %add3A_79 : vector<2000x32xf32>
    %max3A_81 = arith.constant 0.000000e+00 : f32
    %max3A_82 = vector.broadcast %max3A_81 : f32 to vector<2000x32xf32>
    %max3A_83 = arith.maximumf %add3A_80, %max3A_82 : vector<2000x32xf32>
    %get3A_84 = arith.constant 0 : index
    %get3A_85 = arith.constant 0 : index
    %get3A_86 = vector.load %arg15[%get3A_84, %get3A_85] : memref<32x2xf32, #tpu.memory_space<vmem>>, vector<32x2xf32>
    %dot_general3A_87 = arith.constant dense<0.000000e+00> : vector<2000x2xf32>
    %dot_general3A_88 = tpu.matmul %max3A_83, %get3A_86, %dot_general3A_87 {dimension_numbers = #tpu.dot_dimension_numbers<[1], [0], [0], [1], [0, 0, 1, 1], [], []>, transpose_lhs_hint = false} : vector<2000x32xf32>, vector<32x2xf32>, vector<2000x2xf32> -> vector<2000x2xf32>
    %get3A_89 = arith.constant 0 : index
    %get3A_90 = arith.constant 0 : index
    %get3A_91 = vector.load %arg16[%get3A_89, %get3A_90] : memref<1x2xf32, #tpu.memory_space<vmem>>, vector<1x2xf32>
    %add3A_92 = vector.broadcast %get3A_91 : vector<1x2xf32> to vector<2000x2xf32>
    %add3A_93 = arith.addf %dot_general3A_88, %add3A_92 : vector<2000x2xf32>
    %swap3A = arith.constant 0 : index
    %swap3A_94 = arith.constant 0 : index
    %swap3A_95 = vector.load %arg17[%swap3A, %swap3A_94] : memref<2000x2xf32, #tpu.memory_space<vmem>>, vector<2000x2xf32>
    tpu.vector_store %arg17[%swap3A, %swap3A_94], %add3A_93 {strides = array<i32>} : memref<2000x2xf32, #tpu.memory_space<vmem>>, vector<2000x2xf32>,
    return
  }
  func.func @transform_0(%arg0: i32) -> (i32, i32, i32) {
    %c0_i32 = arith.constant 0 : i32
    %c0_i32_0 = arith.constant 0 : i32
    %c0_i32_1 = arith.constant 0 : i32
    return %c0_i32, %arg0, %c0_i32_0 : i32, i32, i32
  }
  func.func @transform_1(%arg0: i32) -> (i32, i32) {
    %c0_i32 = arith.constant 0 : i32
    %c0_i32_0 = arith.constant 0 : i32
    return %arg0, %c0_i32 : i32, i32
  }
  func.func @transform_2(%arg0: i32) -> (i32, i32) {
    %c0_i32 = arith.constant 0 : i32
    %c0_i32_0 = arith.constant 0 : i32
    return %arg0, %c0_i32 : i32, i32
  }
  func.func @transform_3(%arg0: i32) -> (i32, i32) {
    %c0_i32 = arith.constant 0 : i32
    %c0_i32_0 = arith.constant 0 : i32
    %c0_i32_1 = arith.constant 0 : i32
    return %c0_i32, %c0_i32_0 : i32, i32
  }
  func.func @transform_4(%arg0: i32) -> (i32, i32) {
    %c0_i32 = arith.constant 0 : i32
    %c0_i32_0 = arith.constant 0 : i32
    %c0_i32_1 = arith.constant 0 : i32
    return %c0_i32, %c0_i32_0 : i32, i32
  }
  func.func @transform_5(%arg0: i32) -> (i32, i32) {
    %c0_i32 = arith.constant 0 : i32
    %c0_i32_0 = arith.constant 0 : i32
    %c0_i32_1 = arith.constant 0 : i32
    return %c0_i32, %c0_i32_0 : i32, i32
  }
  func.func @transform_6(%arg0: i32) -> (i32, i32) {
    %c0_i32 = arith.constant 0 : i32
    %c0_i32_0 = arith.constant 0 : i32
    %c0_i32_1 = arith.constant 0 : i32
    return %c0_i32, %c0_i32_0 : i32, i32
  }
  func.func @transform_7(%arg0: i32) -> (i32, i32) {
    %c0_i32 = arith.constant 0 : i32
    %c0_i32_0 = arith.constant 0 : i32
    %c0_i32_1 = arith.constant 0 : i32
    return %c0_i32, %c0_i32_0 : i32, i32
  }
  func.func @transform_8(%arg0: i32) -> (i32, i32) {
    %c0_i32 = arith.constant 0 : i32
    %c0_i32_0 = arith.constant 0 : i32
    %c0_i32_1 = arith.constant 0 : i32
    return %c0_i32, %c0_i32_0 : i32, i32
  }
  func.func @transform_9(%arg0: i32) -> (i32, i32) {
    %c0_i32 = arith.constant 0 : i32
    %c0_i32_0 = arith.constant 0 : i32
    %c0_i32_1 = arith.constant 0 : i32
    return %c0_i32, %c0_i32_0 : i32, i32
  }
  func.func @transform_10(%arg0: i32) -> (i32, i32) {
    %c0_i32 = arith.constant 0 : i32
    %c0_i32_0 = arith.constant 0 : i32
    %c0_i32_1 = arith.constant 0 : i32
    return %c0_i32, %c0_i32_0 : i32, i32
  }
  func.func @transform_11(%arg0: i32) -> (i32, i32) {
    %c0_i32 = arith.constant 0 : i32
    %c0_i32_0 = arith.constant 0 : i32
    %c0_i32_1 = arith.constant 0 : i32
    return %c0_i32, %c0_i32_0 : i32, i32
  }
  func.func @transform_12(%arg0: i32) -> (i32, i32) {
    %c0_i32 = arith.constant 0 : i32
    %c0_i32_0 = arith.constant 0 : i32
    %c0_i32_1 = arith.constant 0 : i32
    return %c0_i32, %c0_i32_0 : i32, i32
  }
  func.func @transform_13(%arg0: i32) -> (i32, i32) {
    %c0_i32 = arith.constant 0 : i32
    %c0_i32_0 = arith.constant 0 : i32
    %c0_i32_1 = arith.constant 0 : i32
    return %c0_i32, %c0_i32_0 : i32, i32
  }
  func.func @transform_14(%arg0: i32) -> (i32, i32) {
    %c0_i32 = arith.constant 0 : i32
    %c0_i32_0 = arith.constant 0 : i32
    %c0_i32_1 = arith.constant 0 : i32
    return %c0_i32, %c0_i32_0 : i32, i32
  }
  func.func @transform_15(%arg0: i32) -> (i32, i32) {
    %c0_i32 = arith.constant 0 : i32
    %c0_i32_0 = arith.constant 0 : i32
    %c0_i32_1 = arith.constant 0 : i32
    return %c0_i32, %c0_i32_0 : i32, i32
  }
  func.func @transform_16(%arg0: i32) -> (i32, i32) {
    %c0_i32 = arith.constant 0 : i32
    %c0_i32_0 = arith.constant 0 : i32
    return %arg0, %c0_i32 : i32, i32
  }
}

</mosaic_0001>

<sc_bundles>
// kernel: kernel.10.cloned.1.call-start
scs
__scs_entry_jumppad:
0x0: {  	(pc) =	sbr.rel $0x88, $3  }
0x1: {  	(tag) =	ssettag $0x0;
	lr =	simm.s32 $0x1  }
0x2: {  	[smem:$0x3F8F] =	sst lr;
	_ =	strace $0xD0000000  }
0x3: {  	_ = 	snop  }
0x4: {  	_ = 	snop  }
0x5: {  	_ = 	snop  }
0x6: {  	_ = 	snop  }
0x7: {  	_ = 	snop  }
__scs_overlays_trampoline_lowered:
0x8: {  	[smem:$0x3F9E] =	sst s0  }
0x9: {  	[smem:$0x3F9F] =	sst s1  }
0xa: {  	[smem:$0x3FA0] =	sst s2  }
0xb: {  	[smem:$0x3FA1] =	sst s3  }
0xc: {  	[smem:$0x3FA2] =	sst s4  }
0xd: {  	[smem:$0x3FA3] =	sst s5  }
0xe: {  	[smem:$0x3FA4] =	sst s6  }
0xf: {  	[smem:$0x3FA5] =	sst s7  }
0x10: {  	[smem:$0x3FA6] =	sst s8  }
0x11: {  	[smem:$0x3FA7] =	sst s9;
	s0 =	simm.s32 @!p0 $0x0  }
0x12: {  	s1 =	sld [smem:$0x3F8D];
	s0 =	simm.s32 @p0 $0x1  }
0x13: {  	[smem:$0x3FA8] =	sst s0;
	s0 =	simm.s32 @!p1 $0x0  }
0x14: {  	s2 =	sld [smem:$0x3F8C];
	s0 =	simm.s32 @p1 $0x1  }
0x15: {  	[smem:$0x3FA9] =	sst s0;
	s0 =	simm.s32 @!p2 $0x0  }
0x16: {  	s3 =	sld [smem:$0x3FDB];
	s0 =	simm.s32 @p2 $0x1  }
0x17: {  	s4 =	simm.s32 $0x1BF5;
	[smem:$0x3FAB] =	sst s0  }
0x18: {  	s0 =	sld [smem:$0x3F8E];
	_ =	swait.ge [sflag:s4], $0x0  }
0x19: {  	s7 =	sld [smem:$0x3F8F]  }
0x1a: {  	s8 =	sadd.s32 $0xFFFFE003, lr  }
0x1b: {  	s9 =	sadd.s32 $0xFFFFFEF7, lr;
	s5 =	simm.s32 $0xFFFFFFFF;
	p2 =	slt.u32 s8, $0xFFFFF086  }
0x1c: {  	p1 =	slt.u32 s9, $0xF7A;
	s5 =	simm.s32 @!p2 $0x0  }
0x1d: {  	s5 =	simm.s32 @p1 $0x1;
	p0 =	seq.s32 s7, s2  }
0x1e: {  	s7 =	smul.u32 @!p0 $0xF7A, s2;
	p2 =	seq.s32 @!p0 s5, $0x0  }
0x1f: {  	s9 =	smul.u32 $0xF7A, s1;
	s8 =	simm.s32 @!p0 $0x1BF5;
	p2 =	por !p2, p0  }
0x20: {  	[sflag:s8] =	ssyncset.s32 @!p0 $0xFFFFF086;
	s6 =	sadd.s32 @!p0 s3, s7;
	s7 =	simm.s32 @!p0 $0x108  }
0x21: {  	s3 =	sadd.s32 s3, s9;
	s6 =	sadd.s32 @!p0 $0x88, s6;
	s7 =	simm.s32 @p2 $0x1082  }
0x22: {  	[simem:s7], [sflag:s8] =	dma.local @!p0 [hbm:s6], $0xF7A  }
0x23: {  	s9 =	sor.u32 $0xD0000000, s2;
	s6 =	simm.s32 $0x108;
	_ =	swait.ge @!p0 [sflag:s8], $0x0  }
0x24: {  	s3 =	sadd.s32 $0x88, s3;
	s6 =	simm.s32 @!p1 $0x1082;
	[sflag:s4] =	ssyncset.s32 $0xFFFFF086  }
0x25: {  	[simem:s6], [sflag:s4] =	dma.local [hbm:s3], $0xF7A  }
0x26: {  	[smem:$0x3F8F] =	sst s1;
	(tag) =	ssettag s2;
	_ =	strace s9  }
0x27: {  	s1 =	sld [smem:$0x3F9F]  }
0x28: {  	s2 =	sld [smem:$0x3FA0]  }
0x29: {  	s4 =	sld [smem:$0x3FA2]  }
0x2a: {  	p0 =	seq.s32 s5, $0x0;
	s5 =	sld [smem:$0x3FA3]  }
0x2b: {  	s6 =	sld [smem:$0x3FA4]  }
0x2c: {  	s7 =	sld [smem:$0x3FA5]  }
0x2d: {  	s3 =	simm.s32 $0x108;
	s8 =	sld [smem:$0x3FA6]  }
0x2e: {  	s3 =	simm.s32 @!p0 $0x1082;
	s9 =	sld [smem:$0x3FA7]  }
0x2f: {  	lr =	sadd.s32 s0, s3;
	s0 =	sld [smem:$0x3F9E]  }
0x30: {  	s3 =	sld [smem:$0x3FA1]  }
0x31: {  	[smem:$0x3FAA] =	sst s10  }
0x32: {  	s10 =	sld [smem:$0x3FA8];
	_ =	sdelay $0x3  }
0x33: {  	p0 =	seq.s32 s10, $0x1;
	s10 =	sld [smem:$0x3FAA];
	_ =	sdelay $0x3  }
0x34: {  	[smem:$0x3FAA] =	sst s10  }
0x35: {  	s10 =	sld [smem:$0x3FA9];
	_ =	sdelay $0x3  }
0x36: {  	p1 =	seq.s32 s10, $0x1;
	s10 =	sld [smem:$0x3FAA];
	_ =	sdelay $0x3  }
0x37: {  	[smem:$0x3FAA] =	sst s10  }
0x38: {  	s10 =	sld [smem:$0x3FAB]  }
0x39: {  	_ = 	snop;
	(pc) =	sbr.ind lr, $3  }
0x3a: {  	_ = 	snop  }
0x3b: {  	_ = 	snop  }
0x3c: {  	p2 =	seq.s32 s10, $0x1;
	s10 =	sld [smem:$0x3FAA]  }
0x3d: {  	_ =	shalt  }
0x3e: {  	_ =	shalt  }
0x3f: {  	_ =	shalt  }
0x40: {  	_ =	shalt  }
0x41: {  	_ =	shalt  }
0x42: {  	_ =	shalt  }
0x43: {  	_ =	shalt  }
0x44: {  	_ =	shalt  }
0x45: {  	_ =	shalt  }
0x46: {  	_ =	shalt  }
0x47: {  	_ =	shalt  }
0x48: {  	_ =	shalt  }
0x49: {  	_ =	shalt  }
0x4a: {  	_ =	shalt  }
0x4b: {  	_ =	shalt  }
0x4c: {  	_ =	shalt  }
0x4d: {  	_ =	shalt  }
0x4e: {  	_ =	shalt  }
0x4f: {  	_ =	shalt  }
0x50: {  	_ =	shalt  }
0x51: {  	_ =	shalt  }
0x52: {  	_ =	shalt  }
0x53: {  	_ =	shalt  }
0x54: {  	_ =	shalt  }
0x55: {  	_ =	shalt  }
0x56: {  	_ =	shalt  }
0x57: {  	_ =	shalt  }
0x58: {  	_ =	shalt  }
0x59: {  	_ =	shalt  }
0x5a: {  	_ =	shalt  }
0x5b: {  	_ =	shalt  }
0x5c: {  	_ =	shalt  }
0x5d: {  	_ =	shalt  }
0x5e: {  	_ =	shalt  }
0x5f: {  	_ =	shalt  }
0x60: {  	_ =	shalt  }
0x61: {  	_ =	shalt  }
0x62: {  	_ =	shalt  }
0x63: {  	_ =	shalt  }
0x64: {  	_ =	shalt  }
0x65: {  	_ =	shalt  }
0x66: {  	_ =	shalt  }
0x67: {  	_ =	shalt  }
0x68: {  	_ =	shalt  }
0x69: {  	_ =	shalt  }
0x6a: {  	_ =	shalt  }
0x6b: {  	_ =	shalt  }
0x6c: {  	_ =	shalt  }
0x6d: {  	_ =	shalt  }
0x6e: {  	_ =	shalt  }
0x6f: {  	_ =	shalt  }
0x70: {  	_ =	shalt  }
0x71: {  	_ =	shalt  }
0x72: {  	_ =	shalt  }
0x73: {  	_ =	shalt  }
0x74: {  	_ =	shalt  }
0x75: {  	_ =	shalt  }
0x76: {  	_ =	shalt  }
0x77: {  	_ =	shalt  }
0x78: {  	_ =	shalt  }
0x79: {  	_ =	shalt  }
0x7a: {  	_ =	shalt  }
0x7b: {  	_ =	shalt  }
0x7c: {  	_ =	shalt  }
0x7d: {  	_ =	shalt  }
0x7e: {  	_ =	shalt  }
0x7f: {  	_ =	shalt  }
0x80: {  	_ =	shalt  }
0x81: {  	_ =	shalt  }
0x82: {  	_ =	shalt  }
0x83: {  	_ =	shalt  }
0x84: {  	_ =	shalt  }
0x85: {  	_ =	shalt  }
0x86: {  	_ =	shalt  }
0x87: {  	_ =	shalt  }
.Lfunc_end0:
.L_simem_size_0:
called_computation.1_lowered:
.L_overlay_start_0:
0x88: {  	s2 =	sld [smem:$0x3FD9]  }
0x89: {  	s3 =	sld [smem:$0x3FFE];
	_ =	sdelay $0x1  }
0x8a: {  	s1 =	srdreg.scid  }
0x8b: {  	s0 =	sand.u32 $0x1, s1  }
0x8c: {  	s16 =	sshll.u32 s0, $0xA;
	s2 =	sadd.s32 s3, s2  }
0x8d: {  	s2 =	sadd.s32 s2, s16  }
0x8e: {  	[smem:$0x3FB6] =	sst s2  }
0x8f: {  	_ = 	snop  }
0x90: {  	(tm) =	ssettm $0x1  }
0x91: {  	s17 =	sld [smem:$0x3FFB];
	_ =	sdelay $0x3  }
0x92: {  	_ =	strace s17  }
0x93: {  	s2 =	sld [smem:$0x3FFC];
	_ =	sdelay $0x3  }
0x94: {  	_ =	strace s2  }
0x95: {  	s2 =	sld [smem:$0x3FFD];
	_ =	sdelay $0x3  }
0x96: {  	_ =	strace s2  }
0x97: {  	_ =	strace $0x8FFFFFFF  }
0x98: {  	s18 =	sld [smem:$0x3FDB];
	_ =	sdelay $0x1  }
0x99: {  	s19 =	simm.s32 $_scs_section_size  }
0x9a: {  	s4 =	simm.s32 $_size__tile_overlayer_lowered;
	s5 =	simm.s32 $_tile_overlayer_lowered  }
0x9b: {  	s22 =	simm.s32 $0x1BFF;
	s21 =	sshll.u32 s5, $0x1;
	s2 =	sadd.s32 s19, s18  }
0x9c: {  	s6 =	simm.s32 $0x0;
	s20 =	sshll.u32 s4, $0x1;
	s4 =	sadd.s32 s21, s2  }
0x9d: {  	[timem:s6], [sflag:s22] =	dma.local [hbm:s4], s20  }
0x9e: {  	_ =	swait.ge [sflag:s22], s20  }
0x9f: {  	s3 =	ssub.s32 $0x0, s20;
	[sflag:s22] =	ssyncset.done $0x0  }
0xa0: {  	[sflag:s22] =	ssyncadd.s32 s3;
	_ =	sdelay $0x1  }
0xa1: {  	s23 =	simm.s32 $0x1B8B  }
0xa2: {  	_ =	swait.ge [sflag:s23], $0x1  }
0xa3: {  	[sflag:s23] =	ssyncset.done $0x0  }
0xa4: {  	s25 =	simm.s32 $0x1B8E;
	s24 =	sld [smem:$0x3FFE];
	[sflag:s23] =	ssyncadd.s32 $0xFFFFFFFF  }
0xa5: {  	s26 =	simm.s32 $execute0_lowered;
	[smem:$0x3FD2] =	sst s25  }
0xa6: {  	s4 =	sshll.u32 s26, $0x1;
	_ =	strace $0x80000049;
	[dreg:$0x1] =	wrdreg $0xFFFFFFFF  }
0xa7: {  	s28 =	simm.s32 $_size_execute0_lowered;
	s2 =	sadd.s32 s2, s4;
	[dreg:$0x0] =	wrdreg $0x0  }
0xa8: {  	s4 =	sshll.u32 s28, $0x1;
	[dreg:$0x2] =	wrdreg s2  }
0xa9: {  	[dreg:$0x3] =	wrdreg s4  }
0xaa: {  	[dreg:$0x4] =	wrdreg $0xC0  }
0xab: {  	_ =	task [dreg:s6], $0x5FFFF  }
0xac: {  	[dreg:$0x1] =	wrdreg $0xFFFFFFFF  }
0xad: {  	[dreg:$0x0] =	wrdreg $0x60  }
0xae: {  	[dreg:$0x2] =	wrdreg s24  }
0xaf: {  	[dreg:$0x3] =	wrdreg $0x14D000  }
0xb0: {  	[dreg:$0x4] =	wrdreg $0xFE000  }
0xb1: {  	[dreg:$0x5] =	wrdreg $0x9  }
0xb2: {  	_ =	task.clear_ibuf [dreg:s6], $0x6FFFF;
	_ =	strace $0x90000049  }
0xb3: {  	s29 =	simm.s32 $0x9;
	_ =	strace $0x8000004B  }
0xb4: {  	_ =	swait.ge [sflag:s29], $0x1  }
0xb5: {  	[sflag:s29] =	ssyncadd.s32 $0xFFFFFFFF  }
0xb6: {  	_ =	strace $0x9000004B  }
0xb7: {  	_ =	sfence  }
0xb8: {  	s30 =	sld [smem:$0x0];
	_ =	sdelay $0x2  }
0xb9: {  	s31 =	sshll.u32 s1, $0xD;
	s1 =	sshrl.u32 s1, $0x2  }
0xba: {  	s3 =	sand.u32 $0x4000, s31;
	s1 =	sadd.s32 s1, s30  }
0xbb: {  	s0 =	sor.u32 s3, s0;
	s1 =	sshll.u32 s1, $0x11  }
0xbc: {  	s0 =	sor.u32 s1, s0  }
0xbd: {  	s0 =	sadd.s32 $0x8F2B, s0  }
0xbe: {  	[sflag:s0] =	ssyncadd.remote.s32 $0x1  }
0xbf: {  	_ =	sfence.sel $0xFFFF  }
0xc0: {  	[dreg:$0x0] =	wrdreg $0xFFFFFFFF;
	(pc) =	sbr.abs _section_cstart, $3  }
0xc1: {  	[dreg:$0x1] =	wrdreg $0xFFFFFFFF  }
0xc2: {  	_ =	task.clear_ibuf [dreg:s6], $0x2FFFF;
	_ =	strace $0x9FFFFFFF  }
0xc3: {  	(tm) =	ssettm $0x7FFFFFFF  }
tec
execute0_lowered:
.L_overlay_start_1:
0x0: {  	(tag) =	ssettag $0x1  }
0x1: {  	s14 =	stileid.u32;
	s1 =	rddreg [dreg:$0x0]  }
0x2: {  	s0 =	srdreg.scid;
	s2 =	rddreg [dreg:$0x1];
	s4 =	simm.s32 $0x0  }
0x3: {  	s16 =	simm.s32 $0xAF00;
	s17 =	simm.s32 $0x80;
	s22 =	simm.s32 $0x1  }
0x4: {  	s23 =	simm.s32 $0x2;
	s28 =	simm.s32 $0x8F00;
	s29 =	simm.s32 $0x4E00  }
0x5: {  	s30 =	simm.s32 $0x9F00;
	s31 =	simm.s32 $0x0;
	s10 =	smul.u32 $0x4E20, s14  }
0x6: {  	s0 =	sand.u32 $0x1, s0;
	s3 =	sshll.u32 s14, $0x1;
	s11 =	smul.u32 $0x4F00, s14  }
0x7: {  	[smem:$0x7FF] =	sst s4;
	p0 =	sgt.u32 s14, $0x1;
	s14 =	simm.s32 $0x3  }
0x8: {  	s5 =	sor.u32 s0, s3;
	s3 =	rddreg [dreg:$0x2];
	s8 =	smul.u32 $0x4F000, s0  }
0x9: {  	_ =	strace $0x8000004A;
	s0 =	ssub.s32 $0x2, s0;
	s6 =	smul.u32 $0x4E, s5  }
0xa: {  	s7 =	sshrl.u32 s10, $0x3;
	s5 =	smin.u32 s5, $0x4;
	s25 =	sshrl.u32 s0, $0x1  }
0xb: {  	s10 =	sadd.s32 s10, s2;
	s9 =	sadd.s32 s7, s1;
	s24 =	sadd.s32 s11, s8  }
0xc: {  	s0 =	ssub.s32 s0, s25;
	s11 =	sadd.s32 s11, s3;
	s5 =	sadd.s32 s5, s6  }
0xd: {  	s6 =	sshrl.u32 s24, $0x3;
	s9 =	sadd.s32 $0x16800, s9;
	s5 =	sshll.u32 s5, $0x4  }
0xe: {  	s13 =	smax.u32 s0, $0x1;
	s26 =	sadd.s32 s5, s1;
	s1 =	sadd.s32 s6, s1  }
0xf: {  	s5 =	sadd.s32 $0x2E00, s26;
	s6 =	sadd.s32 $0xCA40, s26;
	s7 =	sadd.s32 $0x32E0, s26  }
0x10: {  	v0 =	vimm.f32 $0.0e+00;
	s8 =	sadd.s32 $0xCF20, s26;
	s12 =	sadd.s32 $0x20600, s1;
	s26 =	simm.s32 $0x4D80  }
.LBB2_1:
0x11: {  	[tilespmem:s4], [sflag:$0x3] =	stream.linear.gather [hbm4b:s5+s4], $0x2700, $0x38;
	[tilespmem:$0x19B20] =	vst v63  }
0x12: {  	_ =	swait.ge [sflag:s14], $0x2700  }
0x13: {  	[sflag:s14] =	ssyncset.done $0x0  }
0x14: {  	s0 =	simm.s32 $0x2780;
	[sflag:s14] =	ssyncadd.s32 $0xFFFFD900  }
0x15: {  	[tilespmem:s0], [sflag:$0x3] =	stream.linear.gather [hbm4b:s6+s4], $0x2700, $0x38;
	[tilespmem:$0x19B20] =	vst v63  }
0x16: {  	_ =	swait.ge [sflag:s14], $0x2700  }
0x17: {  	[sflag:s14] =	ssyncset.done $0x0  }
0x18: {  	s1 =	simm.s32 @!p0 $0x2700;
	s0 =	simm.s32 @!p0 $0x0;
	[sflag:s14] =	ssyncadd.s32 $0xFFFFD900  }
0x19: {  	[tilespmem:s1], [sflag:$0x3] =	stream.linear.gather @!p0 [hbm4b:s7+s0], $0x80, $0x38;
	[tilespmem:$0x19B20] =	vst v63  }
0x1a: {  	s1 =	simm.s32 @!p0 $0x3  }
0x1b: {  	_ =	swait.ge @!p0 [sflag:s1], $0x80  }
0x1c: {  	[sflag:s1] =	ssyncset.done @!p0 $0x0  }
0x1d: {  	s15 =	simm.s32 @!p0 $0x4E80;
	[sflag:s1] =	ssyncadd.s32 @!p0 $0xFFFFFF80  }
0x1e: {  	[tilespmem:s15], [sflag:$0x3] =	stream.linear.gather @!p0 [hbm4b:s8+s0], $0x80, $0x38;
	[tilespmem:$0x19B20] =	vst v63  }
0x1f: {  	_ =	swait.ge @!p0 [sflag:s1], $0x80  }
0x20: {  	[sflag:s1] =	ssyncset.done @!p0 $0x0  }
0x21: {  	[sflag:s1] =	ssyncadd.s32 @!p0 $0xFFFFFF80  }
0x22: {  	[tilespmem:s16], [sflag:$0x3] =	stream.linear.gather [hbm4b:s9+s4], $0x4E20, $0x38;
	[tilespmem:$0x19B20] =	vst v63  }
0x23: {  	_ =	swait.ge [sflag:s14], $0x4E20  }
0x24: {  	[sflag:s14] =	ssyncset.done $0x0  }
0x25: {  	[sflag:s14] =	ssyncadd.s32 $0xFFFFB1E0  }
0x26: {  	[spmem:s10] =	stream.linear.scatter [tilespmem:s16], [sflag:$0x3], $0x4E20, $0x38;
	[tilespmem:$0x19B20] =	vst v63  }
0x27: {  	_ =	swait.ge [sflag:s14], $0x4E20  }
0x28: {  	[sflag:s14] =	ssyncset.done $0x0  }
0x29: {  	s0 =	simm.s32 $0x80;
	s1 =	simm.s32 $0x0;
	[sflag:s14] =	ssyncadd.s32 $0xFFFFB1E0  }
.LBB2_2:
0x2a: {  	p1 =	sne.s32 s0, $0x13B80;
	[tilespmem:s1+$0xAF00] =	vst v0;
	s15 =	smov.u32 s0;
	s0 =	sadd.s32 $0x80, s0  }
.Ltmp0:
0x2b: {  	[tilespmem:s1+$0xAF10] =	vst v0;
	(pc) =	sbr.rel @p1 .LBB2_2-.Ltmp0, $2  }
0x2c: {  	_ =	sdelay $0x2  }
0x2d: {  	s1 =	sshra.s32 s15, $0x2  }
0x2e: {  	[tilespmem:s1+$0xAF00] =	vst v0  }
0x2f: {  	[tilespmem:s1+$0xAF10] =	vst v0  }
0x30: {  	[spmem:s11] =	stream.linear.scatter [tilespmem:s16], [sflag:$0x3], $0x4F00, $0x38;
	[tilespmem:$0x19B20] =	vst v63  }
0x31: {  	_ =	swait.ge [sflag:s14], $0x4F00  }
0x32: {  	[sflag:s14] =	ssyncset.done $0x0  }
0x33: {  	s0 =	simm.s32 $0x0;
	[sflag:s14] =	ssyncadd.s32 $0xFFFFB100  }
0x34: {  	s25 =	simm.s32 $0x4F00;
	s20 =	simm.s32 $0x1;
	[bflag:$0x0] =	sbarrier.arrive $0xFFFF  }
0x35: {  	[tilespmem:s25], [sflag:$0x1] =	stream.indirect.gather [spmem:s2], $0x20, s0, s17, $0xb8;
	[tilespmem:$0x19B20] =	vst v63  }
0x36: {  	s0 =	sand.u32 $0x1, s20  }
0x37: {  	s15 =	simm.s32 $0x5F00;
	p1 =	seq.s32 s0, $0x1;
	s0 =	simm.s32 $0x3000  }
0x38: {  	[tilespmem:s15], [sflag:$0x1] =	stream.indirect.gather [spmem:s2], $0x20, s17, s17, $0xb8;
	[tilespmem:$0x19B20] =	vst v63  }
0x39: {  	s18 =	simm.s32 $0x100;
	s19 =	simm.s32 $0x6F00;
	s0 =	simm.s32 @!p1 $0x0  }
0x3a: {  	[tilespmem:s19], [sflag:$0x1] =	stream.indirect.gather [spmem:s2], $0x20, s18, s17, $0xb8;
	[tilespmem:$0x19B20] =	vst v63  }
0x3b: {  	s15 =	simm.s32 $0x180;
	s21 =	sor.u32 $0x4F00, s0  }
0x3c: {  	[tilespmem:s21], [sflag:$0x1] =	stream.indirect.gather [spmem:s2], $0x20, s15, s17, $0xb8;
	[tilespmem:$0x19B20] =	vst v63  }
0x3d: {  	s25 =	simm.s32 $0x200;
	s24 =	sadd.s32 $0x5F00, s0  }
0x3e: {  	[tilespmem:s24], [sflag:$0x1] =	stream.indirect.gather [spmem:s2], $0x20, s25, s17, $0xb8;
	[tilespmem:$0x19B20] =	vst v63  }
0x3f: {  	s0 =	sadd.s32 $0x6F00, s0;
	s15 =	simm.s32 $0x280  }
0x40: {  	[tilespmem:s0], [sflag:$0x1] =	stream.indirect.gather [spmem:s2], $0x20, s15, s17, $0xb8;
	[tilespmem:$0x19B20] =	vst v63  }
0x41: {  	_ =	swait.ge [sflag:s22], $0x1000  }
0x42: {  	[sflag:s22] =	ssyncset.done $0x0  }
0x43: {  	[sflag:s22] =	ssyncadd.s32 $0xFFFFF000  }
0x44: {  	_ =	swait.ge [sflag:s22], $0x1000  }
0x45: {  	[sflag:s22] =	ssyncset.done $0x0  }
0x46: {  	[sflag:s22] =	ssyncadd.s32 $0xFFFFF000  }
0x47: {  	s0 =	simm.s32 $0x0;
	_ =	swait.ge [sflag:s22], $0x1000  }
0x48: {  	s0 =	simm.s32 @!p1 $0x3000;
	[sflag:s22] =	ssyncset.done $0x0  }
0x49: {  	s19 =	simm.s32 $0x2780;
	s18 =	sor.u32 $0x4F00, s0;
	[sflag:s22] =	ssyncadd.s32 $0xFFFFF000  }
0x4a: {  	[spmem:s3] =	stream.indirect.scatter.add.f32 [tilespmem:s18], [sflag:$0x2], $0x20, s19, s17, $0xb8;
	[tilespmem:$0x19B20] =	vst v63  }
0x4b: {  	s21 =	simm.s32 $0x2800;
	s20 =	sadd.s32 $0x5F00, s0  }
0x4c: {  	[spmem:s3] =	stream.indirect.scatter.add.f32 [tilespmem:s20], [sflag:$0x2], $0x20, s21, s17, $0xb8;
	[tilespmem:$0x19B20] =	vst v63  }
0x4d: {  	s24 =	simm.s32 $0x2880;
	s0 =	sadd.s32 $0x6F00, s0  }
0x4e: {  	[spmem:s3] =	stream.indirect.scatter.add.f32 [tilespmem:s0], [sflag:$0x2], $0x20, s24, s17, $0xb8;
	[tilespmem:$0x19B20] =	vst v63  }
0x4f: {  	_ =	swait.ge [sflag:s23], $0x1000  }
0x50: {  	[sflag:s23] =	ssyncset.done $0x0  }
0x51: {  	[sflag:s23] =	ssyncadd.s32 $0xFFFFF000  }
0x52: {  	s1 =	simm.s32 $0x180;
	_ =	swait.ge [sflag:s23], $0x1000  }
0x53: {  	s15 =	simm.s32 $0x0;
	s0 =	simm.s32 $0x2;
	[sflag:s23] =	ssyncset.done $0x0  }
0x54: {  	s18 =	simm.s32 $0xC00;
	s25 =	sand.u32 $0x1, s0;
	[sflag:s23] =	ssyncadd.s32 $0xFFFFF000  }
0x55: {  	s20 =	simm.s32 $0x3000;
	p1 =	seq.s32 s25, $0x1;
	_ =	swait.ge [sflag:s23], $0x1000  }
0x56: {  	s20 =	simm.s32 @!p1 $0x0;
	s15 =	simm.s32 @!p1 $0x3000;
	[sflag:s23] =	ssyncset.done $0x0  }
.LBB2_4:
0x57: {  	s21 =	sor.u32 $0x4F00, s20  }
0x58: {  	s24 =	sadd.s32 $0x180, s1;
	[sflag:s23] =	ssyncadd.s32 $0xFFFFF000;
	s19 =	smov.u32 s18  }
0x59: {  	[tilespmem:s21], [sflag:$0x1] =	stream.indirect.gather [spmem:s2], $0x20, s24, s17, $0xb8;
	[tilespmem:$0x19B20] =	vst v63  }
0x5a: {  	s25 =	sadd.s32 $0x200, s1;
	s21 =	sadd.s32 $0x600, s18;
	s24 =	sadd.s32 $0x5F00, s20  }
0x5b: {  	[tilespmem:s24], [sflag:$0x1] =	stream.indirect.gather [spmem:s2], $0x20, s25, s17, $0xb8;
	[tilespmem:$0x19B20] =	vst v63  }
0x5c: {  	p1 =	sne.s32 s18, $0x9000;
	s18 =	sadd.s32 $0x6F00, s20;
	s20 =	sadd.s32 $0x280, s1  }
0x5d: {  	[tilespmem:s18], [sflag:$0x1] =	stream.indirect.gather [spmem:s2], $0x20, s20, s17, $0xb8;
	[tilespmem:$0x19B20] =	vst v63  }
0x5e: {  	_ =	swait.ge [sflag:s22], $0x1000  }
0x5f: {  	[sflag:s22] =	ssyncset.done $0x0  }
0x60: {  	[sflag:s22] =	ssyncadd.s32 $0xFFFFF000  }
0x61: {  	_ =	swait.ge [sflag:s22], $0x1000  }
0x62: {  	[sflag:s22] =	ssyncset.done $0x0  }
0x63: {  	[sflag:s22] =	ssyncadd.s32 $0xFFFFF000  }
0x64: {  	_ =	swait.ge [sflag:s22], $0x1000  }
0x65: {  	[sflag:s22] =	ssyncset.done $0x0  }
0x66: {  	s18 =	sor.u32 $0x4F00, s15;
	s20 =	sadd.s32 $0x2780, s1;
	[sflag:s22] =	ssyncadd.s32 $0xFFFFF000  }
0x67: {  	[spmem:s3] =	stream.indirect.scatter.add.f32 [tilespmem:s18], [sflag:$0x2], $0x20, s20, s17, $0xb8;
	[tilespmem:$0x19B20] =	vst v63  }
0x68: {  	s18 =	sadd.s32 $0x5F00, s15;
	s20 =	sadd.s32 $0x2800, s1  }
0x69: {  	[spmem:s3] =	stream.indirect.scatter.add.f32 [tilespmem:s18], [sflag:$0x2], $0x20, s20, s17, $0xb8;
	[tilespmem:$0x19B20] =	vst v63  }
0x6a: {  	s15 =	sadd.s32 $0x6F00, s15;
	s1 =	sadd.s32 $0x2880, s1  }
0x6b: {  	[spmem:s3] =	stream.indirect.scatter.add.f32 [tilespmem:s15], [sflag:$0x2], $0x20, s1, s17, $0xb8;
	[tilespmem:$0x19B20] =	vst v63  }
0x6c: {  	_ =	swait.ge [sflag:s23], $0x1000  }
0x6d: {  	[sflag:s23] =	ssyncset.done $0x0  }
0x6e: {  	[sflag:s23] =	ssyncadd.s32 $0xFFFFF000  }
.Ltmp1:
0x6f: {  	s0 =	sadd.s32 $0x1, s0;
	_ =	swait.ge [sflag:s23], $0x1000;
	(pc) =	sbr.rel @p1 .LBB2_4-.Ltmp1, $4  }
0x70: {  	s20 =	simm.s32 $0x3000;
	s18 =	smov.u32 s21;
	[sflag:s23] =	ssyncset.done $0x0  }
0x71: {  	s1 =	sand.u32 $0x1, s0;
	s15 =	simm.s32 $0x0;
	[sflag:s23] =	ssyncadd.s32 $0xFFFFF000  }
0x72: {  	p2 =	seq.s32 s1, $0x1;
	s1 =	sshra.s32 s19, $0x2;
	_ =	swait.ge [sflag:s23], $0x1000  }
0x73: {  	s20 =	simm.s32 @!p2 $0x0;
	s15 =	simm.s32 @!p2 $0x3000;
	[sflag:s23] =	ssyncset.done $0x0  }
0x74: {  	s0 =	sor.u32 $0x4F00, s20;
	s18 =	sadd.s32 $0x180, s1;
	[sflag:s23] =	ssyncadd.s32 $0xFFFFF000  }
0x75: {  	[tilespmem:s0], [sflag:$0x1] =	stream.indirect.gather [spmem:s2], $0x20, s18, s17, $0xb8;
	[tilespmem:$0x19B20] =	vst v63  }
0x76: {  	s19 =	sadd.s32 $0x200, s1;
	s18 =	sadd.s32 $0x5F00, s20  }
0x77: {  	[tilespmem:s18], [sflag:$0x1] =	stream.indirect.gather [spmem:s2], $0x20, s19, s17, $0xb8;
	[tilespmem:$0x19B20] =	vst v63  }
0x78: {  	s21 =	sadd.s32 $0x280, s1;
	s20 =	sadd.s32 $0x6F00, s20  }
0x79: {  	[tilespmem:s20], [sflag:$0x1] =	stream.indirect.gather [spmem:s2], $0x20, s21, s17, $0xb8;
	[tilespmem:$0x19B20] =	vst v63  }
0x7a: {  	_ =	swait.ge [sflag:s22], $0x1000  }
0x7b: {  	[sflag:s22] =	ssyncset.done $0x0  }
0x7c: {  	[sflag:s22] =	ssyncadd.s32 $0xFFFFF000  }
0x7d: {  	_ =	swait.ge [sflag:s22], $0x1000  }
0x7e: {  	[sflag:s22] =	ssyncset.done $0x0  }
0x7f: {  	[sflag:s22] =	ssyncadd.s32 $0xFFFFF000  }
0x80: {  	_ =	swait.ge [sflag:s22], $0x1000  }
0x81: {  	[sflag:s22] =	ssyncset.done $0x0  }
0x82: {  	s24 =	sor.u32 $0x4F00, s15;
	s25 =	sadd.s32 $0x2780, s1;
	[sflag:s22] =	ssyncadd.s32 $0xFFFFF000  }
0x83: {  	[spmem:s3] =	stream.indirect.scatter.add.f32 [tilespmem:s24], [sflag:$0x2], $0x20, s25, s17, $0xb8;
	[tilespmem:$0x19B20] =	vst v63  }
0x84: {  	s18 =	sadd.s32 $0x5F00, s15;
	s19 =	sadd.s32 $0x2800, s1  }
0x85: {  	[spmem:s3] =	stream.indirect.scatter.add.f32 [tilespmem:s18], [sflag:$0x2], $0x20, s19, s17, $0xb8;
	[tilespmem:$0x19B20] =	vst v63  }
0x86: {  	s20 =	sadd.s32 $0x6F00, s15;
	s21 =	sadd.s32 $0x2880, s1  }
0x87: {  	[spmem:s3] =	stream.indirect.scatter.add.f32 [tilespmem:s20], [sflag:$0x2], $0x20, s21, s17, $0xb8;
	[tilespmem:$0x19B20] =	vst v63  }
0x88: {  	_ =	swait.ge [sflag:s23], $0x1000  }
0x89: {  	[sflag:s23] =	ssyncset.done $0x0  }
0x8a: {  	[sflag:s23] =	ssyncadd.s32 $0xFFFFF000  }
0x8b: {  	_ =	swait.ge [sflag:s23], $0x1000  }
0x8c: {  	[sflag:s23] =	ssyncset.done $0x0  }
0x8d: {  	[sflag:s23] =	ssyncadd.s32 $0xFFFFF000  }
0x8e: {  	_ =	swait.ge [sflag:s23], $0x1000  }
0x8f: {  	[sflag:s23] =	ssyncset.done $0x0  }
0x90: {  	[sflag:s23] =	ssyncadd.s32 $0xFFFFF000  }
0x91: {  	_ =	swait.ge [sflag:s22], $0x1000  }
0x92: {  	[sflag:s22] =	ssyncset.done $0x0  }
0x93: {  	[sflag:s22] =	ssyncadd.s32 $0xFFFFF000  }
0x94: {  	_ =	swait.ge [sflag:s22], $0x1000  }
0x95: {  	[sflag:s22] =	ssyncset.done $0x0  }
0x96: {  	[sflag:s22] =	ssyncadd.s32 $0xFFFFF000  }
0x97: {  	_ =	swait.ge [sflag:s22], $0x1000  }
0x98: {  	[sflag:s22] =	ssyncset.done $0x0  }
0x99: {  	s24 =	simm.s32 $0x4D00;
	s25 =	simm.s32 $0x7F00;
	[sflag:s22] =	ssyncadd.s32 $0xFFFFF000  }
0x9a: {  	[spmem:s3] =	stream.indirect.scatter.add.f32 [tilespmem:s25], [sflag:$0x2], $0x20, s24, s17, $0xb8;
	[tilespmem:$0x19B20] =	vst v63  }
0x9b: {  	_ = 	snop  }
0x9c: {  	[spmem:s3] =	stream.indirect.scatter.add.f32 [tilespmem:s28], [sflag:$0x2], $0x20, s26, s17, $0xb8;
	[tilespmem:$0x19B20] =	vst v63  }
0x9d: {  	_ = 	snop  }
0x9e: {  	[spmem:s3] =	stream.indirect.scatter.add.f32 [tilespmem:s30], [sflag:$0x2], $0x20, s29, s17, $0xb8;
	[tilespmem:$0x19B20] =	vst v63  }
0x9f: {  	_ =	swait.ge [sflag:s23], $0x1000  }
0xa0: {  	[sflag:s23] =	ssyncset.done $0x0  }
0xa1: {  	[sflag:s23] =	ssyncadd.s32 $0xFFFFF000  }
0xa2: {  	_ =	swait.ge [sflag:s23], $0x1000  }
0xa3: {  	[sflag:s23] =	ssyncset.done $0x0  }
0xa4: {  	[sflag:s23] =	ssyncadd.s32 $0xFFFFF000  }
0xa5: {  	_ =	swait.ge [sflag:s23], $0x1000  }
0xa6: {  	s0 =	simm.s32 @!p0 $0x80;
	[sflag:s23] =	ssyncset.done $0x0  }
0xa7: {  	s1 =	simm.s32 @!p0 $0x2700;
	s15 =	simm.s32 @!p0 $0x4F00;
	[sflag:s23] =	ssyncadd.s32 $0xFFFFF000  }
0xa8: {  	[tilespmem:s15], [sflag:$0x1] =	stream.indirect.gather @!p0 [spmem:s2], $0x20, s1, s0, $0xb8;
	[tilespmem:$0x19B20] =	vst v63  }
0xa9: {  	s1 =	simm.s32 @!p0 $0x1  }
0xaa: {  	_ =	swait.ge @!p0 [sflag:s1], $0x1000  }
0xab: {  	[sflag:s1] =	ssyncset.done @!p0 $0x0  }
0xac: {  	[sflag:s1] =	ssyncadd.s32 @!p0 $0xFFFFF000;
	s1 =	simm.s32 @!p0 $0x4E80  }
0xad: {  	[spmem:s3] =	stream.indirect.scatter.add.f32 @!p0 [tilespmem:s15], [sflag:$0x3], $0x20, s1, s0, $0xb8;
	[tilespmem:$0x19B20] =	vst v63  }
0xae: {  	s0 =	simm.s32 @!p0 $0x3  }
0xaf: {  	_ =	swait.ge @!p0 [sflag:s0], $0x1000  }
0xb0: {  	[sflag:s0] =	ssyncset.done @!p0 $0x0  }
0xb1: {  	[sflag:s0] =	ssyncadd.s32 @!p0 $0xFFFFF000  }
0xb2: {  	[bflag:$0x0] =	sbarrier.arrive $0xFFFF  }
0xb3: {  	[tilespmem:s16], [sflag:$0x3] =	stream.linear.gather [spmem:s11], $0x4F00, $0x38;
	[tilespmem:$0x19B20] =	vst v63  }
0xb4: {  	s31 =	sadd.s32 $0x1, s31;
	_ =	swait.ge [sflag:s14], $0x4F00  }
0xb5: {  	p1 =	sne.s32 s31, s13;
	[sflag:s14] =	ssyncset.done $0x0  }
.Ltmp2:
0xb6: {  	[sflag:s14] =	ssyncadd.s32 $0xFFFFB100;
	(pc) =	sbr.rel @p1 .LBB2_1-.Ltmp2, $4  }
0xb7: {  	[hbm4b:s12+s4] =	stream.linear.scatter [tilespmem:s16], [sflag:$0x3], $0x4F00, $0x38;
	[tilespmem:$0x19B20] =	vst v63  }
0xb8: {  	_ =	swait.ge [sflag:s14], $0x4F00  }
0xb9: {  	[sflag:s14] =	ssyncset.done $0x0  }
0xba: {  	[sflag:s14] =	ssyncadd.s32 $0xFFFFB100  }
0xbb: {  	_ =	sfence.sel $0x180000  }
0xbc: {  	[bflag:$0x0] =	sbarrier.arrive $0xFFFF  }
0xbd: {  	_ =	strace $0x9000004A  }
0xbe: {  	s0 =	stileid.u32;
	[bflag:$0x2] =	sbarrier.arrive $0xFFFF  }
0xbf: {  	p0 =	sne.s32 s0, $0x0;
	s0 =	rddreg [dreg:$0x3]  }
0xc0: {  	s0 =	sadd.s32 @!p0 $0x100000, s0  }
0xc1: {  	[sflag:s0] =	ssyncadd.tile.s32 @!p0 $0x1;
	_ =	shalt  }
.Lfunc_end2:
_tile_overlayer_lowered:
.L_overlay_start_2:
0xc2: {  	(tag) =	ssettag $0x2  }
0xc3: {  	s0 =	rddreg [dreg:$0x0];
	s2 =	stileid.u32  }
0xc4: {  	s1 =	rddreg [dreg:$0x1];
	p0 =	sne.s32 s2, $0x0  }
0xc5: {  	s3 =	rddreg [dreg:$0x2];
	[bflag:$0x3] =	sbarrier.arrive $0xFFFF;
	s2 =	simm.s32 @!p0 $0x1C03  }
0xc6: {  	[timem:s3], [sflag:s2] =	dma.local @!p0 [hbm:s0], s1  }
0xc7: {  	s0 =	simm.s32 @!p0 $0x3  }
0xc8: {  	_ =	swait.ge @!p0 [sflag:s0], s1  }
0xc9: {  	s1 =	ssub.s32 @!p0 $0x0, s1;
	[sflag:s0] =	ssyncset.done @!p0 $0x0  }
0xca: {  	[sflag:s0] =	ssyncadd.s32 @!p0 s1  }
0xcb: {  	[bflag:$0x3] =	sbarrier.arrive $0xFFFF  }
0xcc: {  	_ =	shalt  }

// kernel: kernel.7.cloned.1.call-start
scs
__scs_entry_jumppad:
0x0: {  	(pc) =	sbr.rel $0x88, $3  }
0x1: {  	(tag) =	ssettag $0x0;
	lr =	simm.s32 $0x1  }
0x2: {  	[smem:$0x3F8F] =	sst lr;
	_ =	strace $0xD0000000  }
0x3: {  	_ = 	snop  }
0x4: {  	_ = 	snop  }
0x5: {  	_ = 	snop  }
0x6: {  	_ = 	snop  }
0x7: {  	_ = 	snop  }
__scs_overlays_trampoline_lowered:
0x8: {  	[smem:$0x3F9E] =	sst s0  }
0x9: {  	[smem:$0x3F9F] =	sst s1  }
0xa: {  	[smem:$0x3FA0] =	sst s2  }
0xb: {  	[smem:$0x3FA1] =	sst s3  }
0xc: {  	[smem:$0x3FA2] =	sst s4  }
0xd: {  	[smem:$0x3FA3] =	sst s5  }
0xe: {  	[smem:$0x3FA4] =	sst s6  }
0xf: {  	[smem:$0x3FA5] =	sst s7  }
0x10: {  	[smem:$0x3FA6] =	sst s8  }
0x11: {  	[smem:$0x3FA7] =	sst s9;
	s0 =	simm.s32 @!p0 $0x0  }
0x12: {  	s1 =	sld [smem:$0x3F8D];
	s0 =	simm.s32 @p0 $0x1  }
0x13: {  	[smem:$0x3FA8] =	sst s0;
	s0 =	simm.s32 @!p1 $0x0  }
0x14: {  	s2 =	sld [smem:$0x3F8C];
	s0 =	simm.s32 @p1 $0x1  }
0x15: {  	[smem:$0x3FA9] =	sst s0;
	s0 =	simm.s32 @!p2 $0x0  }
0x16: {  	s3 =	sld [smem:$0x3FDB];
	s0 =	simm.s32 @p2 $0x1  }
0x17: {  	s4 =	simm.s32 $0x1BF5;
	[smem:$0x3FAB] =	sst s0  }
0x18: {  	s0 =	sld [smem:$0x3F8E];
	_ =	swait.ge [sflag:s4], $0x0  }
0x19: {  	s7 =	sld [smem:$0x3F8F]  }
0x1a: {  	s8 =	sadd.s32 $0xFFFFE003, lr  }
0x1b: {  	s9 =	sadd.s32 $0xFFFFFEF7, lr;
	s5 =	simm.s32 $0xFFFFFFFF;
	p2 =	slt.u32 s8, $0xFFFFF086  }
0x1c: {  	p1 =	slt.u32 s9, $0xF7A;
	s5 =	simm.s32 @!p2 $0x0  }
0x1d: {  	s5 =	simm.s32 @p1 $0x1;
	p0 =	seq.s32 s7, s2  }
0x1e: {  	s7 =	smul.u32 @!p0 $0xF7A, s2;
	p2 =	seq.s32 @!p0 s5, $0x0  }
0x1f: {  	s9 =	smul.u32 $0xF7A, s1;
	s8 =	simm.s32 @!p0 $0x1BF5;
	p2 =	por !p2, p0  }
0x20: {  	[sflag:s8] =	ssyncset.s32 @!p0 $0xFFFFF086;
	s6 =	sadd.s32 @!p0 s3, s7;
	s7 =	simm.s32 @!p0 $0x108  }
0x21: {  	s3 =	sadd.s32 s3, s9;
	s6 =	sadd.s32 @!p0 $0x88, s6;
	s7 =	simm.s32 @p2 $0x1082  }
0x22: {  	[simem:s7], [sflag:s8] =	dma.local @!p0 [hbm:s6], $0xF7A  }
0x23: {  	s9 =	sor.u32 $0xD0000000, s2;
	s6 =	simm.s32 $0x108;
	_ =	swait.ge @!p0 [sflag:s8], $0x0  }
0x24: {  	s3 =	sadd.s32 $0x88, s3;
	s6 =	simm.s32 @!p1 $0x1082;
	[sflag:s4] =	ssyncset.s32 $0xFFFFF086  }
0x25: {  	[simem:s6], [sflag:s4] =	dma.local [hbm:s3], $0xF7A  }
0x26: {  	[smem:$0x3F8F] =	sst s1;
	(tag) =	ssettag s2;
	_ =	strace s9  }
0x27: {  	s1 =	sld [smem:$0x3F9F]  }
0x28: {  	s2 =	sld [smem:$0x3FA0]  }
0x29: {  	s4 =	sld [smem:$0x3FA2]  }
0x2a: {  	p0 =	seq.s32 s5, $0x0;
	s5 =	sld [smem:$0x3FA3]  }
0x2b: {  	s6 =	sld [smem:$0x3FA4]  }
0x2c: {  	s7 =	sld [smem:$0x3FA5]  }
0x2d: {  	s3 =	simm.s32 $0x108;
	s8 =	sld [smem:$0x3FA6]  }
0x2e: {  	s3 =	simm.s32 @!p0 $0x1082;
	s9 =	sld [smem:$0x3FA7]  }
0x2f: {  	lr =	sadd.s32 s0, s3;
	s0 =	sld [smem:$0x3F9E]  }
0x30: {  	s3 =	sld [smem:$0x3FA1]  }
0x31: {  	[smem:$0x3FAA] =	sst s10  }
0x32: {  	s10 =	sld [smem:$0x3FA8];
	_ =	sdelay $0x3  }
0x33: {  	p0 =	seq.s32 s10, $0x1;
	s10 =	sld [smem:$0x3FAA];
	_ =	sdelay $0x3  }
0x34: {  	[smem:$0x3FAA] =	sst s10  }
0x35: {  	s10 =	sld [smem:$0x3FA9];
	_ =	sdelay $0x3  }
0x36: {  	p1 =	seq.s32 s10, $0x1;
	s10 =	sld [smem:$0x3FAA];
	_ =	sdelay $0x3  }
0x37: {  	[smem:$0x3FAA] =	sst s10  }
0x38: {  	s10 =	sld [smem:$0x3FAB]  }
0x39: {  	_ = 	snop;
	(pc) =	sbr.ind lr, $3  }
0x3a: {  	_ = 	snop  }
0x3b: {  	_ = 	snop  }
0x3c: {  	p2 =	seq.s32 s10, $0x1;
	s10 =	sld [smem:$0x3FAA]  }
0x3d: {  	_ =	shalt  }
0x3e: {  	_ =	shalt  }
0x3f: {  	_ =	shalt  }
0x40: {  	_ =	shalt  }
0x41: {  	_ =	shalt  }
0x42: {  	_ =	shalt  }
0x43: {  	_ =	shalt  }
0x44: {  	_ =	shalt  }
0x45: {  	_ =	shalt  }
0x46: {  	_ =	shalt  }
0x47: {  	_ =	shalt  }
0x48: {  	_ =	shalt  }
0x49: {  	_ =	shalt  }
0x4a: {  	_ =	shalt  }
0x4b: {  	_ =	shalt  }
0x4c: {  	_ =	shalt  }
0x4d: {  	_ =	shalt  }
0x4e: {  	_ =	shalt  }
0x4f: {  	_ =	shalt  }
0x50: {  	_ =	shalt  }
0x51: {  	_ =	shalt  }
0x52: {  	_ =	shalt  }
0x53: {  	_ =	shalt  }
0x54: {  	_ =	shalt  }
0x55: {  	_ =	shalt  }
0x56: {  	_ =	shalt  }
0x57: {  	_ =	shalt  }
0x58: {  	_ =	shalt  }
0x59: {  	_ =	shalt  }
0x5a: {  	_ =	shalt  }
0x5b: {  	_ =	shalt  }
0x5c: {  	_ =	shalt  }
0x5d: {  	_ =	shalt  }
0x5e: {  	_ =	shalt  }
0x5f: {  	_ =	shalt  }
0x60: {  	_ =	shalt  }
0x61: {  	_ =	shalt  }
0x62: {  	_ =	shalt  }
0x63: {  	_ =	shalt  }
0x64: {  	_ =	shalt  }
0x65: {  	_ =	shalt  }
0x66: {  	_ =	shalt  }
0x67: {  	_ =	shalt  }
0x68: {  	_ =	shalt  }
0x69: {  	_ =	shalt  }
0x6a: {  	_ =	shalt  }
0x6b: {  	_ =	shalt  }
0x6c: {  	_ =	shalt  }
0x6d: {  	_ =	shalt  }
0x6e: {  	_ =	shalt  }
0x6f: {  	_ =	shalt  }
0x70: {  	_ =	shalt  }
0x71: {  	_ =	shalt  }
0x72: {  	_ =	shalt  }
0x73: {  	_ =	shalt  }
0x74: {  	_ =	shalt  }
0x75: {  	_ =	shalt  }
0x76: {  	_ =	shalt  }
0x77: {  	_ =	shalt  }
0x78: {  	_ =	shalt  }
0x79: {  	_ =	shalt  }
0x7a: {  	_ =	shalt  }
0x7b: {  	_ =	shalt  }
0x7c: {  	_ =	shalt  }
0x7d: {  	_ =	shalt  }
0x7e: {  	_ =	shalt  }
0x7f: {  	_ =	shalt  }
0x80: {  	_ =	shalt  }
0x81: {  	_ =	shalt  }
0x82: {  	_ =	shalt  }
0x83: {  	_ =	shalt  }
0x84: {  	_ =	shalt  }
0x85: {  	_ =	shalt  }
0x86: {  	_ =	shalt  }
0x87: {  	_ =	shalt  }
.Lfunc_end0:
.L_simem_size_0:
called_computation_lowered:
.L_overlay_start_0:
0x88: {  	s2 =	sld [smem:$0x3FD9]  }
0x89: {  	s3 =	sld [smem:$0x3FFE];
	_ =	sdelay $0x1  }
0x8a: {  	s1 =	srdreg.scid  }
0x8b: {  	s0 =	sand.u32 $0x1, s1  }
0x8c: {  	s16 =	sshll.u32 s0, $0xA;
	s2 =	sadd.s32 s3, s2  }
0x8d: {  	s2 =	sadd.s32 s2, s16  }
0x8e: {  	[smem:$0x3FB6] =	sst s2  }
0x8f: {  	_ = 	snop  }
0x90: {  	(tm) =	ssettm $0x1  }
0x91: {  	s17 =	sld [smem:$0x3FFB];
	_ =	sdelay $0x3  }
0x92: {  	_ =	strace s17  }
0x93: {  	s2 =	sld [smem:$0x3FFC];
	_ =	sdelay $0x3  }
0x94: {  	_ =	strace s2  }
0x95: {  	s2 =	sld [smem:$0x3FFD];
	_ =	sdelay $0x3  }
0x96: {  	_ =	strace s2  }
0x97: {  	_ =	strace $0x8FFFFFFF  }
0x98: {  	s18 =	sld [smem:$0x3FDB];
	_ =	sdelay $0x1  }
0x99: {  	s19 =	simm.s32 $_scs_section_size  }
0x9a: {  	s4 =	simm.s32 $_size__tile_overlayer_lowered;
	s5 =	simm.s32 $_tile_overlayer_lowered  }
0x9b: {  	s22 =	simm.s32 $0x1BFF;
	s21 =	sshll.u32 s5, $0x1;
	s2 =	sadd.s32 s19, s18  }
0x9c: {  	s6 =	simm.s32 $0x0;
	s20 =	sshll.u32 s4, $0x1;
	s4 =	sadd.s32 s21, s2  }
0x9d: {  	[timem:s6], [sflag:s22] =	dma.local [hbm:s4], s20  }
0x9e: {  	_ =	swait.ge [sflag:s22], s20  }
0x9f: {  	s3 =	ssub.s32 $0x0, s20;
	[sflag:s22] =	ssyncset.done $0x0  }
0xa0: {  	[sflag:s22] =	ssyncadd.s32 s3;
	_ =	sdelay $0x1  }
0xa1: {  	s23 =	simm.s32 $0x1B8B  }
0xa2: {  	_ =	swait.ge [sflag:s23], $0x1  }
0xa3: {  	[sflag:s23] =	ssyncset.done $0x0  }
0xa4: {  	s25 =	simm.s32 $0x1B8E;
	s24 =	sld [smem:$0x3FFE];
	[sflag:s23] =	ssyncadd.s32 $0xFFFFFFFF  }
0xa5: {  	s26 =	simm.s32 $execute0_lowered;
	[smem:$0x3FD2] =	sst s25  }
0xa6: {  	s4 =	sshll.u32 s26, $0x1;
	_ =	strace $0x80000046;
	[dreg:$0x1] =	wrdreg $0xFFFFFFFF  }
0xa7: {  	s28 =	simm.s32 $_size_execute0_lowered;
	s2 =	sadd.s32 s2, s4;
	[dreg:$0x0] =	wrdreg $0x0  }
0xa8: {  	s4 =	sshll.u32 s28, $0x1;
	[dreg:$0x2] =	wrdreg s2  }
0xa9: {  	[dreg:$0x3] =	wrdreg s4  }
0xaa: {  	[dreg:$0x4] =	wrdreg $0xC0  }
0xab: {  	_ =	task [dreg:s6], $0x5FFFF  }
0xac: {  	[dreg:$0x1] =	wrdreg $0xFFFFFFFF  }
0xad: {  	[dreg:$0x0] =	wrdreg $0x60  }
0xae: {  	[dreg:$0x2] =	wrdreg s24  }
0xaf: {  	[dreg:$0x3] =	wrdreg $0x14D000  }
0xb0: {  	[dreg:$0x4] =	wrdreg $0xFE000  }
0xb1: {  	[dreg:$0x5] =	wrdreg $0x19E200  }
0xb2: {  	[dreg:$0x6] =	wrdreg $0x9  }
0xb3: {  	_ =	task.clear_ibuf [dreg:s6], $0x7FFFF;
	_ =	strace $0x90000046  }
0xb4: {  	s29 =	simm.s32 $0x9;
	_ =	strace $0x80000048  }
0xb5: {  	_ =	swait.ge [sflag:s29], $0x1  }
0xb6: {  	[sflag:s29] =	ssyncadd.s32 $0xFFFFFFFF  }
0xb7: {  	_ =	strace $0x90000048  }
0xb8: {  	_ =	sfence  }
0xb9: {  	s30 =	sld [smem:$0x0];
	_ =	sdelay $0x2  }
0xba: {  	s31 =	sshll.u32 s1, $0xD;
	s1 =	sshrl.u32 s1, $0x2  }
0xbb: {  	s3 =	sand.u32 $0x4000, s31;
	s1 =	sadd.s32 s1, s30  }
0xbc: {  	s0 =	sor.u32 s3, s0;
	s1 =	sshll.u32 s1, $0x11  }
0xbd: {  	s0 =	sor.u32 s1, s0  }
0xbe: {  	s0 =	sadd.s32 $0x8F2B, s0  }
0xbf: {  	[sflag:s0] =	ssyncadd.remote.s32 $0x1  }
0xc0: {  	_ =	sfence.sel $0xFFFF  }
0xc1: {  	[dreg:$0x0] =	wrdreg $0xFFFFFFFF;
	(pc) =	sbr.abs _section_cstart, $3  }
0xc2: {  	[dreg:$0x1] =	wrdreg $0xFFFFFFFF  }
0xc3: {  	_ =	task.clear_ibuf [dreg:s6], $0x2FFFF;
	_ =	strace $0x9FFFFFFF  }
0xc4: {  	(tm) =	ssettm $0x7FFFFFFF  }
0xc5: {  	_ =	shalt  }
tec
execute0_lowered:
.L_overlay_start_1:
0x0: {  	(tag) =	ssettag $0x1  }
0x1: {  	s2 =	rddreg [dreg:$0x0]  }
0x2: {  	s17 =	stileid.u32;
	s1 =	rddreg [dreg:$0x1]  }
0x3: {  	s0 =	srdreg.scid;
	s4 =	rddreg [dreg:$0x3]  }
0x4: {  	s5 =	simm.s32 $0x0;
	s19 =	simm.s32 $0xAF00;
	s20 =	simm.s32 $0x19BA0  }
0x5: {  	s28 =	simm.s32 $0x19B20;
	s29 =	simm.s32 $0x2;
	s30 =	simm.s32 $0x3  }
0x6: {  	s31 =	simm.s32 $0x4D00;
	s0 =	sand.u32 $0x1, s0;
	s6 =	smul.u32 $0x4E20, s17  }
0x7: {  	s3 =	sshll.u32 s17, $0x1;
	s12 =	smul.u32 $0x4F00, s17;
	[smem:$0x7FF] =	sst s5  }
0x8: {  	s13 =	smul.u32 $0x278, s17;
	p0 =	sgt.u32 s17, $0x1;
	s17 =	simm.s32 $0x4  }
0x9: {  	s7 =	sor.u32 s0, s3;
	s3 =	rddreg [dreg:$0x2];
	s9 =	smul.u32 $0x4F000, s0  }
0xa: {  	s21 =	smul.u32 $0x2780, s0;
	_ =	strace $0x80000047;
	s0 =	ssub.s32 $0x2, s0  }
0xb: {  	s8 =	smul.u32 $0x4E, s7;
	s7 =	smin.u32 s7, $0x4;
	s10 =	sshrl.u32 s6, $0x3  }
0xc: {  	s22 =	sshrl.u32 s0, $0x1;
	s11 =	sadd.s32 s6, s1;
	s10 =	sadd.s32 s10, s2  }
0xd: {  	s9 =	sadd.s32 s12, s9;
	s0 =	ssub.s32 s0, s22;
	s12 =	sadd.s32 s12, s3  }
0xe: {  	s22 =	simm.s32 $0x4E00;
	s7 =	sadd.s32 s7, s8;
	s8 =	sadd.s32 s13, s21  }
0xf: {  	s9 =	sshrl.u32 s9, $0x3;
	s26 =	sadd.s32 $0x16800, s10;
	s13 =	sadd.s32 s13, s4  }
0x10: {  	s16 =	smax.u32 s0, $0x1;
	s21 =	simm.s32 $0x80;
	s7 =	sshll.u32 s7, $0x4  }
0x11: {  	s0 =	simm.s32 $0x4D80;
	s8 =	sshrl.u32 s8, $0x3;
	s7 =	sadd.s32 s7, s2  }
0x12: {  	s14 =	sadd.s32 s9, s2;
	[dreg:$0x9] =	wrdreg s26;
	s23 =	sadd.s32 $0x2E00, s7  }
0x13: {  	s26 =	simm.s32 $0x1;
	s24 =	sadd.s32 $0xCA40, s7;
	[dreg:$0x5] =	wrdreg s23  }
0x14: {  	s2 =	sadd.s32 s8, s2;
	s25 =	sadd.s32 $0x32E0, s7;
	[dreg:$0x6] =	wrdreg s24  }
0x15: {  	s14 =	sadd.s32 $0x21000, s14;
	s7 =	sadd.s32 $0xCF20, s7;
	[dreg:$0x7] =	wrdreg s25  }
0x16: {  	v0 =	vimm.f32 $0.0e+00;
	v1 =	vimm.f32 $1.000000000e+00;
	s15 =	sadd.s32 $0x20600, s2;
	[dreg:$0x8] =	wrdreg s7;
	s24 =	simm.s32 $0x0  }
.LBB2_1:
0x17: {  	s2 =	rddreg [dreg:$0x5]  }
0x18: {  	[tilespmem:s5], [sflag:$0x4] =	stream.linear.gather [hbm4b:s2+s5], $0x2700, $0x38;
	[tilespmem:$0x1A098] =	vst v63  }
0x19: {  	_ =	swait.ge [sflag:s17], $0x2700  }
0x1a: {  	[sflag:s17] =	ssyncset.done $0x0  }
0x1b: {  	s6 =	simm.s32 $0x2780;
	s23 =	rddreg [dreg:$0x6];
	[sflag:s17] =	ssyncadd.s32 $0xFFFFD900  }
0x1c: {  	[tilespmem:s6], [sflag:$0x4] =	stream.linear.gather [hbm4b:s23+s5], $0x2700, $0x38;
	[tilespmem:$0x1A098] =	vst v63  }
0x1d: {  	_ =	swait.ge [sflag:s17], $0x2700  }
0x1e: {  	s2 =	simm.s32 @!p0 $0x0;
	[sflag:s17] =	ssyncset.done $0x0  }
0x1f: {  	s6 =	simm.s32 @!p0 $0x2700;
	s7 =	rddreg [dreg:$0x7];
	[sflag:s17] =	ssyncadd.s32 $0xFFFFD900  }
0x20: {  	[tilespmem:s6], [sflag:$0x4] =	stream.linear.gather @!p0 [hbm4b:s7+s2], $0x80, $0x38;
	[tilespmem:$0x1A098] =	vst v63  }
0x21: {  	s6 =	simm.s32 @!p0 $0x4  }
0x22: {  	_ =	swait.ge @!p0 [sflag:s6], $0x80  }
0x23: {  	[sflag:s6] =	ssyncset.done @!p0 $0x0  }
0x24: {  	s7 =	simm.s32 @!p0 $0x4E80;
	s8 =	rddreg [dreg:$0x8];
	[sflag:s6] =	ssyncadd.s32 @!p0 $0xFFFFFF80  }
0x25: {  	[tilespmem:s7], [sflag:$0x4] =	stream.linear.gather @!p0 [hbm4b:s8+s2], $0x80, $0x38;
	[tilespmem:$0x1A098] =	vst v63  }
0x26: {  	_ =	swait.ge @!p0 [sflag:s6], $0x80  }
0x27: {  	[sflag:s6] =	ssyncset.done @!p0 $0x0  }
0x28: {  	s25 =	rddreg [dreg:$0x9];
	[sflag:s6] =	ssyncadd.s32 @!p0 $0xFFFFFF80  }
0x29: {  	[tilespmem:s19], [sflag:$0x4] =	stream.linear.gather [hbm4b:s25+s5], $0x4E20, $0x38;
	[tilespmem:$0x1A098] =	vst v63  }
0x2a: {  	_ =	swait.ge [sflag:s17], $0x4E20  }
0x2b: {  	[sflag:s17] =	ssyncset.done $0x0  }
0x2c: {  	[sflag:s17] =	ssyncadd.s32 $0xFFFFB1E0  }
0x2d: {  	[spmem:s11] =	stream.linear.scatter [tilespmem:s19], [sflag:$0x4], $0x4E20, $0x38;
	[tilespmem:$0x1A098] =	vst v63  }
0x2e: {  	_ =	swait.ge [sflag:s17], $0x4E20  }
0x2f: {  	[sflag:s17] =	ssyncset.done $0x0  }
0x30: {  	s2 =	simm.s32 $0x80;
	s6 =	simm.s32 $0x0;
	[sflag:s17] =	ssyncadd.s32 $0xFFFFB1E0  }
.LBB2_2:
0x31: {  	p1 =	sne.s32 s2, $0x13B80;
	[tilespmem:s6+$0xAF00] =	vst v0;
	s7 =	smov.u32 s2;
	s2 =	sadd.s32 $0x80, s2  }
.Ltmp0:
0x32: {  	[tilespmem:s6+$0xAF10] =	vst v0;
	(pc) =	sbr.rel @p1 .LBB2_2-.Ltmp0, $2  }
0x33: {  	_ =	sdelay $0x2  }
0x34: {  	s6 =	sshra.s32 s7, $0x2  }
0x35: {  	[tilespmem:s6+$0xAF00] =	vst v0  }
0x36: {  	[tilespmem:s6+$0xAF10] =	vst v0  }
0x37: {  	[spmem:s12] =	stream.linear.scatter [tilespmem:s19], [sflag:$0x4], $0x4F00, $0x38;
	[tilespmem:$0x1A098] =	vst v63  }
0x38: {  	_ =	swait.ge [sflag:s17], $0x4F00  }
0x39: {  	[sflag:s17] =	ssyncset.done $0x0  }
0x3a: {  	[sflag:s17] =	ssyncadd.s32 $0xFFFFB100  }
0x3b: {  	[tilespmem:$0x19BA0] =	vst v0  }
0x3c: {  	[tilespmem:$0x19BB0] =	vst v0  }
0x3d: {  	[tilespmem:$0x19BC0] =	vst v0  }
0x3e: {  	[tilespmem:$0x19BD0] =	vst v0  }
0x3f: {  	[tilespmem:$0x19BE0] =	vst v0  }
0x40: {  	[tilespmem:$0x19BF0] =	vst v0  }
0x41: {  	[tilespmem:$0x19C00] =	vst v0  }
0x42: {  	[tilespmem:$0x19C10] =	vst v0  }
0x43: {  	[tilespmem:$0x19C20] =	vst v0  }
0x44: {  	[tilespmem:$0x19C30] =	vst v0  }
0x45: {  	[tilespmem:$0x19C40] =	vst v0  }
0x46: {  	[tilespmem:$0x19C50] =	vst v0  }
0x47: {  	[tilespmem:$0x19C60] =	vst v0  }
0x48: {  	[tilespmem:$0x19C70] =	vst v0  }
0x49: {  	[tilespmem:$0x19C80] =	vst v0  }
0x4a: {  	[tilespmem:$0x19C90] =	vst v0  }
0x4b: {  	[tilespmem:$0x19CA0] =	vst v0  }
0x4c: {  	[tilespmem:$0x19CB0] =	vst v0  }
0x4d: {  	[tilespmem:$0x19CC0] =	vst v0  }
0x4e: {  	[tilespmem:$0x19CD0] =	vst v0  }
0x4f: {  	[tilespmem:$0x19CE0] =	vst v0  }
0x50: {  	[tilespmem:$0x19CF0] =	vst v0  }
0x51: {  	[tilespmem:$0x19D00] =	vst v0  }
0x52: {  	[tilespmem:$0x19D10] =	vst v0  }
0x53: {  	[tilespmem:$0x19D20] =	vst v0  }
0x54: {  	[tilespmem:$0x19D30] =	vst v0  }
0x55: {  	[tilespmem:$0x19D40] =	vst v0  }
0x56: {  	[tilespmem:$0x19D50] =	vst v0  }
0x57: {  	[tilespmem:$0x19D60] =	vst v0  }
0x58: {  	[tilespmem:$0x19D70] =	vst v0  }
0x59: {  	[tilespmem:$0x19D80] =	vst v0  }
0x5a: {  	[tilespmem:$0x19D90] =	vst v0  }
0x5b: {  	[tilespmem:$0x19DA0] =	vst v0  }
0x5c: {  	[tilespmem:$0x19DB0] =	vst v0  }
0x5d: {  	[tilespmem:$0x19DC0] =	vst v0  }
0x5e: {  	[tilespmem:$0x19DD0] =	vst v0  }
0x5f: {  	[tilespmem:$0x19DE0] =	vst v0  }
0x60: {  	[tilespmem:$0x19DF0] =	vst v0  }
0x61: {  	[tilespmem:$0x19E00] =	vst v0  }
0x62: {  	[tilespmem:$0x19E10] =	vst v0  }
0x63: {  	[spmem:s13] =	stream.linear.scatter [tilespmem:s20], [sflag:$0x4], $0x278, $0x38;
	[tilespmem:$0x1A098] =	vst v63  }
0x64: {  	_ =	swait.ge [sflag:s17], $0x278  }
0x65: {  	[sflag:s17] =	ssyncset.done $0x0  }
0x66: {  	[sflag:s17] =	ssyncadd.s32 $0xFFFFFD88  }
0x67: {  	[tilespmem:$0x19B20] =	vst v1  }
0x68: {  	[tilespmem:$0x19B30] =	vst v1  }
0x69: {  	[tilespmem:$0x19B40] =	vst v1  }
0x6a: {  	[tilespmem:$0x19B50] =	vst v1  }
0x6b: {  	[tilespmem:$0x19B60] =	vst v1  }
0x6c: {  	[tilespmem:$0x19B70] =	vst v1  }
0x6d: {  	[tilespmem:$0x19B80] =	vst v1  }
0x6e: {  	s2 =	simm.s32 $0x0;
	[tilespmem:$0x19B90] =	vst v1  }
0x6f: {  	s25 =	simm.s32 $0x4F00;
	s9 =	simm.s32 $0x1;
	[bflag:$0x0] =	sbarrier.arrive $0xFFFF  }
0x70: {  	[tilespmem:s25], [sflag:$0x1] =	stream.indirect.gather [spmem:s1], $0x20, s2, s21, $0xb8;
	[tilespmem:$0x1A098] =	vst v63  }
0x71: {  	s2 =	sand.u32 $0x1, s9  }
0x72: {  	s6 =	simm.s32 $0x5F00;
	p1 =	seq.s32 s2, $0x1;
	s2 =	simm.s32 $0x3000  }
0x73: {  	[tilespmem:s6], [sflag:$0x1] =	stream.indirect.gather [spmem:s1], $0x20, s21, s21, $0xb8;
	[tilespmem:$0x1A098] =	vst v63  }
0x74: {  	s7 =	simm.s32 $0x100;
	s8 =	simm.s32 $0x6F00;
	s2 =	simm.s32 @!p1 $0x0  }
0x75: {  	[tilespmem:s8], [sflag:$0x1] =	stream.indirect.gather [spmem:s1], $0x20, s7, s21, $0xb8;
	[tilespmem:$0x1A098] =	vst v63  }
0x76: {  	s10 =	sor.u32 $0x4F00, s2;
	s7 =	simm.s32 $0x180  }
0x77: {  	[tilespmem:s10], [sflag:$0x1] =	stream.indirect.gather [spmem:s1], $0x20, s7, s21, $0xb8;
	[tilespmem:$0x1A098] =	vst v63  }
0x78: {  	s23 =	simm.s32 $0x200;
	s18 =	sadd.s32 $0x5F00, s2  }
0x79: {  	[tilespmem:s18], [sflag:$0x1] =	stream.indirect.gather [spmem:s1], $0x20, s23, s21, $0xb8;
	[tilespmem:$0x1A098] =	vst v63  }
0x7a: {  	s25 =	simm.s32 $0x280;
	s2 =	sadd.s32 $0x6F00, s2  }
0x7b: {  	[tilespmem:s2], [sflag:$0x1] =	stream.indirect.gather [spmem:s1], $0x20, s25, s21, $0xb8;
	[tilespmem:$0x1A098] =	vst v63  }
0x7c: {  	_ =	swait.ge [sflag:s26], $0x1000  }
0x7d: {  	[sflag:s26] =	ssyncset.done $0x0  }
0x7e: {  	[sflag:s26] =	ssyncadd.s32 $0xFFFFF000  }
0x7f: {  	_ =	swait.ge [sflag:s26], $0x1000  }
0x80: {  	[sflag:s26] =	ssyncset.done $0x0  }
0x81: {  	[sflag:s26] =	ssyncadd.s32 $0xFFFFF000  }
0x82: {  	s2 =	simm.s32 $0x0;
	_ =	swait.ge [sflag:s26], $0x1000  }
0x83: {  	s2 =	simm.s32 @!p1 $0x3000;
	[sflag:s26] =	ssyncset.done $0x0  }
0x84: {  	s8 =	simm.s32 $0x2780;
	s7 =	sor.u32 $0x4F00, s2;
	[sflag:s26] =	ssyncadd.s32 $0xFFFFF000  }
0x85: {  	[spmem:s3] =	stream.indirect.scatter.add.f32 [tilespmem:s7], [sflag:$0x2], $0x20, s8, s21, $0xb8;
	[tilespmem:$0x1A098] =	vst v63  }
0x86: {  	_ = 	snop  }
0x87: {  	[spmem:s4] =	stream.indirect.scatter.add.f32 [tilespmem:s28], [sflag:$0x3], $0x1, s8, s21, $0xb8;
	[tilespmem:$0x1A098] =	vst v63  }
0x88: {  	s10 =	simm.s32 $0x2800;
	s9 =	sadd.s32 $0x5F00, s2  }
0x89: {  	[spmem:s3] =	stream.indirect.scatter.add.f32 [tilespmem:s9], [sflag:$0x2], $0x20, s10, s21, $0xb8;
	[tilespmem:$0x1A098] =	vst v63  }
0x8a: {  	_ = 	snop  }
0x8b: {  	[spmem:s4] =	stream.indirect.scatter.add.f32 [tilespmem:s28], [sflag:$0x3], $0x1, s10, s21, $0xb8;
	[tilespmem:$0x1A098] =	vst v63  }
0x8c: {  	s18 =	simm.s32 $0x2880;
	s2 =	sadd.s32 $0x6F00, s2  }
0x8d: {  	[spmem:s3] =	stream.indirect.scatter.add.f32 [tilespmem:s2], [sflag:$0x2], $0x20, s18, s21, $0xb8;
	[tilespmem:$0x1A098] =	vst v63  }
0x8e: {  	_ = 	snop  }
0x8f: {  	[spmem:s4] =	stream.indirect.scatter.add.f32 [tilespmem:s28], [sflag:$0x3], $0x1, s18, s21, $0xb8;
	[tilespmem:$0x1A098] =	vst v63  }
0x90: {  	_ =	swait.ge [sflag:s29], $0x1000  }
0x91: {  	[sflag:s29] =	ssyncset.done $0x0  }
0x92: {  	[sflag:s29] =	ssyncadd.s32 $0xFFFFF000  }
0x93: {  	_ =	swait.ge [sflag:s30], $0x80  }
0x94: {  	[sflag:s30] =	ssyncset.done $0x0  }
0x95: {  	[sflag:s30] =	ssyncadd.s32 $0xFFFFFF80  }
0x96: {  	_ =	swait.ge [sflag:s29], $0x1000  }
0x97: {  	[sflag:s29] =	ssyncset.done $0x0  }
0x98: {  	[sflag:s29] =	ssyncadd.s32 $0xFFFFF000  }
0x99: {  	_ =	swait.ge [sflag:s30], $0x80  }
0x9a: {  	[sflag:s30] =	ssyncset.done $0x0  }
0x9b: {  	s25 =	simm.s32 $0x2;
	[sflag:s30] =	ssyncadd.s32 $0xFFFFFF80  }
0x9c: {  	s23 =	sand.u32 $0x1, s25;
	_ =	swait.ge [sflag:s29], $0x1000  }
0x9d: {  	p1 =	seq.s32 s23, $0x1;
	[sflag:s29] =	ssyncset.done $0x0  }
0x9e: {  	s23 =	simm.s32 $0x0;
	s7 =	simm.s32 $0x3000;
	[sflag:s29] =	ssyncadd.s32 $0xFFFFF000  }
0x9f: {  	s23 =	simm.s32 @!p1 $0x3000;
	s7 =	simm.s32 @!p1 $0x0;
	_ =	swait.ge [sflag:s30], $0x80  }
0xa0: {  	s2 =	simm.s32 $0x180;
	s18 =	simm.s32 $0xC00;
	[sflag:s30] =	ssyncset.done $0x0  }
.LBB2_4:
0xa1: {  	s8 =	sor.u32 $0x4F00, s7  }
0xa2: {  	s9 =	sadd.s32 $0x180, s2;
	[sflag:s30] =	ssyncadd.s32 $0xFFFFFF80;
	s6 =	smov.u32 s18  }
0xa3: {  	[tilespmem:s8], [sflag:$0x1] =	stream.indirect.gather [spmem:s1], $0x20, s9, s21, $0xb8;
	[tilespmem:$0x1A098] =	vst v63  }
0xa4: {  	s10 =	sadd.s32 $0x200, s2;
	s8 =	sadd.s32 $0x600, s18;
	s9 =	sadd.s32 $0x5F00, s7  }
0xa5: {  	[tilespmem:s9], [sflag:$0x1] =	stream.indirect.gather [spmem:s1], $0x20, s10, s21, $0xb8;
	[tilespmem:$0x1A098] =	vst v63  }
0xa6: {  	p1 =	sne.s32 s18, $0x9000;
	s7 =	sadd.s32 $0x6F00, s7;
	s9 =	sadd.s32 $0x280, s2  }
0xa7: {  	[tilespmem:s7], [sflag:$0x1] =	stream.indirect.gather [spmem:s1], $0x20, s9, s21, $0xb8;
	[tilespmem:$0x1A098] =	vst v63  }
0xa8: {  	_ =	swait.ge [sflag:s26], $0x1000  }
0xa9: {  	[sflag:s26] =	ssyncset.done $0x0  }
0xaa: {  	[sflag:s26] =	ssyncadd.s32 $0xFFFFF000  }
0xab: {  	_ =	swait.ge [sflag:s26], $0x1000  }
0xac: {  	[sflag:s26] =	ssyncset.done $0x0  }
0xad: {  	[sflag:s26] =	ssyncadd.s32 $0xFFFFF000  }
0xae: {  	_ =	swait.ge [sflag:s26], $0x1000  }
0xaf: {  	[sflag:s26] =	ssyncset.done $0x0  }
0xb0: {  	s7 =	sor.u32 $0x4F00, s23;
	s9 =	sadd.s32 $0x2780, s2;
	[sflag:s26] =	ssyncadd.s32 $0xFFFFF000  }
0xb1: {  	[spmem:s3] =	stream.indirect.scatter.add.f32 [tilespmem:s7], [sflag:$0x2], $0x20, s9, s21, $0xb8;
	[tilespmem:$0x1A098] =	vst v63  }
0xb2: {  	_ = 	snop  }
0xb3: {  	[spmem:s4] =	stream.indirect.scatter.add.f32 [tilespmem:s28], [sflag:$0x3], $0x1, s9, s21, $0xb8;
	[tilespmem:$0x1A098] =	vst v63  }
0xb4: {  	s7 =	sadd.s32 $0x5F00, s23;
	s9 =	sadd.s32 $0x2800, s2  }
0xb5: {  	[spmem:s3] =	stream.indirect.scatter.add.f32 [tilespmem:s7], [sflag:$0x2], $0x20, s9, s21, $0xb8;
	[tilespmem:$0x1A098] =	vst v63  }
0xb6: {  	_ = 	snop  }
0xb7: {  	[spmem:s4] =	stream.indirect.scatter.add.f32 [tilespmem:s28], [sflag:$0x3], $0x1, s9, s21, $0xb8;
	[tilespmem:$0x1A098] =	vst v63  }
0xb8: {  	s2 =	sadd.s32 $0x2880, s2;
	s7 =	sadd.s32 $0x6F00, s23  }
0xb9: {  	[spmem:s3] =	stream.indirect.scatter.add.f32 [tilespmem:s7], [sflag:$0x2], $0x20, s2, s21, $0xb8;
	[tilespmem:$0x1A098] =	vst v63  }
0xba: {  	_ = 	snop  }
0xbb: {  	[spmem:s4] =	stream.indirect.scatter.add.f32 [tilespmem:s28], [sflag:$0x3], $0x1, s2, s21, $0xb8;
	[tilespmem:$0x1A098] =	vst v63  }
0xbc: {  	_ =	swait.ge [sflag:s29], $0x1000  }
0xbd: {  	[sflag:s29] =	ssyncset.done $0x0  }
0xbe: {  	[sflag:s29] =	ssyncadd.s32 $0xFFFFF000  }
0xbf: {  	_ =	swait.ge [sflag:s30], $0x80  }
0xc0: {  	[sflag:s30] =	ssyncset.done $0x0  }
0xc1: {  	[sflag:s30] =	ssyncadd.s32 $0xFFFFFF80  }
0xc2: {  	_ =	swait.ge [sflag:s29], $0x1000  }
0xc3: {  	[sflag:s29] =	ssyncset.done $0x0  }
0xc4: {  	[sflag:s29] =	ssyncadd.s32 $0xFFFFF000  }
0xc5: {  	_ =	swait.ge [sflag:s30], $0x80  }
0xc6: {  	[sflag:s30] =	ssyncset.done $0x0  }
0xc7: {  	[sflag:s30] =	ssyncadd.s32 $0xFFFFFF80  }
.Ltmp1:
0xc8: {  	s25 =	sadd.s32 $0x1, s25;
	_ =	swait.ge [sflag:s29], $0x1000;
	(pc) =	sbr.rel @p1 .LBB2_4-.Ltmp1, $4  }
0xc9: {  	s18 =	smov.u32 s8;
	s23 =	simm.s32 $0x0;
	[sflag:s29] =	ssyncset.done $0x0  }
0xca: {  	s7 =	simm.s32 $0x3000;
	s2 =	sand.u32 $0x1, s25;
	[sflag:s29] =	ssyncadd.s32 $0xFFFFF000  }
0xcb: {  	p2 =	seq.s32 s2, $0x1;
	s2 =	sshra.s32 s6, $0x2;
	_ =	swait.ge [sflag:s30], $0x80  }
0xcc: {  	s7 =	simm.s32 @!p2 $0x0;
	s23 =	simm.s32 @!p2 $0x3000;
	[sflag:s30] =	ssyncset.done $0x0  }
0xcd: {  	s6 =	sor.u32 $0x4F00, s7;
	s8 =	sadd.s32 $0x180, s2;
	[sflag:s30] =	ssyncadd.s32 $0xFFFFFF80  }
0xce: {  	[tilespmem:s6], [sflag:$0x1] =	stream.indirect.gather [spmem:s1], $0x20, s8, s21, $0xb8;
	[tilespmem:$0x1A098] =	vst v63  }
0xcf: {  	s18 =	sadd.s32 $0x5F00, s7;
	s25 =	sadd.s32 $0x200, s2  }
0xd0: {  	[tilespmem:s18], [sflag:$0x1] =	stream.indirect.gather [spmem:s1], $0x20, s25, s21, $0xb8;
	[tilespmem:$0x1A098] =	vst v63  }
0xd1: {  	s9 =	sadd.s32 $0x6F00, s7;
	s10 =	sadd.s32 $0x280, s2  }
0xd2: {  	[tilespmem:s9], [sflag:$0x1] =	stream.indirect.gather [spmem:s1], $0x20, s10, s21, $0xb8;
	[tilespmem:$0x1A098] =	vst v63  }
0xd3: {  	_ =	swait.ge [sflag:s26], $0x1000  }
0xd4: {  	[sflag:s26] =	ssyncset.done $0x0  }
0xd5: {  	[sflag:s26] =	ssyncadd.s32 $0xFFFFF000  }
0xd6: {  	_ =	swait.ge [sflag:s26], $0x1000  }
0xd7: {  	[sflag:s26] =	ssyncset.done $0x0  }
0xd8: {  	[sflag:s26] =	ssyncadd.s32 $0xFFFFF000  }
0xd9: {  	_ =	swait.ge [sflag:s26], $0x1000  }
0xda: {  	[sflag:s26] =	ssyncset.done $0x0  }
0xdb: {  	s18 =	sor.u32 $0x4F00, s23;
	s25 =	sadd.s32 $0x2780, s2;
	[sflag:s26] =	ssyncadd.s32 $0xFFFFF000  }
0xdc: {  	[spmem:s3] =	stream.indirect.scatter.add.f32 [tilespmem:s18], [sflag:$0x2], $0x20, s25, s21, $0xb8;
	[tilespmem:$0x1A098] =	vst v63  }
0xdd: {  	_ = 	snop  }
0xde: {  	[spmem:s4] =	stream.indirect.scatter.add.f32 [tilespmem:s28], [sflag:$0x3], $0x1, s25, s21, $0xb8;
	[tilespmem:$0x1A098] =	vst v63  }
0xdf: {  	s7 =	sadd.s32 $0x5F00, s23;
	s8 =	sadd.s32 $0x2800, s2  }
0xe0: {  	[spmem:s3] =	stream.indirect.scatter.add.f32 [tilespmem:s7], [sflag:$0x2], $0x20, s8, s21, $0xb8;
	[tilespmem:$0x1A098] =	vst v63  }
0xe1: {  	_ = 	snop  }
0xe2: {  	[spmem:s4] =	stream.indirect.scatter.add.f32 [tilespmem:s28], [sflag:$0x3], $0x1, s8, s21, $0xb8;
	[tilespmem:$0x1A098] =	vst v63  }
0xe3: {  	s9 =	sadd.s32 $0x6F00, s23;
	s10 =	sadd.s32 $0x2880, s2  }
0xe4: {  	[spmem:s3] =	stream.indirect.scatter.add.f32 [tilespmem:s9], [sflag:$0x2], $0x20, s10, s21, $0xb8;
	[tilespmem:$0x1A098] =	vst v63  }
0xe5: {  	_ = 	snop  }
0xe6: {  	[spmem:s4] =	stream.indirect.scatter.add.f32 [tilespmem:s28], [sflag:$0x3], $0x1, s10, s21, $0xb8;
	[tilespmem:$0x1A098] =	vst v63  }
0xe7: {  	_ =	swait.ge [sflag:s29], $0x1000  }
0xe8: {  	[sflag:s29] =	ssyncset.done $0x0  }
0xe9: {  	[sflag:s29] =	ssyncadd.s32 $0xFFFFF000  }
0xea: {  	_ =	swait.ge [sflag:s30], $0x80  }
0xeb: {  	[sflag:s30] =	ssyncset.done $0x0  }
0xec: {  	[sflag:s30] =	ssyncadd.s32 $0xFFFFFF80  }
0xed: {  	_ =	swait.ge [sflag:s29], $0x1000  }
0xee: {  	[sflag:s29] =	ssyncset.done $0x0  }
0xef: {  	[sflag:s29] =	ssyncadd.s32 $0xFFFFF000  }
0xf0: {  	_ =	swait.ge [sflag:s30], $0x80  }
0xf1: {  	[sflag:s30] =	ssyncset.done $0x0  }
0xf2: {  	[sflag:s30] =	ssyncadd.s32 $0xFFFFFF80  }
0xf3: {  	_ =	swait.ge [sflag:s29], $0x1000  }
0xf4: {  	[sflag:s29] =	ssyncset.done $0x0  }
0xf5: {  	[sflag:s29] =	ssyncadd.s32 $0xFFFFF000  }
0xf6: {  	_ =	swait.ge [sflag:s30], $0x80  }
0xf7: {  	[sflag:s30] =	ssyncset.done $0x0  }
0xf8: {  	[sflag:s30] =	ssyncadd.s32 $0xFFFFFF80  }
0xf9: {  	_ =	swait.ge [sflag:s26], $0x1000  }
0xfa: {  	[sflag:s26] =	ssyncset.done $0x0  }
0xfb: {  	[sflag:s26] =	ssyncadd.s32 $0xFFFFF000  }
0xfc: {  	_ =	swait.ge [sflag:s26], $0x1000  }
0xfd: {  	[sflag:s26] =	ssyncset.done $0x0  }
0xfe: {  	[sflag:s26] =	ssyncadd.s32 $0xFFFFF000  }
0xff: {  	_ =	swait.ge [sflag:s26], $0x1000  }
0x100: {  	[sflag:s26] =	ssyncset.done $0x0  }
0x101: {  	s18 =	simm.s32 $0x7F00;
	[sflag:s26] =	ssyncadd.s32 $0xFFFFF000  }
0x102: {  	[spmem:s3] =	stream.indirect.scatter.add.f32 [tilespmem:s18], [sflag:$0x2], $0x20, s31, s21, $0xb8;
	[tilespmem:$0x1A098] =	vst v63  }
0x103: {  	_ = 	snop  }
0x104: {  	[spmem:s4] =	stream.indirect.scatter.add.f32 [tilespmem:s28], [sflag:$0x3], $0x1, s31, s21, $0xb8;
	[tilespmem:$0x1A098] =	vst v63  }
0x105: {  	s23 =	simm.s32 $0x8F00  }
0x106: {  	[spmem:s3] =	stream.indirect.scatter.add.f32 [tilespmem:s23], [sflag:$0x2], $0x20, s0, s21, $0xb8;
	[tilespmem:$0x1A098] =	vst v63  }
0x107: {  	_ = 	snop  }
0x108: {  	[spmem:s4] =	stream.indirect.scatter.add.f32 [tilespmem:s28], [sflag:$0x3], $0x1, s0, s21, $0xb8;
	[tilespmem:$0x1A098] =	vst v63  }
0x109: {  	s25 =	simm.s32 $0x9F00  }
0x10a: {  	[spmem:s3] =	stream.indirect.scatter.add.f32 [tilespmem:s25], [sflag:$0x2], $0x20, s22, s21, $0xb8;
	[tilespmem:$0x1A098] =	vst v63  }
0x10b: {  	_ = 	snop  }
0x10c: {  	[spmem:s4] =	stream.indirect.scatter.add.f32 [tilespmem:s28], [sflag:$0x3], $0x1, s22, s21, $0xb8;
	[tilespmem:$0x1A098] =	vst v63  }
0x10d: {  	_ =	swait.ge [sflag:s29], $0x1000  }
0x10e: {  	[sflag:s29] =	ssyncset.done $0x0  }
0x10f: {  	[sflag:s29] =	ssyncadd.s32 $0xFFFFF000  }
0x110: {  	_ =	swait.ge [sflag:s30], $0x80  }
0x111: {  	[sflag:s30] =	ssyncset.done $0x0  }
0x112: {  	[sflag:s30] =	ssyncadd.s32 $0xFFFFFF80  }
0x113: {  	_ =	swait.ge [sflag:s29], $0x1000  }
0x114: {  	[sflag:s29] =	ssyncset.done $0x0  }
0x115: {  	[sflag:s29] =	ssyncadd.s32 $0xFFFFF000  }
0x116: {  	_ =	swait.ge [sflag:s30], $0x80  }
0x117: {  	[sflag:s30] =	ssyncset.done $0x0  }
0x118: {  	[sflag:s30] =	ssyncadd.s32 $0xFFFFFF80  }
0x119: {  	_ =	swait.ge [sflag:s29], $0x1000  }
0x11a: {  	[sflag:s29] =	ssyncset.done $0x0  }
0x11b: {  	[sflag:s29] =	ssyncadd.s32 $0xFFFFF000  }
0x11c: {  	_ =	swait.ge [sflag:s30], $0x80  }
0x11d: {  	s6 =	simm.s32 @!p0 $0x2700;
	[sflag:s30] =	ssyncset.done $0x0  }
0x11e: {  	s2 =	simm.s32 @!p0 $0x80;
	s7 =	simm.s32 @!p0 $0x4F00;
	[sflag:s30] =	ssyncadd.s32 $0xFFFFFF80  }
0x11f: {  	[tilespmem:s7], [sflag:$0x1] =	stream.indirect.gather @!p0 [spmem:s1], $0x20, s6, s2, $0xb8;
	[tilespmem:$0x1A098] =	vst v63  }
0x120: {  	s6 =	simm.s32 @!p0 $0x1  }
0x121: {  	_ =	swait.ge @!p0 [sflag:s6], $0x1000  }
0x122: {  	[sflag:s6] =	ssyncset.done @!p0 $0x0  }
0x123: {  	[sflag:s6] =	ssyncadd.s32 @!p0 $0xFFFFF000;
	s6 =	simm.s32 @!p0 $0x4E80  }
0x124: {  	[spmem:s3] =	stream.indirect.scatter.add.f32 @!p0 [tilespmem:s7], [sflag:$0x4], $0x20, s6, s2, $0xb8;
	[tilespmem:$0x1A098] =	vst v63  }
0x125: {  	s7 =	simm.s32 @!p0 $0x4  }
0x126: {  	_ =	swait.ge @!p0 [sflag:s7], $0x1000  }
0x127: {  	[sflag:s7] =	ssyncset.done @!p0 $0x0  }
0x128: {  	s8 =	simm.s32 @!p0 $0x19B20;
	[sflag:s7] =	ssyncadd.s32 @!p0 $0xFFFFF000  }
0x129: {  	[spmem:s4] =	stream.indirect.scatter.add.f32 @!p0 [tilespmem:s8], [sflag:$0x4], $0x1, s6, s2, $0xb8;
	[tilespmem:$0x1A098] =	vst v63  }
0x12a: {  	_ =	swait.ge @!p0 [sflag:s7], $0x80  }
0x12b: {  	[sflag:s7] =	ssyncset.done @!p0 $0x0  }
0x12c: {  	[sflag:s7] =	ssyncadd.s32 @!p0 $0xFFFFFF80  }
0x12d: {  	[bflag:$0x0] =	sbarrier.arrive $0xFFFF  }
0x12e: {  	[tilespmem:s19], [sflag:$0x4] =	stream.linear.gather [spmem:s12], $0x4F00, $0x38;
	[tilespmem:$0x1A098] =	vst v63  }
0x12f: {  	_ =	swait.ge [sflag:s17], $0x4F00  }
0x130: {  	[sflag:s17] =	ssyncset.done $0x0  }
0x131: {  	[sflag:s17] =	ssyncadd.s32 $0xFFFFB100  }
0x132: {  	[hbm4b:s14+s5] =	stream.linear.scatter [tilespmem:s19], [sflag:$0x4], $0x4F00, $0x38;
	[tilespmem:$0x1A098] =	vst v63  }
0x133: {  	_ =	swait.ge [sflag:s17], $0x4F00  }
0x134: {  	[sflag:s17] =	ssyncset.done $0x0  }
0x135: {  	[sflag:s17] =	ssyncadd.s32 $0xFFFFB100  }
0x136: {  	[tilespmem:s20], [sflag:$0x4] =	stream.linear.gather [spmem:s13], $0x278, $0x38;
	[tilespmem:$0x1A098] =	vst v63  }
0x137: {  	s24 =	sadd.s32 $0x1, s24;
	_ =	swait.ge [sflag:s17], $0x278  }
0x138: {  	p1 =	sne.s32 s24, s16;
	[sflag:s17] =	ssyncset.done $0x0  }
.Ltmp2:
0x139: {  	[sflag:s17] =	ssyncadd.s32 $0xFFFFFD88;
	(pc) =	sbr.rel @p1 .LBB2_1-.Ltmp2, $4  }
0x13a: {  	[hbm4b:s15+s5] =	stream.linear.scatter [tilespmem:s20], [sflag:$0x4], $0x278, $0x38;
	[tilespmem:$0x1A098] =	vst v63  }
0x13b: {  	_ =	swait.ge [sflag:s17], $0x278  }
0x13c: {  	[sflag:s17] =	ssyncset.done $0x0  }
0x13d: {  	[sflag:s17] =	ssyncadd.s32 $0xFFFFFD88  }
0x13e: {  	_ =	sfence.sel $0x180000  }
0x13f: {  	[bflag:$0x0] =	sbarrier.arrive $0xFFFF  }
0x140: {  	_ =	strace $0x90000047  }
0x141: {  	s0 =	stileid.u32;
	[bflag:$0x2] =	sbarrier.arrive $0xFFFF  }
0x142: {  	p0 =	sne.s32 s0, $0x0;
	s0 =	rddreg [dreg:$0x4]  }
0x143: {  	s0 =	sadd.s32 @!p0 $0x100000, s0  }
0x144: {  	[sflag:s0] =	ssyncadd.tile.s32 @!p0 $0x1;
	_ =	shalt  }
.Lfunc_end2:
_tile_overlayer_lowered:
.L_overlay_start_2:
0x145: {  	(tag) =	ssettag $0x2  }
0x146: {  	s0 =	rddreg [dreg:$0x0];
	s2 =	stileid.u32  }
0x147: {  	s1 =	rddreg [dreg:$0x1];
	p0 =	sne.s32 s2, $0x0  }
0x148: {  	s3 =	rddreg [dreg:$0x2];
	[bflag:$0x3] =	sbarrier.arrive $0xFFFF;
	s2 =	simm.s32 @!p0 $0x1C04  }
0x149: {  	[timem:s3], [sflag:s2] =	dma.local @!p0 [hbm:s0], s1  }
0x14a: {  	s0 =	simm.s32 @!p0 $0x4  }
0x14b: {  	_ =	swait.ge @!p0 [sflag:s0], s1  }
0x14c: {  	s1 =	ssub.s32 @!p0 $0x0, s1;
	[sflag:s0] =	ssyncset.done @!p0 $0x0  }
0x14d: {  	[sflag:s0] =	ssyncadd.s32 @!p0 s1  }
0x14e: {  	[bflag:$0x3] =	sbarrier.arrive $0xFFFF  }
0x14f: {  	_ =	shalt  }

</sc_bundles>
